<compile_context>
chip_gen: v7x
topology: tpu7x:2x2x1
jax: 0.10.2.dev20260603
libtpu: 0.0.44.dev20260713+nightly
codegen_flags: <defaults>
</compile_context>

<pallas_src>
import jax
import jax.numpy as jnp
from jax import lax
from jax.experimental import pallas as pl
from jax.experimental.pallas import tpu as pltpu
from jax.experimental.pallas import tpu_sc as plsc

N = 10000
E = 320000
D = 128
HD = D // 2
OUT = 11

NC = 2
NS = 16
NW = NC * NS
DCH0 = 80
K = 128
NCHS = 157
EPAD = NS * NCHS * K - E
NPAD = 10240
DPT = NPAD // NS
ZR = 128
DW = 16

RB = 1000
GRID = N // RB



def _deg_body(dst_hbm, deg_out, dst_v, ones_v, zv, deg_sh):
    c = lax.axis_index("c")
    s = lax.axis_index("s")

    def fill_ones(i, carry):
        ones_v[i, pl.ds(0, DW)] = jnp.ones((DW,), jnp.float32)
        return carry

    lax.fori_loop(0, K, fill_ones, 0)

    def fill_zero(i, carry):
        zv[i, pl.ds(0, DW)] = jnp.zeros((DW,), jnp.float32)
        return carry

    lax.fori_loop(0, DPT, fill_zero, 0)
    pltpu.sync_copy(zv, deg_sh.at[pl.ds(s * DPT, DPT)])

    def chunk(j, carry):
        pltpu.sync_copy(ones_v, deg_sh.at[dst_v.at[j]], add=True)
        return carry

    @pl.when(c == 0)
    def _():
        pltpu.sync_copy(dst_hbm.at[s, pl.ds(0, DCH0)], dst_v)
        plsc.subcore_barrier()
        lax.fori_loop(0, DCH0, chunk, 0)

    @pl.when(c == 1)
    def _():
        pltpu.sync_copy(dst_hbm.at[s, pl.ds(DCH0, NCHS - DCH0)],
                        dst_v.at[pl.ds(0, NCHS - DCH0)])
        plsc.subcore_barrier()
        lax.fori_loop(0, NCHS - DCH0, chunk, 0)

    plsc.subcore_barrier()
    pltpu.sync_copy(deg_sh.at[pl.ds(s * DPT, DPT)],
                    deg_out.at[c, pl.ds(s * DPT, DPT)])


def _scatter_body(g_hbm, src_hbm, dst_hbm, acc_out,
                  src_v, dst_v, r0, r1, r2, r3, zbuf, acc_sh,
                  g0, g1, g2, g3, s0, s1, s2, s3):
    c = lax.axis_index("c")
    s = lax.axis_index("s")
    rs = (r0, r1, r2, r3)
    gsem = (g0, g1, g2, g3)
    ssem = (s0, s1, s2, s3)

    def zrow(i, carry):
        for l in range(HD // 16):
            zbuf[i, pl.ds(l * 16, 16)] = jnp.zeros((16,), jnp.float32)
        return carry

    lax.fori_loop(0, ZR, zrow, 0)
    for i in range(DPT // ZR):
        pltpu.sync_copy(zbuf, acc_sh.at[pl.ds(s * DPT + i * ZR, ZR)])
    pltpu.sync_copy(src_hbm.at[s], src_v)
    pltpu.sync_copy(dst_hbm.at[s], dst_v)
    plsc.subcore_barrier()

    gsrc = g_hbm.at[c]

    def gather(j, b):
        pltpu.async_copy(gsrc.at[src_v.at[j]], rs[b], gsem[b])

    def gwait(b):
        pltpu.make_async_copy(gsrc.at[src_v.at[0]], rs[b], gsem[b]).wait()

    def scat(j, b):
        pltpu.async_copy(rs[b], acc_sh.at[dst_v.at[j]], ssem[b], add=True)

    def swait(b):
        pltpu.make_async_copy(rs[b], acc_sh.at[dst_v.at[0]], ssem[b]).wait()

    gather(0, 0)
    gather(1, 1)
    gather(2, 2)
    gwait(0)
    scat(0, 0)
    gather(3, 3)

    def quad(p, carry):
        for b4 in range(4):
            j = 4 * p + 1 + b4
            gwait((1 + b4) % 4)
            scat(j, (1 + b4) % 4)
            swait(b4)
            gather(j + 3, b4)
        return carry

    lax.fori_loop(0, (NCHS - 5) // 4, quad, 0)
    j = NCHS - 4
    gwait(j % 4)
    scat(j, j % 4)
    swait((j + 3) % 4)
    gather(j + 3, (j + 3) % 4)
    for j in range(NCHS - 3, NCHS):
        gwait(j % 4)
        scat(j, j % 4)
    for b in range(4):
        swait(b)
    plsc.subcore_barrier()
    for i in range(DPT // ZR):
        pltpu.sync_copy(acc_sh.at[pl.ds(s * DPT + i * ZR, ZR)],
                        acc_out.at[c, pl.ds(s * DPT + i * ZR, ZR)])


def _sc_mesh():
    return plsc.VectorSubcoreMesh(core_axis_name="c", subcore_axis_name="s",
                                  num_cores=NC, num_subcores=NS)


def _deg_call(dst_r):
    f = pl.kernel(
        _deg_body,
        out_type=jax.ShapeDtypeStruct((NC, NPAD, DW), jnp.float32),
        mesh=_sc_mesh(),
        compiler_params=pltpu.CompilerParams(use_tc_tiling_on_sc=False),
        scratch_types=[
            pltpu.VMEM((DCH0, K), jnp.int32),
            pltpu.VMEM((K, DW), jnp.float32),
            pltpu.VMEM((DPT, DW), jnp.float32),
            pltpu.VMEM_SHARED((NPAD, DW), jnp.float32),
        ],
    )
    return f(dst_r)


def _scatter_call(g, src_r, dst_r):
    f = pl.kernel(
        _scatter_body,
        out_type=jax.ShapeDtypeStruct((NC, NPAD, HD), jnp.float32),
        mesh=_sc_mesh(),
        compiler_params=pltpu.CompilerParams(use_tc_tiling_on_sc=False),
        scratch_types=[
            pltpu.VMEM((NCHS, K), jnp.int32),
            pltpu.VMEM((NCHS, K), jnp.int32),
            pltpu.VMEM((K, HD), jnp.float32),
            pltpu.VMEM((K, HD), jnp.float32),
            pltpu.VMEM((K, HD), jnp.float32),
            pltpu.VMEM((K, HD), jnp.float32),
            pltpu.VMEM((ZR, HD), jnp.float32),
            pltpu.VMEM_SHARED((NPAD, HD), jnp.float32),
        ] + [pltpu.SemaphoreType.DMA] * 8,
    )
    return f(g, src_r, dst_r)



def _l1_body(dg, x, w, o):
    dinv = lax.rsqrt(dg[0, :, 0:1] + dg[1, :, 0:1] + 1.0)
    h = jnp.dot(x[...], w[...], preferred_element_type=jnp.float32) * dinv
    o[0] = h[:, :HD]
    o[1] = h[:, HD:]


def _l2_body(dg, acc, g, b, w, o):
    dinv = lax.rsqrt(dg[0, :, 0:1] + dg[1, :, 0:1] + 1.0)
    agg = jnp.concatenate([acc[0] + g[0], acc[1] + g[1]], axis=-1)
    h = jnp.maximum(agg * dinv + b[...], 0.0)
    t = jnp.dot(h, w[...], preferred_element_type=jnp.float32) * dinv
    o[0] = t[:, :HD]
    o[1] = t[:, HD:]


def _out_body(dg, acc, g, b, wfc, bfc, o):
    dinv = lax.rsqrt(dg[0, :, 0:1] + dg[1, :, 0:1] + 1.0)
    agg = jnp.concatenate([acc[0] + g[0], acc[1] + g[1]], axis=-1)
    h = jnp.maximum(agg * dinv + b[...], 0.0)
    res = jnp.dot(h, wfc[...], preferred_element_type=jnp.float32) + bfc[...]
    o[...] = res[:, :OUT]


_DEG_SPEC = pl.BlockSpec((NC, RB, DW), lambda i: (0, i, 0))
_ROW_SPEC = pl.BlockSpec((RB, D), lambda i: (i, 0))
_W_SPEC = pl.BlockSpec((D, D), lambda i: (0, 0))
_B_SPEC = pl.BlockSpec((1, D), lambda i: (0, 0))
_SPLIT_SPEC = pl.BlockSpec((NC, RB, HD), lambda i: (0, i, 0))
_O_SPEC = pl.BlockSpec((RB, D), lambda i: (i, 0))


def _l1_call(dg, x, w):
    return pl.pallas_call(
        _l1_body,
        grid=(GRID,),
        in_specs=[_DEG_SPEC, _ROW_SPEC, _W_SPEC],
        out_specs=_SPLIT_SPEC,
        out_shape=jax.ShapeDtypeStruct((NC, N, HD), jnp.float32),
    )(dg, x, w)


def _l2_call(dg, acc, g, b, w):
    return pl.pallas_call(
        _l2_body,
        grid=(GRID,),
        in_specs=[_DEG_SPEC, _SPLIT_SPEC, _SPLIT_SPEC, _B_SPEC, _W_SPEC],
        out_specs=_SPLIT_SPEC,
        out_shape=jax.ShapeDtypeStruct((NC, N, HD), jnp.float32),
    )(dg, acc, g, b, w)


def _out_call(dg, acc, g, b, wfc, bfc):
    return pl.pallas_call(
        _out_body,
        grid=(GRID,),
        in_specs=[_DEG_SPEC, _SPLIT_SPEC, _SPLIT_SPEC, _B_SPEC, _W_SPEC, _B_SPEC],
        out_specs=pl.BlockSpec((RB, OUT), lambda i: (i, 0)),
        out_shape=jax.ShapeDtypeStruct((N, OUT), jnp.float32),
    )(dg, acc, g, b, wfc, bfc)



def kernel(x, edge_index, W1, b1, W2, b2, Wfc, bfc):
    pad_src = jnp.arange(EPAD, dtype=jnp.int32) % N
    pad_dst = N + jnp.arange(EPAD, dtype=jnp.int32) % (NPAD - N)
    src_r = jnp.concatenate([edge_index[0], pad_src]).reshape(NS, NCHS, K)
    dst_r = jnp.concatenate([edge_index[1], pad_dst]).reshape(NS, NCHS, K)
    deg = _deg_call(dst_r)
    g1 = _l1_call(deg, x, W1)
    acc1 = _scatter_call(g1, src_r, dst_r)
    g2 = _l2_call(deg, acc1, g1, b1.reshape(1, D), W2)
    acc2 = _scatter_call(g2, src_r, dst_r)

    wfc_p = jnp.pad(Wfc, ((0, 0), (0, D - OUT)))
    bfc_p = jnp.pad(bfc, (0, D - OUT)).reshape(1, D)
    return _out_call(deg, acc2, g2, b2.reshape(1, D), wfc_p, bfc_p)

# --- scband reference (transcript-rebuilt; emitter-appended) ---
"""Pipeline reference for scband-gcn-40561671143734 (READ-ONLY COPY).

The authoritative reference and input builder live on the scoring server;
editing this copy changes nothing except your own understanding.
"""

import jax, jax.numpy as jnp
import numpy as np

N_NODES = 10000
N_EDGES = 320000
IN_DIM = 128
HID_DIM = 128
OUT_DIM = 11


def setup_inputs(seed: int = 0) -> dict:
    key = jax.random.key(seed)
    ks = jax.random.split(key, 8)
    x = jax.random.normal(ks[0], (N_NODES, IN_DIM), dtype=jnp.float32)
    edge_index = jax.random.randint(ks[1], (2, N_EDGES), 0, N_NODES, dtype=jnp.int64 if jax.config.jax_enable_x64 else jnp.int32).astype(jnp.int32)
    s1 = 1.0 / np.sqrt(IN_DIM)
    s2 = 1.0 / np.sqrt(HID_DIM)
    W1 = jax.random.uniform(ks[2], (IN_DIM, HID_DIM), jnp.float32, -s1, s1)
    b1 = jnp.zeros((HID_DIM,), jnp.float32)
    W2 = jax.random.uniform(ks[3], (HID_DIM, HID_DIM), jnp.float32, -s2, s2)
    b2 = jnp.zeros((HID_DIM,), jnp.float32)
    Wfc = jax.random.uniform(ks[4], (HID_DIM, OUT_DIM), jnp.float32, -s2, s2)
    bfc = jax.random.uniform(ks[5], (OUT_DIM,), jnp.float32, -s2, s2)
    return {"x": x, "edge_index": edge_index, "W1": W1, "b1": b1, "W2": W2, "b2": b2, "Wfc": Wfc, "bfc": bfc}


def _gcn_conv(x, edge_index, W, b):
    # PyG GCNConv: linear transform, add self-loops, symmetric normalization, scatter-add at dst
    h = x @ W
    n = x.shape[0]
    loop = jnp.arange(n, dtype=edge_index.dtype)
    src = jnp.concatenate([edge_index[0], loop])
    dst = jnp.concatenate([edge_index[1], loop])
    deg = jnp.zeros((n,), jnp.float32).at[dst].add(1.0)
    dinv = jnp.where(deg > 0, 1.0 / jnp.sqrt(deg), 0.0)
    norm = dinv[src] * dinv[dst]
    msg = h[src] * norm[:, None]
    out = jnp.zeros_like(h).at[dst].add(msg)
    return out + b


def reference(x, edge_index, W1, b1, W2, b2, Wfc, bfc):
    h = _gcn_conv(x, edge_index, W1, b1)
    h = jax.nn.relu(h)
    # dropout is identity in eval mode
    h = _gcn_conv(h, edge_index, W2, b2)
    h = jax.nn.relu(h)
    out = h @ Wfc + bfc
    return out

if __name__ == "__main__":
    import jax
    _d = setup_inputs()
    print(jax.jit(kernel)(*tuple(_d.values())))

</pallas_src>

<mosaic_0001>
#map = affine_map<(d0, d1) -> (0, 0, 0)>
module attributes {stable_mosaic.version = 14 : i64} {
  func.func @_deg_body(%arg0: i32, %arg1: i32, %arg2: memref<16x157x128xi32, #tpu.memory_space<hbm>>, %arg3: memref<2x10240x16xf32, #tpu.memory_space<hbm>>, %arg4: memref<80x128xi32, #tpu.memory_space<vmem>>, %arg5: memref<128x16xf32, #tpu.memory_space<vmem>>, %arg6: memref<640x16xf32, #tpu.memory_space<vmem>>, %arg7: memref<10240x16xf32, #tpu.memory_space<vmem_shared>>) attributes {dimension_semantics = [#tpu.dimension_semantics<core_parallel>, #tpu.dimension_semantics<subcore_parallel>], iteration_bounds = array<i64: 2, 16>, scalar_prefetch = 0 : i64, scratch_operands = 4 : i64, tpu.core_type = #tpu.core_type<sc_vector_subcore>, window_params = [{transform_indices = #map}, {transform_indices = #map}]} {
    %scan3A = arith.constant 0 : i32
    %scan3A_0 = arith.constant 0 : i32
    %scan3A_1 = arith.constant 128 : i32
    %scan3A_2 = arith.addi %scan3A_0, %scan3A_1 : i32
    %scan3A_3 = arith.constant 1 : i32
    scf.for %scan3A_23 = %scan3A_0 to %scan3A_2 step %scan3A_3  : i32 {
      %broadcast_in_dim3A = arith.constant 1.000000e+00 : f32
      %broadcast_in_dim3A_24 = vector.broadcast %broadcast_in_dim3A : f32 to vector<16xf32>
      %swap3A = arith.index_cast %scan3A_23 : i32 to index
      %swap3A_25 = arith.constant 0 : index
      %swap3A_26 = tpu.vector_load %arg5[%swap3A, %swap3A_25] {strides = array<i32>} : memref<128x16xf32, #tpu.memory_space<vmem>>, vector<1x16xf32>,
      %swap3A_27 = vector.shape_cast %swap3A_26 : vector<1x16xf32> to vector<16xf32>
      %swap3A_28 = vector.shape_cast %broadcast_in_dim3A_24 : vector<16xf32> to vector<1x16xf32>
      tpu.vector_store %arg5[%swap3A, %swap3A_25], %swap3A_28 {strides = array<i32>} : memref<128x16xf32, #tpu.memory_space<vmem>>, vector<1x16xf32>,
    }
    %scan3A_4 = arith.constant 128 : i32
    %scan3A_5 = arith.constant 0 : i32
    %scan3A_6 = arith.constant 0 : i32
    %scan3A_7 = arith.constant 640 : i32
    %scan3A_8 = arith.addi %scan3A_6, %scan3A_7 : i32
    %scan3A_9 = arith.constant 1 : i32
    scf.for %scan3A_23 = %scan3A_6 to %scan3A_8 step %scan3A_9  : i32 {
      %broadcast_in_dim3A = arith.constant 0.000000e+00 : f32
      %broadcast_in_dim3A_24 = vector.broadcast %broadcast_in_dim3A : f32 to vector<16xf32>
      %swap3A = arith.index_cast %scan3A_23 : i32 to index
      %swap3A_25 = arith.constant 0 : index
      %swap3A_26 = tpu.vector_load %arg6[%swap3A, %swap3A_25] {strides = array<i32>} : memref<640x16xf32, #tpu.memory_space<vmem>>, vector<1x16xf32>,
      %swap3A_27 = vector.shape_cast %swap3A_26 : vector<1x16xf32> to vector<16xf32>
      %swap3A_28 = vector.shape_cast %broadcast_in_dim3A_24 : vector<16xf32> to vector<1x16xf32>
      tpu.vector_store %arg6[%swap3A, %swap3A_25], %swap3A_28 {strides = array<i32>} : memref<640x16xf32, #tpu.memory_space<vmem>>, vector<1x16xf32>,
    }
    %scan3A_10 = arith.constant 640 : i32
    %mul3A = arith.constant 640 : i32
    %mul3A_11 = arith.muli %arg1, %mul3A : i32
    "tpu.region"() ({
      %run_scoped3A = tpu.sem_alloc : memref<!tpu.dma_semaphore, #tpu.memory_space<semaphore_mem>>
      %dma_start3A = arith.constant 0 : i32
      %dma_start3A_23 = tpu.memref_slice %arg7[%mul3A_11, %dma_start3A] : memref<10240x16xf32, #tpu.memory_space<vmem_shared>> -> memref<640x16xf32, #tpu.memory_space<vmem_shared>>
      %dma_start3A_24 = arith.constant 0 : i32
      %dma_start3A_25 = tpu.memref_slice %arg7[%mul3A_11, %dma_start3A_24] : memref<10240x16xf32, #tpu.memory_space<vmem_shared>> -> memref<640x16xf32, #tpu.memory_space<vmem_shared>>
      tpu.enqueue_dma source(%arg6 : memref<640x16xf32, #tpu.memory_space<vmem>>) target(%dma_start3A_25 : memref<640x16xf32, #tpu.memory_space<vmem_shared>>) target_semaphore(%run_scoped3A : memref<!tpu.dma_semaphore, #tpu.memory_space<semaphore_mem>>)
      %dma_wait3A = arith.constant 0 : i32
      %dma_wait3A_26 = tpu.memref_slice %arg7[%mul3A_11, %dma_wait3A] : memref<10240x16xf32, #tpu.memory_space<vmem_shared>> -> memref<640x16xf32, #tpu.memory_space<vmem_shared>>
      %dma_wait3A_27 = arith.constant 0 : i32
      %dma_wait3A_28 = tpu.memref_slice %arg7[%mul3A_11, %dma_wait3A_27] : memref<10240x16xf32, #tpu.memory_space<vmem_shared>> -> memref<640x16xf32, #tpu.memory_space<vmem_shared>>
      tpu.wait_dma2 semaphore(%run_scoped3A : memref<!tpu.dma_semaphore, #tpu.memory_space<semaphore_mem>>) src(%arg6 : memref<640x16xf32, #tpu.memory_space<vmem>>) dst(%dma_wait3A_28 : memref<640x16xf32, #tpu.memory_space<vmem_shared>>)
      tpu.yield
    }) : () -> ()
    %eq3A = arith.constant 0 : i32
    %eq3A_12 = arith.cmpi eq, %arg0, %eq3A : i32
    %convert_element_type3A = arith.extui %eq3A_12 : i1 to i32
    %cond3A = arith.constant 0 : i32
    %cond3A_13 = arith.cmpi ne, %convert_element_type3A, %cond3A : i32
    scf.if %cond3A_13 {
      "tpu.region"() ({
        %run_scoped3A = tpu.sem_alloc : memref<!tpu.dma_semaphore, #tpu.memory_space<semaphore_mem>>
        %dma_start3A = arith.constant 0 : i32
        %dma_start3A_30 = arith.constant 0 : i32
        %dma_start3A_31 = tpu.memref_slice %arg2[%arg1, %dma_start3A, %dma_start3A_30] : memref<16x157x128xi32, #tpu.memory_space<hbm>> -> memref<1x80x128xi32, #tpu.memory_space<hbm>>
        %dma_start3A_32 = tpu.memref_squeeze %dma_start3A_31 : memref<1x80x128xi32, #tpu.memory_space<hbm>> -> memref<80x128xi32, #tpu.memory_space<hbm>>
        %dma_start3A_33 = arith.constant 0 : i32
        %dma_start3A_34 = arith.constant 0 : i32
        %dma_start3A_35 = tpu.memref_slice %arg2[%arg1, %dma_start3A_33, %dma_start3A_34] : memref<16x157x128xi32, #tpu.memory_space<hbm>> -> memref<1x80x128xi32, #tpu.memory_space<hbm>>
        %dma_start3A_36 = tpu.memref_squeeze %dma_start3A_35 : memref<1x80x128xi32, #tpu.memory_space<hbm>> -> memref<80x128xi32, #tpu.memory_space<hbm>>
        tpu.enqueue_dma source(%dma_start3A_36 : memref<80x128xi32, #tpu.memory_space<hbm>>) target(%arg4 : memref<80x128xi32, #tpu.memory_space<vmem>>) target_semaphore(%run_scoped3A : memref<!tpu.dma_semaphore, #tpu.memory_space<semaphore_mem>>)
        %dma_wait3A = arith.constant 0 : i32
        %dma_wait3A_37 = arith.constant 0 : i32
        %dma_wait3A_38 = tpu.memref_slice %arg2[%arg1, %dma_wait3A, %dma_wait3A_37] : memref<16x157x128xi32, #tpu.memory_space<hbm>> -> memref<1x80x128xi32, #tpu.memory_space<hbm>>
        %dma_wait3A_39 = tpu.memref_squeeze %dma_wait3A_38 : memref<1x80x128xi32, #tpu.memory_space<hbm>> -> memref<80x128xi32, #tpu.memory_space<hbm>>
        %dma_wait3A_40 = arith.constant 0 : i32
        %dma_wait3A_41 = arith.constant 0 : i32
        %dma_wait3A_42 = tpu.memref_slice %arg2[%arg1, %dma_wait3A_40, %dma_wait3A_41] : memref<16x157x128xi32, #tpu.memory_space<hbm>> -> memref<1x80x128xi32, #tpu.memory_space<hbm>>
        %dma_wait3A_43 = tpu.memref_squeeze %dma_wait3A_42 : memref<1x80x128xi32, #tpu.memory_space<hbm>> -> memref<80x128xi32, #tpu.memory_space<hbm>>
        tpu.wait_dma2 semaphore(%run_scoped3A : memref<!tpu.dma_semaphore, #tpu.memory_space<semaphore_mem>>) src(%dma_wait3A_43 : memref<80x128xi32, #tpu.memory_space<hbm>>) dst(%arg4 : memref<80x128xi32, #tpu.memory_space<vmem>>)
        tpu.yield
      }) : () -> ()
      %barrier3A_23 = arith.constant 0 : index
      tpu.barrier barrier_id(%barrier3A_23)
      %scan3A_24 = arith.constant 0 : i32
      %scan3A_25 = arith.constant 0 : i32
      %scan3A_26 = arith.constant 80 : i32
      %scan3A_27 = arith.addi %scan3A_25, %scan3A_26 : i32
      %scan3A_28 = arith.constant 1 : i32
      scf.for %scan3A_30 = %scan3A_25 to %scan3A_27 step %scan3A_28  : i32 {
        "tpu.region"() ({
          %run_scoped3A = tpu.sem_alloc : memref<!tpu.dma_semaphore, #tpu.memory_space<semaphore_mem>>
          %dma_start3A = arith.constant 0 : i32
          %dma_start3A_31 = tpu.memref_slice %arg4[%scan3A_30, %dma_start3A] : memref<80x128xi32, #tpu.memory_space<vmem>> -> memref<1x128xi32, #tpu.memory_space<vmem>>
          %dma_start3A_32 = tpu.memref_squeeze %dma_start3A_31 : memref<1x128xi32, #tpu.memory_space<vmem>> -> memref<128xi32, #tpu.memory_space<vmem>>
          %dma_start3A_33 = arith.constant 0 : i32
          %dma_start3A_34 = arith.constant 0 : i32
          %dma_start3A_35 = tpu.memref_slice %arg7[%dma_start3A_33, %dma_start3A_34] : memref<10240x16xf32, #tpu.memory_space<vmem_shared>> -> memref<10240x16xf32, #tpu.memory_space<vmem_shared>>
          tpu.enqueue_indirect_dma source(%arg5 : memref<128x16xf32, #tpu.memory_space<vmem>>) target(%dma_start3A_35 : memref<10240x16xf32, #tpu.memory_space<vmem_shared>>) offsets(%dma_start3A_32 : memref<128xi32, #tpu.memory_space<vmem>>) semaphore(%run_scoped3A : memref<!tpu.dma_semaphore, #tpu.memory_space<semaphore_mem>>) {add = true}
          %dma_wait3A = arith.constant 0 : i32
          %dma_wait3A_36 = tpu.memref_slice %arg4[%scan3A_30, %dma_wait3A] : memref<80x128xi32, #tpu.memory_space<vmem>> -> memref<1x128xi32, #tpu.memory_space<vmem>>
          %dma_wait3A_37 = tpu.memref_squeeze %dma_wait3A_36 : memref<1x128xi32, #tpu.memory_space<vmem>> -> memref<128xi32, #tpu.memory_space<vmem>>
          %dma_wait3A_38 = arith.constant 0 : i32
          %dma_wait3A_39 = arith.constant 0 : i32
          %dma_wait3A_40 = tpu.memref_slice %arg7[%dma_wait3A_38, %dma_wait3A_39] : memref<10240x16xf32, #tpu.memory_space<vmem_shared>> -> memref<10240x16xf32, #tpu.memory_space<vmem_shared>>
          tpu.wait_indirect_dma semaphore(%run_scoped3A : memref<!tpu.dma_semaphore, #tpu.memory_space<semaphore_mem>>) src(%arg5 : memref<128x16xf32, #tpu.memory_space<vmem>>) dst(%dma_wait3A_40 : memref<10240x16xf32, #tpu.memory_space<vmem_shared>>)
          tpu.yield
        }) : () -> ()
      }
      %scan3A_29 = arith.constant 80 : i32
    } else {
    }
    %eq3A_14 = arith.constant 1 : i32
    %eq3A_15 = arith.cmpi eq, %arg0, %eq3A_14 : i32
    %convert_element_type3A_16 = arith.extui %eq3A_15 : i1 to i32
    %cond3A_17 = arith.constant 0 : i32
    %cond3A_18 = arith.cmpi ne, %convert_element_type3A_16, %cond3A_17 : i32
    scf.if %cond3A_18 {
      "tpu.region"() ({
        %run_scoped3A = tpu.sem_alloc : memref<!tpu.dma_semaphore, #tpu.memory_space<semaphore_mem>>
        %dma_start3A = arith.constant 0 : i32
        %dma_start3A_30 = arith.constant 0 : i32
        %dma_start3A_31 = tpu.memref_slice %arg4[%dma_start3A, %dma_start3A_30] : memref<80x128xi32, #tpu.memory_space<vmem>> -> memref<77x128xi32, #tpu.memory_space<vmem>>
        %dma_start3A_32 = arith.constant 80 : i32
        %dma_start3A_33 = arith.constant 0 : i32
        %dma_start3A_34 = tpu.memref_slice %arg2[%arg1, %dma_start3A_32, %dma_start3A_33] : memref<16x157x128xi32, #tpu.memory_space<hbm>> -> memref<1x77x128xi32, #tpu.memory_space<hbm>>
        %dma_start3A_35 = tpu.memref_squeeze %dma_start3A_34 : memref<1x77x128xi32, #tpu.memory_space<hbm>> -> memref<77x128xi32, #tpu.memory_space<hbm>>
        %dma_start3A_36 = arith.constant 0 : i32
        %dma_start3A_37 = arith.constant 0 : i32
        %dma_start3A_38 = tpu.memref_slice %arg4[%dma_start3A_36, %dma_start3A_37] : memref<80x128xi32, #tpu.memory_space<vmem>> -> memref<77x128xi32, #tpu.memory_space<vmem>>
        %dma_start3A_39 = arith.constant 80 : i32
        %dma_start3A_40 = arith.constant 0 : i32
        %dma_start3A_41 = tpu.memref_slice %arg2[%arg1, %dma_start3A_39, %dma_start3A_40] : memref<16x157x128xi32, #tpu.memory_space<hbm>> -> memref<1x77x128xi32, #tpu.memory_space<hbm>>
        %dma_start3A_42 = tpu.memref_squeeze %dma_start3A_41 : memref<1x77x128xi32, #tpu.memory_space<hbm>> -> memref<77x128xi32, #tpu.memory_space<hbm>>
        tpu.enqueue_dma source(%dma_start3A_42 : memref<77x128xi32, #tpu.memory_space<hbm>>) target(%dma_start3A_38 : memref<77x128xi32, #tpu.memory_space<vmem>>) target_semaphore(%run_scoped3A : memref<!tpu.dma_semaphore, #tpu.memory_space<semaphore_mem>>)
        %dma_wait3A = arith.constant 0 : i32
        %dma_wait3A_43 = arith.constant 0 : i32
        %dma_wait3A_44 = tpu.memref_slice %arg4[%dma_wait3A, %dma_wait3A_43] : memref<80x128xi32, #tpu.memory_space<vmem>> -> memref<77x128xi32, #tpu.memory_space<vmem>>
        %dma_wait3A_45 = arith.constant 80 : i32
        %dma_wait3A_46 = arith.constant 0 : i32
        %dma_wait3A_47 = tpu.memref_slice %arg2[%arg1, %dma_wait3A_45, %dma_wait3A_46] : memref<16x157x128xi32, #tpu.memory_space<hbm>> -> memref<1x77x128xi32, #tpu.memory_space<hbm>>
        %dma_wait3A_48 = tpu.memref_squeeze %dma_wait3A_47 : memref<1x77x128xi32, #tpu.memory_space<hbm>> -> memref<77x128xi32, #tpu.memory_space<hbm>>
        %dma_wait3A_49 = arith.constant 0 : i32
        %dma_wait3A_50 = arith.constant 0 : i32
        %dma_wait3A_51 = tpu.memref_slice %arg4[%dma_wait3A_49, %dma_wait3A_50] : memref<80x128xi32, #tpu.memory_space<vmem>> -> memref<77x128xi32, #tpu.memory_space<vmem>>
        %dma_wait3A_52 = arith.constant 80 : i32
        %dma_wait3A_53 = arith.constant 0 : i32
        %dma_wait3A_54 = tpu.memref_slice %arg2[%arg1, %dma_wait3A_52, %dma_wait3A_53] : memref<16x157x128xi32, #tpu.memory_space<hbm>> -> memref<1x77x128xi32, #tpu.memory_space<hbm>>
        %dma_wait3A_55 = tpu.memref_squeeze %dma_wait3A_54 : memref<1x77x128xi32, #tpu.memory_space<hbm>> -> memref<77x128xi32, #tpu.memory_space<hbm>>
        tpu.wait_dma2 semaphore(%run_scoped3A : memref<!tpu.dma_semaphore, #tpu.memory_space<semaphore_mem>>) src(%dma_wait3A_55 : memref<77x128xi32, #tpu.memory_space<hbm>>) dst(%dma_wait3A_51 : memref<77x128xi32, #tpu.memory_space<vmem>>)
        tpu.yield
      }) : () -> ()
      %barrier3A_23 = arith.constant 0 : index
      tpu.barrier barrier_id(%barrier3A_23)
      %scan3A_24 = arith.constant 0 : i32
      %scan3A_25 = arith.constant 0 : i32
      %scan3A_26 = arith.constant 77 : i32
      %scan3A_27 = arith.addi %scan3A_25, %scan3A_26 : i32
      %scan3A_28 = arith.constant 1 : i32
      scf.for %scan3A_30 = %scan3A_25 to %scan3A_27 step %scan3A_28  : i32 {
        "tpu.region"() ({
          %run_scoped3A = tpu.sem_alloc : memref<!tpu.dma_semaphore, #tpu.memory_space<semaphore_mem>>
          %dma_start3A = arith.constant 0 : i32
          %dma_start3A_31 = tpu.memref_slice %arg4[%scan3A_30, %dma_start3A] : memref<80x128xi32, #tpu.memory_space<vmem>> -> memref<1x128xi32, #tpu.memory_space<vmem>>
          %dma_start3A_32 = tpu.memref_squeeze %dma_start3A_31 : memref<1x128xi32, #tpu.memory_space<vmem>> -> memref<128xi32, #tpu.memory_space<vmem>>
          %dma_start3A_33 = arith.constant 0 : i32
          %dma_start3A_34 = arith.constant 0 : i32
          %dma_start3A_35 = tpu.memref_slice %arg7[%dma_start3A_33, %dma_start3A_34] : memref<10240x16xf32, #tpu.memory_space<vmem_shared>> -> memref<10240x16xf32, #tpu.memory_space<vmem_shared>>
          tpu.enqueue_indirect_dma source(%arg5 : memref<128x16xf32, #tpu.memory_space<vmem>>) target(%dma_start3A_35 : memref<10240x16xf32, #tpu.memory_space<vmem_shared>>) offsets(%dma_start3A_32 : memref<128xi32, #tpu.memory_space<vmem>>) semaphore(%run_scoped3A : memref<!tpu.dma_semaphore, #tpu.memory_space<semaphore_mem>>) {add = true}
          %dma_wait3A = arith.constant 0 : i32
          %dma_wait3A_36 = tpu.memref_slice %arg4[%scan3A_30, %dma_wait3A] : memref<80x128xi32, #tpu.memory_space<vmem>> -> memref<1x128xi32, #tpu.memory_space<vmem>>
          %dma_wait3A_37 = tpu.memref_squeeze %dma_wait3A_36 : memref<1x128xi32, #tpu.memory_space<vmem>> -> memref<128xi32, #tpu.memory_space<vmem>>
          %dma_wait3A_38 = arith.constant 0 : i32
          %dma_wait3A_39 = arith.constant 0 : i32
          %dma_wait3A_40 = tpu.memref_slice %arg7[%dma_wait3A_38, %dma_wait3A_39] : memref<10240x16xf32, #tpu.memory_space<vmem_shared>> -> memref<10240x16xf32, #tpu.memory_space<vmem_shared>>
          tpu.wait_indirect_dma semaphore(%run_scoped3A : memref<!tpu.dma_semaphore, #tpu.memory_space<semaphore_mem>>) src(%arg5 : memref<128x16xf32, #tpu.memory_space<vmem>>) dst(%dma_wait3A_40 : memref<10240x16xf32, #tpu.memory_space<vmem_shared>>)
          tpu.yield
        }) : () -> ()
      }
      %scan3A_29 = arith.constant 77 : i32
    } else {
    }
    %barrier3A = arith.constant 0 : index
    tpu.barrier barrier_id(%barrier3A)
    %mul3A_19 = arith.constant 640 : i32
    %mul3A_20 = arith.muli %arg1, %mul3A_19 : i32
    %mul3A_21 = arith.constant 640 : i32
    %mul3A_22 = arith.muli %arg1, %mul3A_21 : i32
    "tpu.region"() ({
      %run_scoped3A = tpu.sem_alloc : memref<!tpu.dma_semaphore, #tpu.memory_space<semaphore_mem>>
      %dma_start3A = arith.constant 0 : i32
      %dma_start3A_23 = tpu.memref_slice %arg3[%arg0, %mul3A_22, %dma_start3A] : memref<2x10240x16xf32, #tpu.memory_space<hbm>> -> memref<1x640x16xf32, #tpu.memory_space<hbm>>
      %dma_start3A_24 = tpu.memref_squeeze %dma_start3A_23 : memref<1x640x16xf32, #tpu.memory_space<hbm>> -> memref<640x16xf32, #tpu.memory_space<hbm>>
      %dma_start3A_25 = arith.constant 0 : i32
      %dma_start3A_26 = tpu.memref_slice %arg7[%mul3A_20, %dma_start3A_25] : memref<10240x16xf32, #tpu.memory_space<vmem_shared>> -> memref<640x16xf32, #tpu.memory_space<vmem_shared>>
      tpu.enqueue_dma source(%dma_start3A_26 : memref<640x16xf32, #tpu.memory_space<vmem_shared>>) target(%dma_start3A_24 : memref<640x16xf32, #tpu.memory_space<hbm>>) target_semaphore(%run_scoped3A : memref<!tpu.dma_semaphore, #tpu.memory_space<semaphore_mem>>)
      %dma_wait3A = arith.constant 0 : i32
      %dma_wait3A_27 = tpu.memref_slice %arg3[%arg0, %mul3A_22, %dma_wait3A] : memref<2x10240x16xf32, #tpu.memory_space<hbm>> -> memref<1x640x16xf32, #tpu.memory_space<hbm>>
      %dma_wait3A_28 = tpu.memref_squeeze %dma_wait3A_27 : memref<1x640x16xf32, #tpu.memory_space<hbm>> -> memref<640x16xf32, #tpu.memory_space<hbm>>
      %dma_wait3A_29 = arith.constant 0 : i32
      %dma_wait3A_30 = tpu.memref_slice %arg7[%mul3A_20, %dma_wait3A_29] : memref<10240x16xf32, #tpu.memory_space<vmem_shared>> -> memref<640x16xf32, #tpu.memory_space<vmem_shared>>
      tpu.wait_dma2 semaphore(%run_scoped3A : memref<!tpu.dma_semaphore, #tpu.memory_space<semaphore_mem>>) src(%dma_wait3A_30 : memref<640x16xf32, #tpu.memory_space<vmem_shared>>) dst(%dma_wait3A_28 : memref<640x16xf32, #tpu.memory_space<hbm>>)
      tpu.yield
    }) : () -> ()
    return
  }
}

#map = affine_map<(d0, d1) -> (0, 0, 0)>
module attributes {stable_mosaic.version = 14 : i64} {
  func.func @_scatter_body(%arg0: i32, %arg1: i32, %arg2: memref<2x10000x64xf32, #tpu.memory_space<hbm>>, %arg3: memref<16x157x128xi32, #tpu.memory_space<hbm>>, %arg4: memref<16x157x128xi32, #tpu.memory_space<hbm>>, %arg5: memref<2x10240x64xf32, #tpu.memory_space<hbm>>, %arg6: memref<157x128xi32, #tpu.memory_space<vmem>>, %arg7: memref<157x128xi32, #tpu.memory_space<vmem>>, %arg8: memref<128x64xf32, #tpu.memory_space<vmem>>, %arg9: memref<128x64xf32, #tpu.memory_space<vmem>>, %arg10: memref<128x64xf32, #tpu.memory_space<vmem>>, %arg11: memref<128x64xf32, #tpu.memory_space<vmem>>, %arg12: memref<128x64xf32, #tpu.memory_space<vmem>>, %arg13: memref<10240x64xf32, #tpu.memory_space<vmem_shared>>, %arg14: memref<!tpu.dma_semaphore, #tpu.memory_space<semaphore_mem>>, %arg15: memref<!tpu.dma_semaphore, #tpu.memory_space<semaphore_mem>>, %arg16: memref<!tpu.dma_semaphore, #tpu.memory_space<semaphore_mem>>, %arg17: memref<!tpu.dma_semaphore, #tpu.memory_space<semaphore_mem>>, %arg18: memref<!tpu.dma_semaphore, #tpu.memory_space<semaphore_mem>>, %arg19: memref<!tpu.dma_semaphore, #tpu.memory_space<semaphore_mem>>, %arg20: memref<!tpu.dma_semaphore, #tpu.memory_space<semaphore_mem>>, %arg21: memref<!tpu.dma_semaphore, #tpu.memory_space<semaphore_mem>>) attributes {dimension_semantics = [#tpu.dimension_semantics<core_parallel>, #tpu.dimension_semantics<subcore_parallel>], iteration_bounds = array<i64: 2, 16>, scalar_prefetch = 0 : i64, scratch_operands = 16 : i64, tpu.core_type = #tpu.core_type<sc_vector_subcore>, window_params = [{transform_indices = #map}, {transform_indices = #map}, {transform_indices = #map}, {transform_indices = #map}]} {
    %scan3A = arith.constant 0 : i32
    %scan3A_0 = arith.constant 0 : i32
    %scan3A_1 = arith.constant 128 : i32
    %scan3A_2 = arith.addi %scan3A_0, %scan3A_1 : i32
    %scan3A_3 = arith.constant 1 : i32
    scf.for %scan3A_248 = %scan3A_0 to %scan3A_2 step %scan3A_3  : i32 {
      %broadcast_in_dim3A = arith.constant 0.000000e+00 : f32
      %broadcast_in_dim3A_249 = vector.broadcast %broadcast_in_dim3A : f32 to vector<16xf32>
      %swap3A = arith.index_cast %scan3A_248 : i32 to index
      %swap3A_250 = arith.constant 0 : index
      %swap3A_251 = tpu.vector_load %arg12[%swap3A, %swap3A_250] {strides = array<i32>} : memref<128x64xf32, #tpu.memory_space<vmem>>, vector<1x16xf32>,
      %swap3A_252 = vector.shape_cast %swap3A_251 : vector<1x16xf32> to vector<16xf32>
      %swap3A_253 = vector.shape_cast %broadcast_in_dim3A_249 : vector<16xf32> to vector<1x16xf32>
      tpu.vector_store %arg12[%swap3A, %swap3A_250], %swap3A_253 {strides = array<i32>} : memref<128x64xf32, #tpu.memory_space<vmem>>, vector<1x16xf32>,
      %broadcast_in_dim3A_254 = arith.constant 0.000000e+00 : f32
      %broadcast_in_dim3A_255 = vector.broadcast %broadcast_in_dim3A_254 : f32 to vector<16xf32>
      %swap3A_256 = arith.index_cast %scan3A_248 : i32 to index
      %swap3A_257 = arith.constant 16 : index
      %swap3A_258 = tpu.vector_load %arg12[%swap3A_256, %swap3A_257] {strides = array<i32>} : memref<128x64xf32, #tpu.memory_space<vmem>>, vector<1x16xf32>,
      %swap3A_259 = vector.shape_cast %swap3A_258 : vector<1x16xf32> to vector<16xf32>
      %swap3A_260 = vector.shape_cast %broadcast_in_dim3A_255 : vector<16xf32> to vector<1x16xf32>
      tpu.vector_store %arg12[%swap3A_256, %swap3A_257], %swap3A_260 {strides = array<i32>} : memref<128x64xf32, #tpu.memory_space<vmem>>, vector<1x16xf32>,
      %broadcast_in_dim3A_261 = arith.constant 0.000000e+00 : f32
      %broadcast_in_dim3A_262 = vector.broadcast %broadcast_in_dim3A_261 : f32 to vector<16xf32>
      %swap3A_263 = arith.index_cast %scan3A_248 : i32 to index
      %swap3A_264 = arith.constant 32 : index
      %swap3A_265 = tpu.vector_load %arg12[%swap3A_263, %swap3A_264] {strides = array<i32>} : memref<128x64xf32, #tpu.memory_space<vmem>>, vector<1x16xf32>,
      %swap3A_266 = vector.shape_cast %swap3A_265 : vector<1x16xf32> to vector<16xf32>
      %swap3A_267 = vector.shape_cast %broadcast_in_dim3A_262 : vector<16xf32> to vector<1x16xf32>
      tpu.vector_store %arg12[%swap3A_263, %swap3A_264], %swap3A_267 {strides = array<i32>} : memref<128x64xf32, #tpu.memory_space<vmem>>, vector<1x16xf32>,
      %broadcast_in_dim3A_268 = arith.constant 0.000000e+00 : f32
      %broadcast_in_dim3A_269 = vector.broadcast %broadcast_in_dim3A_268 : f32 to vector<16xf32>
      %swap3A_270 = arith.index_cast %scan3A_248 : i32 to index
      %swap3A_271 = arith.constant 48 : index
      %swap3A_272 = tpu.vector_load %arg12[%swap3A_270, %swap3A_271] {strides = array<i32>} : memref<128x64xf32, #tpu.memory_space<vmem>>, vector<1x16xf32>,
      %swap3A_273 = vector.shape_cast %swap3A_272 : vector<1x16xf32> to vector<16xf32>
      %swap3A_274 = vector.shape_cast %broadcast_in_dim3A_269 : vector<16xf32> to vector<1x16xf32>
      tpu.vector_store %arg12[%swap3A_270, %swap3A_271], %swap3A_274 {strides = array<i32>} : memref<128x64xf32, #tpu.memory_space<vmem>>, vector<1x16xf32>,
    }
    %scan3A_4 = arith.constant 128 : i32
    %mul3A = arith.constant 640 : i32
    %mul3A_5 = arith.muli %arg1, %mul3A : i32
    %add3A = arith.constant 0 : i32
    %add3A_6 = arith.addi %mul3A_5, %add3A : i32
    "tpu.region"() ({
      %run_scoped3A = tpu.sem_alloc : memref<!tpu.dma_semaphore, #tpu.memory_space<semaphore_mem>>
      %dma_start3A_248 = arith.constant 0 : i32
      %dma_start3A_249 = tpu.memref_slice %arg13[%add3A_6, %dma_start3A_248] : memref<10240x64xf32, #tpu.memory_space<vmem_shared>> -> memref<128x64xf32, #tpu.memory_space<vmem_shared>>
      %dma_start3A_250 = arith.constant 0 : i32
      %dma_start3A_251 = tpu.memref_slice %arg13[%add3A_6, %dma_start3A_250] : memref<10240x64xf32, #tpu.memory_space<vmem_shared>> -> memref<128x64xf32, #tpu.memory_space<vmem_shared>>
      tpu.enqueue_dma source(%arg12 : memref<128x64xf32, #tpu.memory_space<vmem>>) target(%dma_start3A_251 : memref<128x64xf32, #tpu.memory_space<vmem_shared>>) target_semaphore(%run_scoped3A : memref<!tpu.dma_semaphore, #tpu.memory_space<semaphore_mem>>)
      %dma_wait3A_252 = arith.constant 0 : i32
      %dma_wait3A_253 = tpu.memref_slice %arg13[%add3A_6, %dma_wait3A_252] : memref<10240x64xf32, #tpu.memory_space<vmem_shared>> -> memref<128x64xf32, #tpu.memory_space<vmem_shared>>
      %dma_wait3A_254 = arith.constant 0 : i32
      %dma_wait3A_255 = tpu.memref_slice %arg13[%add3A_6, %dma_wait3A_254] : memref<10240x64xf32, #tpu.memory_space<vmem_shared>> -> memref<128x64xf32, #tpu.memory_space<vmem_shared>>
      tpu.wait_dma2 semaphore(%run_scoped3A : memref<!tpu.dma_semaphore, #tpu.memory_space<semaphore_mem>>) src(%arg12 : memref<128x64xf32, #tpu.memory_space<vmem>>) dst(%dma_wait3A_255 : memref<128x64xf32, #tpu.memory_space<vmem_shared>>)
      tpu.yield
    }) : () -> ()
    %mul3A_7 = arith.constant 640 : i32
    %mul3A_8 = arith.muli %arg1, %mul3A_7 : i32
    %add3A_9 = arith.constant 128 : i32
    %add3A_10 = arith.addi %mul3A_8, %add3A_9 : i32
    "tpu.region"() ({
      %run_scoped3A = tpu.sem_alloc : memref<!tpu.dma_semaphore, #tpu.memory_space<semaphore_mem>>
      %dma_start3A_248 = arith.constant 0 : i32
      %dma_start3A_249 = tpu.memref_slice %arg13[%add3A_10, %dma_start3A_248] : memref<10240x64xf32, #tpu.memory_space<vmem_shared>> -> memref<128x64xf32, #tpu.memory_space<vmem_shared>>
      %dma_start3A_250 = arith.constant 0 : i32
      %dma_start3A_251 = tpu.memref_slice %arg13[%add3A_10, %dma_start3A_250] : memref<10240x64xf32, #tpu.memory_space<vmem_shared>> -> memref<128x64xf32, #tpu.memory_space<vmem_shared>>
      tpu.enqueue_dma source(%arg12 : memref<128x64xf32, #tpu.memory_space<vmem>>) target(%dma_start3A_251 : memref<128x64xf32, #tpu.memory_space<vmem_shared>>) target_semaphore(%run_scoped3A : memref<!tpu.dma_semaphore, #tpu.memory_space<semaphore_mem>>)
      %dma_wait3A_252 = arith.constant 0 : i32
      %dma_wait3A_253 = tpu.memref_slice %arg13[%add3A_10, %dma_wait3A_252] : memref<10240x64xf32, #tpu.memory_space<vmem_shared>> -> memref<128x64xf32, #tpu.memory_space<vmem_shared>>
      %dma_wait3A_254 = arith.constant 0 : i32
      %dma_wait3A_255 = tpu.memref_slice %arg13[%add3A_10, %dma_wait3A_254] : memref<10240x64xf32, #tpu.memory_space<vmem_shared>> -> memref<128x64xf32, #tpu.memory_space<vmem_shared>>
      tpu.wait_dma2 semaphore(%run_scoped3A : memref<!tpu.dma_semaphore, #tpu.memory_space<semaphore_mem>>) src(%arg12 : memref<128x64xf32, #tpu.memory_space<vmem>>) dst(%dma_wait3A_255 : memref<128x64xf32, #tpu.memory_space<vmem_shared>>)
      tpu.yield
    }) : () -> ()
    %mul3A_11 = arith.constant 640 : i32
    %mul3A_12 = arith.muli %arg1, %mul3A_11 : i32
    %add3A_13 = arith.constant 256 : i32
    %add3A_14 = arith.addi %mul3A_12, %add3A_13 : i32
    "tpu.region"() ({
      %run_scoped3A = tpu.sem_alloc : memref<!tpu.dma_semaphore, #tpu.memory_space<semaphore_mem>>
      %dma_start3A_248 = arith.constant 0 : i32
      %dma_start3A_249 = tpu.memref_slice %arg13[%add3A_14, %dma_start3A_248] : memref<10240x64xf32, #tpu.memory_space<vmem_shared>> -> memref<128x64xf32, #tpu.memory_space<vmem_shared>>
      %dma_start3A_250 = arith.constant 0 : i32
      %dma_start3A_251 = tpu.memref_slice %arg13[%add3A_14, %dma_start3A_250] : memref<10240x64xf32, #tpu.memory_space<vmem_shared>> -> memref<128x64xf32, #tpu.memory_space<vmem_shared>>
      tpu.enqueue_dma source(%arg12 : memref<128x64xf32, #tpu.memory_space<vmem>>) target(%dma_start3A_251 : memref<128x64xf32, #tpu.memory_space<vmem_shared>>) target_semaphore(%run_scoped3A : memref<!tpu.dma_semaphore, #tpu.memory_space<semaphore_mem>>)
      %dma_wait3A_252 = arith.constant 0 : i32
      %dma_wait3A_253 = tpu.memref_slice %arg13[%add3A_14, %dma_wait3A_252] : memref<10240x64xf32, #tpu.memory_space<vmem_shared>> -> memref<128x64xf32, #tpu.memory_space<vmem_shared>>
      %dma_wait3A_254 = arith.constant 0 : i32
      %dma_wait3A_255 = tpu.memref_slice %arg13[%add3A_14, %dma_wait3A_254] : memref<10240x64xf32, #tpu.memory_space<vmem_shared>> -> memref<128x64xf32, #tpu.memory_space<vmem_shared>>
      tpu.wait_dma2 semaphore(%run_scoped3A : memref<!tpu.dma_semaphore, #tpu.memory_space<semaphore_mem>>) src(%arg12 : memref<128x64xf32, #tpu.memory_space<vmem>>) dst(%dma_wait3A_255 : memref<128x64xf32, #tpu.memory_space<vmem_shared>>)
      tpu.yield
    }) : () -> ()
    %mul3A_15 = arith.constant 640 : i32
    %mul3A_16 = arith.muli %arg1, %mul3A_15 : i32
    %add3A_17 = arith.constant 384 : i32
    %add3A_18 = arith.addi %mul3A_16, %add3A_17 : i32
    "tpu.region"() ({
      %run_scoped3A = tpu.sem_alloc : memref<!tpu.dma_semaphore, #tpu.memory_space<semaphore_mem>>
      %dma_start3A_248 = arith.constant 0 : i32
      %dma_start3A_249 = tpu.memref_slice %arg13[%add3A_18, %dma_start3A_248] : memref<10240x64xf32, #tpu.memory_space<vmem_shared>> -> memref<128x64xf32, #tpu.memory_space<vmem_shared>>
      %dma_start3A_250 = arith.constant 0 : i32
      %dma_start3A_251 = tpu.memref_slice %arg13[%add3A_18, %dma_start3A_250] : memref<10240x64xf32, #tpu.memory_space<vmem_shared>> -> memref<128x64xf32, #tpu.memory_space<vmem_shared>>
      tpu.enqueue_dma source(%arg12 : memref<128x64xf32, #tpu.memory_space<vmem>>) target(%dma_start3A_251 : memref<128x64xf32, #tpu.memory_space<vmem_shared>>) target_semaphore(%run_scoped3A : memref<!tpu.dma_semaphore, #tpu.memory_space<semaphore_mem>>)
      %dma_wait3A_252 = arith.constant 0 : i32
      %dma_wait3A_253 = tpu.memref_slice %arg13[%add3A_18, %dma_wait3A_252] : memref<10240x64xf32, #tpu.memory_space<vmem_shared>> -> memref<128x64xf32, #tpu.memory_space<vmem_shared>>
      %dma_wait3A_254 = arith.constant 0 : i32
      %dma_wait3A_255 = tpu.memref_slice %arg13[%add3A_18, %dma_wait3A_254] : memref<10240x64xf32, #tpu.memory_space<vmem_shared>> -> memref<128x64xf32, #tpu.memory_space<vmem_shared>>
      tpu.wait_dma2 semaphore(%run_scoped3A : memref<!tpu.dma_semaphore, #tpu.memory_space<semaphore_mem>>) src(%arg12 : memref<128x64xf32, #tpu.memory_space<vmem>>) dst(%dma_wait3A_255 : memref<128x64xf32, #tpu.memory_space<vmem_shared>>)
      tpu.yield
    }) : () -> ()
    %mul3A_19 = arith.constant 640 : i32
    %mul3A_20 = arith.muli %arg1, %mul3A_19 : i32
    %add3A_21 = arith.constant 512 : i32
    %add3A_22 = arith.addi %mul3A_20, %add3A_21 : i32
    "tpu.region"() ({
      %run_scoped3A = tpu.sem_alloc : memref<!tpu.dma_semaphore, #tpu.memory_space<semaphore_mem>>
      %dma_start3A_248 = arith.constant 0 : i32
      %dma_start3A_249 = tpu.memref_slice %arg13[%add3A_22, %dma_start3A_248] : memref<10240x64xf32, #tpu.memory_space<vmem_shared>> -> memref<128x64xf32, #tpu.memory_space<vmem_shared>>
      %dma_start3A_250 = arith.constant 0 : i32
      %dma_start3A_251 = tpu.memref_slice %arg13[%add3A_22, %dma_start3A_250] : memref<10240x64xf32, #tpu.memory_space<vmem_shared>> -> memref<128x64xf32, #tpu.memory_space<vmem_shared>>
      tpu.enqueue_dma source(%arg12 : memref<128x64xf32, #tpu.memory_space<vmem>>) target(%dma_start3A_251 : memref<128x64xf32, #tpu.memory_space<vmem_shared>>) target_semaphore(%run_scoped3A : memref<!tpu.dma_semaphore, #tpu.memory_space<semaphore_mem>>)
      %dma_wait3A_252 = arith.constant 0 : i32
      %dma_wait3A_253 = tpu.memref_slice %arg13[%add3A_22, %dma_wait3A_252] : memref<10240x64xf32, #tpu.memory_space<vmem_shared>> -> memref<128x64xf32, #tpu.memory_space<vmem_shared>>
      %dma_wait3A_254 = arith.constant 0 : i32
      %dma_wait3A_255 = tpu.memref_slice %arg13[%add3A_22, %dma_wait3A_254] : memref<10240x64xf32, #tpu.memory_space<vmem_shared>> -> memref<128x64xf32, #tpu.memory_space<vmem_shared>>
      tpu.wait_dma2 semaphore(%run_scoped3A : memref<!tpu.dma_semaphore, #tpu.memory_space<semaphore_mem>>) src(%arg12 : memref<128x64xf32, #tpu.memory_space<vmem>>) dst(%dma_wait3A_255 : memref<128x64xf32, #tpu.memory_space<vmem_shared>>)
      tpu.yield
    }) : () -> ()
    "tpu.region"() ({
      %run_scoped3A = tpu.sem_alloc : memref<!tpu.dma_semaphore, #tpu.memory_space<semaphore_mem>>
      %dma_start3A_248 = arith.constant 0 : i32
      %dma_start3A_249 = arith.constant 0 : i32
      %dma_start3A_250 = tpu.memref_slice %arg3[%arg1, %dma_start3A_248, %dma_start3A_249] : memref<16x157x128xi32, #tpu.memory_space<hbm>> -> memref<1x157x128xi32, #tpu.memory_space<hbm>>
      %dma_start3A_251 = tpu.memref_squeeze %dma_start3A_250 : memref<1x157x128xi32, #tpu.memory_space<hbm>> -> memref<157x128xi32, #tpu.memory_space<hbm>>
      %dma_start3A_252 = arith.constant 0 : i32
      %dma_start3A_253 = arith.constant 0 : i32
      %dma_start3A_254 = tpu.memref_slice %arg3[%arg1, %dma_start3A_252, %dma_start3A_253] : memref<16x157x128xi32, #tpu.memory_space<hbm>> -> memref<1x157x128xi32, #tpu.memory_space<hbm>>
      %dma_start3A_255 = tpu.memref_squeeze %dma_start3A_254 : memref<1x157x128xi32, #tpu.memory_space<hbm>> -> memref<157x128xi32, #tpu.memory_space<hbm>>
      tpu.enqueue_dma source(%dma_start3A_255 : memref<157x128xi32, #tpu.memory_space<hbm>>) target(%arg6 : memref<157x128xi32, #tpu.memory_space<vmem>>) target_semaphore(%run_scoped3A : memref<!tpu.dma_semaphore, #tpu.memory_space<semaphore_mem>>)
      %dma_wait3A_256 = arith.constant 0 : i32
      %dma_wait3A_257 = arith.constant 0 : i32
      %dma_wait3A_258 = tpu.memref_slice %arg3[%arg1, %dma_wait3A_256, %dma_wait3A_257] : memref<16x157x128xi32, #tpu.memory_space<hbm>> -> memref<1x157x128xi32, #tpu.memory_space<hbm>>
      %dma_wait3A_259 = tpu.memref_squeeze %dma_wait3A_258 : memref<1x157x128xi32, #tpu.memory_space<hbm>> -> memref<157x128xi32, #tpu.memory_space<hbm>>
      %dma_wait3A_260 = arith.constant 0 : i32
      %dma_wait3A_261 = arith.constant 0 : i32
      %dma_wait3A_262 = tpu.memref_slice %arg3[%arg1, %dma_wait3A_260, %dma_wait3A_261] : memref<16x157x128xi32, #tpu.memory_space<hbm>> -> memref<1x157x128xi32, #tpu.memory_space<hbm>>
      %dma_wait3A_263 = tpu.memref_squeeze %dma_wait3A_262 : memref<1x157x128xi32, #tpu.memory_space<hbm>> -> memref<157x128xi32, #tpu.memory_space<hbm>>
      tpu.wait_dma2 semaphore(%run_scoped3A : memref<!tpu.dma_semaphore, #tpu.memory_space<semaphore_mem>>) src(%dma_wait3A_263 : memref<157x128xi32, #tpu.memory_space<hbm>>) dst(%arg6 : memref<157x128xi32, #tpu.memory_space<vmem>>)
      tpu.yield
    }) : () -> ()
    "tpu.region"() ({
      %run_scoped3A = tpu.sem_alloc : memref<!tpu.dma_semaphore, #tpu.memory_space<semaphore_mem>>
      %dma_start3A_248 = arith.constant 0 : i32
      %dma_start3A_249 = arith.constant 0 : i32
      %dma_start3A_250 = tpu.memref_slice %arg4[%arg1, %dma_start3A_248, %dma_start3A_249] : memref<16x157x128xi32, #tpu.memory_space<hbm>> -> memref<1x157x128xi32, #tpu.memory_space<hbm>>
      %dma_start3A_251 = tpu.memref_squeeze %dma_start3A_250 : memref<1x157x128xi32, #tpu.memory_space<hbm>> -> memref<157x128xi32, #tpu.memory_space<hbm>>
      %dma_start3A_252 = arith.constant 0 : i32
      %dma_start3A_253 = arith.constant 0 : i32
      %dma_start3A_254 = tpu.memref_slice %arg4[%arg1, %dma_start3A_252, %dma_start3A_253] : memref<16x157x128xi32, #tpu.memory_space<hbm>> -> memref<1x157x128xi32, #tpu.memory_space<hbm>>
      %dma_start3A_255 = tpu.memref_squeeze %dma_start3A_254 : memref<1x157x128xi32, #tpu.memory_space<hbm>> -> memref<157x128xi32, #tpu.memory_space<hbm>>
      tpu.enqueue_dma source(%dma_start3A_255 : memref<157x128xi32, #tpu.memory_space<hbm>>) target(%arg7 : memref<157x128xi32, #tpu.memory_space<vmem>>) target_semaphore(%run_scoped3A : memref<!tpu.dma_semaphore, #tpu.memory_space<semaphore_mem>>)
      %dma_wait3A_256 = arith.constant 0 : i32
      %dma_wait3A_257 = arith.constant 0 : i32
      %dma_wait3A_258 = tpu.memref_slice %arg4[%arg1, %dma_wait3A_256, %dma_wait3A_257] : memref<16x157x128xi32, #tpu.memory_space<hbm>> -> memref<1x157x128xi32, #tpu.memory_space<hbm>>
      %dma_wait3A_259 = tpu.memref_squeeze %dma_wait3A_258 : memref<1x157x128xi32, #tpu.memory_space<hbm>> -> memref<157x128xi32, #tpu.memory_space<hbm>>
      %dma_wait3A_260 = arith.constant 0 : i32
      %dma_wait3A_261 = arith.constant 0 : i32
      %dma_wait3A_262 = tpu.memref_slice %arg4[%arg1, %dma_wait3A_260, %dma_wait3A_261] : memref<16x157x128xi32, #tpu.memory_space<hbm>> -> memref<1x157x128xi32, #tpu.memory_space<hbm>>
      %dma_wait3A_263 = tpu.memref_squeeze %dma_wait3A_262 : memref<1x157x128xi32, #tpu.memory_space<hbm>> -> memref<157x128xi32, #tpu.memory_space<hbm>>
      tpu.wait_dma2 semaphore(%run_scoped3A : memref<!tpu.dma_semaphore, #tpu.memory_space<semaphore_mem>>) src(%dma_wait3A_263 : memref<157x128xi32, #tpu.memory_space<hbm>>) dst(%arg7 : memref<157x128xi32, #tpu.memory_space<vmem>>)
      tpu.yield
    }) : () -> ()
    %barrier3A = arith.constant 0 : index
    tpu.barrier barrier_id(%barrier3A)
    %dma_start3A = arith.constant 0 : i32
    %dma_start3A_23 = arith.constant 0 : i32
    %dma_start3A_24 = tpu.memref_slice %arg6[%dma_start3A, %dma_start3A_23] : memref<157x128xi32, #tpu.memory_space<vmem>> -> memref<1x128xi32, #tpu.memory_space<vmem>>
    %dma_start3A_25 = tpu.memref_squeeze %dma_start3A_24 : memref<1x128xi32, #tpu.memory_space<vmem>> -> memref<128xi32, #tpu.memory_space<vmem>>
    %dma_start3A_26 = arith.constant 0 : i32
    %dma_start3A_27 = arith.constant 0 : i32
    %dma_start3A_28 = tpu.memref_slice %arg2[%arg0, %dma_start3A_26, %dma_start3A_27] : memref<2x10000x64xf32, #tpu.memory_space<hbm>> -> memref<1x10000x64xf32, #tpu.memory_space<hbm>>
    %dma_start3A_29 = tpu.memref_squeeze %dma_start3A_28 : memref<1x10000x64xf32, #tpu.memory_space<hbm>> -> memref<10000x64xf32, #tpu.memory_space<hbm>>
    %dma_start3A_30 = arith.constant 0 : i32
    %dma_start3A_31 = arith.constant 0 : i32
    %dma_start3A_32 = tpu.memref_slice %dma_start3A_29[%dma_start3A_30, %dma_start3A_31] : memref<10000x64xf32, #tpu.memory_space<hbm>> -> memref<10000x64xf32, #tpu.memory_space<hbm>>
    tpu.enqueue_indirect_dma source(%dma_start3A_32 : memref<10000x64xf32, #tpu.memory_space<hbm>>) target(%arg8 : memref<128x64xf32, #tpu.memory_space<vmem>>) offsets(%dma_start3A_25 : memref<128xi32, #tpu.memory_space<vmem>>) semaphore(%arg14 : memref<!tpu.dma_semaphore, #tpu.memory_space<semaphore_mem>>)
    %dma_start3A_33 = arith.constant 1 : i32
    %dma_start3A_34 = arith.constant 0 : i32
    %dma_start3A_35 = tpu.memref_slice %arg6[%dma_start3A_33, %dma_start3A_34] : memref<157x128xi32, #tpu.memory_space<vmem>> -> memref<1x128xi32, #tpu.memory_space<vmem>>
    %dma_start3A_36 = tpu.memref_squeeze %dma_start3A_35 : memref<1x128xi32, #tpu.memory_space<vmem>> -> memref<128xi32, #tpu.memory_space<vmem>>
    %dma_start3A_37 = arith.constant 0 : i32
    %dma_start3A_38 = arith.constant 0 : i32
    %dma_start3A_39 = tpu.memref_slice %arg2[%arg0, %dma_start3A_37, %dma_start3A_38] : memref<2x10000x64xf32, #tpu.memory_space<hbm>> -> memref<1x10000x64xf32, #tpu.memory_space<hbm>>
    %dma_start3A_40 = tpu.memref_squeeze %dma_start3A_39 : memref<1x10000x64xf32, #tpu.memory_space<hbm>> -> memref<10000x64xf32, #tpu.memory_space<hbm>>
    %dma_start3A_41 = arith.constant 0 : i32
    %dma_start3A_42 = arith.constant 0 : i32
    %dma_start3A_43 = tpu.memref_slice %dma_start3A_40[%dma_start3A_41, %dma_start3A_42] : memref<10000x64xf32, #tpu.memory_space<hbm>> -> memref<10000x64xf32, #tpu.memory_space<hbm>>
    tpu.enqueue_indirect_dma source(%dma_start3A_43 : memref<10000x64xf32, #tpu.memory_space<hbm>>) target(%arg9 : memref<128x64xf32, #tpu.memory_space<vmem>>) offsets(%dma_start3A_36 : memref<128xi32, #tpu.memory_space<vmem>>) semaphore(%arg15 : memref<!tpu.dma_semaphore, #tpu.memory_space<semaphore_mem>>)
    %dma_start3A_44 = arith.constant 2 : i32
    %dma_start3A_45 = arith.constant 0 : i32
    %dma_start3A_46 = tpu.memref_slice %arg6[%dma_start3A_44, %dma_start3A_45] : memref<157x128xi32, #tpu.memory_space<vmem>> -> memref<1x128xi32, #tpu.memory_space<vmem>>
    %dma_start3A_47 = tpu.memref_squeeze %dma_start3A_46 : memref<1x128xi32, #tpu.memory_space<vmem>> -> memref<128xi32, #tpu.memory_space<vmem>>
    %dma_start3A_48 = arith.constant 0 : i32
    %dma_start3A_49 = arith.constant 0 : i32
    %dma_start3A_50 = tpu.memref_slice %arg2[%arg0, %dma_start3A_48, %dma_start3A_49] : memref<2x10000x64xf32, #tpu.memory_space<hbm>> -> memref<1x10000x64xf32, #tpu.memory_space<hbm>>
    %dma_start3A_51 = tpu.memref_squeeze %dma_start3A_50 : memref<1x10000x64xf32, #tpu.memory_space<hbm>> -> memref<10000x64xf32, #tpu.memory_space<hbm>>
    %dma_start3A_52 = arith.constant 0 : i32
    %dma_start3A_53 = arith.constant 0 : i32
    %dma_start3A_54 = tpu.memref_slice %dma_start3A_51[%dma_start3A_52, %dma_start3A_53] : memref<10000x64xf32, #tpu.memory_space<hbm>> -> memref<10000x64xf32, #tpu.memory_space<hbm>>
    tpu.enqueue_indirect_dma source(%dma_start3A_54 : memref<10000x64xf32, #tpu.memory_space<hbm>>) target(%arg10 : memref<128x64xf32, #tpu.memory_space<vmem>>) offsets(%dma_start3A_47 : memref<128xi32, #tpu.memory_space<vmem>>) semaphore(%arg16 : memref<!tpu.dma_semaphore, #tpu.memory_space<semaphore_mem>>)
    %dma_wait3A = arith.constant 0 : i32
    %dma_wait3A_55 = arith.constant 0 : i32
    %dma_wait3A_56 = tpu.memref_slice %arg6[%dma_wait3A, %dma_wait3A_55] : memref<157x128xi32, #tpu.memory_space<vmem>> -> memref<1x128xi32, #tpu.memory_space<vmem>>
    %dma_wait3A_57 = tpu.memref_squeeze %dma_wait3A_56 : memref<1x128xi32, #tpu.memory_space<vmem>> -> memref<128xi32, #tpu.memory_space<vmem>>
    %dma_wait3A_58 = arith.constant 0 : i32
    %dma_wait3A_59 = arith.constant 0 : i32
    %dma_wait3A_60 = tpu.memref_slice %arg2[%arg0, %dma_wait3A_58, %dma_wait3A_59] : memref<2x10000x64xf32, #tpu.memory_space<hbm>> -> memref<1x10000x64xf32, #tpu.memory_space<hbm>>
    %dma_wait3A_61 = tpu.memref_squeeze %dma_wait3A_60 : memref<1x10000x64xf32, #tpu.memory_space<hbm>> -> memref<10000x64xf32, #tpu.memory_space<hbm>>
    %dma_wait3A_62 = arith.constant 0 : i32
    %dma_wait3A_63 = arith.constant 0 : i32
    %dma_wait3A_64 = tpu.memref_slice %dma_wait3A_61[%dma_wait3A_62, %dma_wait3A_63] : memref<10000x64xf32, #tpu.memory_space<hbm>> -> memref<10000x64xf32, #tpu.memory_space<hbm>>
    tpu.wait_indirect_dma semaphore(%arg14 : memref<!tpu.dma_semaphore, #tpu.memory_space<semaphore_mem>>) src(%dma_wait3A_64 : memref<10000x64xf32, #tpu.memory_space<hbm>>) dst(%arg8 : memref<128x64xf32, #tpu.memory_space<vmem>>)
    %dma_start3A_65 = arith.constant 0 : i32
    %dma_start3A_66 = arith.constant 0 : i32
    %dma_start3A_67 = tpu.memref_slice %arg7[%dma_start3A_65, %dma_start3A_66] : memref<157x128xi32, #tpu.memory_space<vmem>> -> memref<1x128xi32, #tpu.memory_space<vmem>>
    %dma_start3A_68 = tpu.memref_squeeze %dma_start3A_67 : memref<1x128xi32, #tpu.memory_space<vmem>> -> memref<128xi32, #tpu.memory_space<vmem>>
    %dma_start3A_69 = arith.constant 0 : i32
    %dma_start3A_70 = arith.constant 0 : i32
    %dma_start3A_71 = tpu.memref_slice %arg13[%dma_start3A_69, %dma_start3A_70] : memref<10240x64xf32, #tpu.memory_space<vmem_shared>> -> memref<10240x64xf32, #tpu.memory_space<vmem_shared>>
    tpu.enqueue_indirect_dma source(%arg8 : memref<128x64xf32, #tpu.memory_space<vmem>>) target(%dma_start3A_71 : memref<10240x64xf32, #tpu.memory_space<vmem_shared>>) offsets(%dma_start3A_68 : memref<128xi32, #tpu.memory_space<vmem>>) semaphore(%arg18 : memref<!tpu.dma_semaphore, #tpu.memory_space<semaphore_mem>>) {add = true}
    %dma_start3A_72 = arith.constant 3 : i32
    %dma_start3A_73 = arith.constant 0 : i32
    %dma_start3A_74 = tpu.memref_slice %arg6[%dma_start3A_72, %dma_start3A_73] : memref<157x128xi32, #tpu.memory_space<vmem>> -> memref<1x128xi32, #tpu.memory_space<vmem>>
    %dma_start3A_75 = tpu.memref_squeeze %dma_start3A_74 : memref<1x128xi32, #tpu.memory_space<vmem>> -> memref<128xi32, #tpu.memory_space<vmem>>
    %dma_start3A_76 = arith.constant 0 : i32
    %dma_start3A_77 = arith.constant 0 : i32
    %dma_start3A_78 = tpu.memref_slice %arg2[%arg0, %dma_start3A_76, %dma_start3A_77] : memref<2x10000x64xf32, #tpu.memory_space<hbm>> -> memref<1x10000x64xf32, #tpu.memory_space<hbm>>
    %dma_start3A_79 = tpu.memref_squeeze %dma_start3A_78 : memref<1x10000x64xf32, #tpu.memory_space<hbm>> -> memref<10000x64xf32, #tpu.memory_space<hbm>>
    %dma_start3A_80 = arith.constant 0 : i32
    %dma_start3A_81 = arith.constant 0 : i32
    %dma_start3A_82 = tpu.memref_slice %dma_start3A_79[%dma_start3A_80, %dma_start3A_81] : memref<10000x64xf32, #tpu.memory_space<hbm>> -> memref<10000x64xf32, #tpu.memory_space<hbm>>
    tpu.enqueue_indirect_dma source(%dma_start3A_82 : memref<10000x64xf32, #tpu.memory_space<hbm>>) target(%arg11 : memref<128x64xf32, #tpu.memory_space<vmem>>) offsets(%dma_start3A_75 : memref<128xi32, #tpu.memory_space<vmem>>) semaphore(%arg17 : memref<!tpu.dma_semaphore, #tpu.memory_space<semaphore_mem>>)
    %scan3A_83 = arith.constant 0 : i32
    %scan3A_84 = arith.constant 0 : i32
    %scan3A_85 = arith.constant 38 : i32
    %scan3A_86 = arith.addi %scan3A_84, %scan3A_85 : i32
    %scan3A_87 = arith.constant 1 : i32
    scf.for %scan3A_248 = %scan3A_84 to %scan3A_86 step %scan3A_87  : i32 {
      %mul3A_249 = arith.constant 4 : i32
      %mul3A_250 = arith.muli %mul3A_249, %scan3A_248 : i32
      %add3A_251 = arith.constant 1 : i32
      %add3A_252 = arith.addi %mul3A_250, %add3A_251 : i32
      %add3A_253 = arith.constant 0 : i32
      %add3A_254 = arith.addi %add3A_252, %add3A_253 : i32
      %dma_wait3A_255 = arith.constant 0 : i32
      %dma_wait3A_256 = arith.constant 0 : i32
      %dma_wait3A_257 = tpu.memref_slice %arg6[%dma_wait3A_255, %dma_wait3A_256] : memref<157x128xi32, #tpu.memory_space<vmem>> -> memref<1x128xi32, #tpu.memory_space<vmem>>
      %dma_wait3A_258 = tpu.memref_squeeze %dma_wait3A_257 : memref<1x128xi32, #tpu.memory_space<vmem>> -> memref<128xi32, #tpu.memory_space<vmem>>
      %dma_wait3A_259 = arith.constant 0 : i32
      %dma_wait3A_260 = arith.constant 0 : i32
      %dma_wait3A_261 = tpu.memref_slice %arg2[%arg0, %dma_wait3A_259, %dma_wait3A_260] : memref<2x10000x64xf32, #tpu.memory_space<hbm>> -> memref<1x10000x64xf32, #tpu.memory_space<hbm>>
      %dma_wait3A_262 = tpu.memref_squeeze %dma_wait3A_261 : memref<1x10000x64xf32, #tpu.memory_space<hbm>> -> memref<10000x64xf32, #tpu.memory_space<hbm>>
      %dma_wait3A_263 = arith.constant 0 : i32
      %dma_wait3A_264 = arith.constant 0 : i32
      %dma_wait3A_265 = tpu.memref_slice %dma_wait3A_262[%dma_wait3A_263, %dma_wait3A_264] : memref<10000x64xf32, #tpu.memory_space<hbm>> -> memref<10000x64xf32, #tpu.memory_space<hbm>>
      tpu.wait_indirect_dma semaphore(%arg15 : memref<!tpu.dma_semaphore, #tpu.memory_space<semaphore_mem>>) src(%dma_wait3A_265 : memref<10000x64xf32, #tpu.memory_space<hbm>>) dst(%arg9 : memref<128x64xf32, #tpu.memory_space<vmem>>)
      %dma_start3A_266 = arith.constant 0 : i32
      %dma_start3A_267 = tpu.memref_slice %arg7[%add3A_254, %dma_start3A_266] : memref<157x128xi32, #tpu.memory_space<vmem>> -> memref<1x128xi32, #tpu.memory_space<vmem>>
      %dma_start3A_268 = tpu.memref_squeeze %dma_start3A_267 : memref<1x128xi32, #tpu.memory_space<vmem>> -> memref<128xi32, #tpu.memory_space<vmem>>
      %dma_start3A_269 = arith.constant 0 : i32
      %dma_start3A_270 = arith.constant 0 : i32
      %dma_start3A_271 = tpu.memref_slice %arg13[%dma_start3A_269, %dma_start3A_270] : memref<10240x64xf32, #tpu.memory_space<vmem_shared>> -> memref<10240x64xf32, #tpu.memory_space<vmem_shared>>
      tpu.enqueue_indirect_dma source(%arg9 : memref<128x64xf32, #tpu.memory_space<vmem>>) target(%dma_start3A_271 : memref<10240x64xf32, #tpu.memory_space<vmem_shared>>) offsets(%dma_start3A_268 : memref<128xi32, #tpu.memory_space<vmem>>) semaphore(%arg19 : memref<!tpu.dma_semaphore, #tpu.memory_space<semaphore_mem>>) {add = true}
      %dma_wait3A_272 = arith.constant 0 : i32
      %dma_wait3A_273 = arith.constant 0 : i32
      %dma_wait3A_274 = tpu.memref_slice %arg7[%dma_wait3A_272, %dma_wait3A_273] : memref<157x128xi32, #tpu.memory_space<vmem>> -> memref<1x128xi32, #tpu.memory_space<vmem>>
      %dma_wait3A_275 = tpu.memref_squeeze %dma_wait3A_274 : memref<1x128xi32, #tpu.memory_space<vmem>> -> memref<128xi32, #tpu.memory_space<vmem>>
      %dma_wait3A_276 = arith.constant 0 : i32
      %dma_wait3A_277 = arith.constant 0 : i32
      %dma_wait3A_278 = tpu.memref_slice %arg13[%dma_wait3A_276, %dma_wait3A_277] : memref<10240x64xf32, #tpu.memory_space<vmem_shared>> -> memref<10240x64xf32, #tpu.memory_space<vmem_shared>>
      tpu.wait_indirect_dma semaphore(%arg18 : memref<!tpu.dma_semaphore, #tpu.memory_space<semaphore_mem>>) src(%arg8 : memref<128x64xf32, #tpu.memory_space<vmem>>) dst(%dma_wait3A_278 : memref<10240x64xf32, #tpu.memory_space<vmem_shared>>)
      %add3A_279 = arith.constant 3 : i32
      %add3A_280 = arith.addi %add3A_254, %add3A_279 : i32
      %dma_start3A_281 = arith.constant 0 : i32
      %dma_start3A_282 = tpu.memref_slice %arg6[%add3A_280, %dma_start3A_281] : memref<157x128xi32, #tpu.memory_space<vmem>> -> memref<1x128xi32, #tpu.memory_space<vmem>>
      %dma_start3A_283 = tpu.memref_squeeze %dma_start3A_282 : memref<1x128xi32, #tpu.memory_space<vmem>> -> memref<128xi32, #tpu.memory_space<vmem>>
      %dma_start3A_284 = arith.constant 0 : i32
      %dma_start3A_285 = arith.constant 0 : i32
      %dma_start3A_286 = tpu.memref_slice %arg2[%arg0, %dma_start3A_284, %dma_start3A_285] : memref<2x10000x64xf32, #tpu.memory_space<hbm>> -> memref<1x10000x64xf32, #tpu.memory_space<hbm>>
      %dma_start3A_287 = tpu.memref_squeeze %dma_start3A_286 : memref<1x10000x64xf32, #tpu.memory_space<hbm>> -> memref<10000x64xf32, #tpu.memory_space<hbm>>
      %dma_start3A_288 = arith.constant 0 : i32
      %dma_start3A_289 = arith.constant 0 : i32
      %dma_start3A_290 = tpu.memref_slice %dma_start3A_287[%dma_start3A_288, %dma_start3A_289] : memref<10000x64xf32, #tpu.memory_space<hbm>> -> memref<10000x64xf32, #tpu.memory_space<hbm>>
      tpu.enqueue_indirect_dma source(%dma_start3A_290 : memref<10000x64xf32, #tpu.memory_space<hbm>>) target(%arg8 : memref<128x64xf32, #tpu.memory_space<vmem>>) offsets(%dma_start3A_283 : memref<128xi32, #tpu.memory_space<vmem>>) semaphore(%arg14 : memref<!tpu.dma_semaphore, #tpu.memory_space<semaphore_mem>>)
      %mul3A_291 = arith.constant 4 : i32
      %mul3A_292 = arith.muli %mul3A_291, %scan3A_248 : i32
      %add3A_293 = arith.constant 1 : i32
      %add3A_294 = arith.addi %mul3A_292, %add3A_293 : i32
      %add3A_295 = arith.constant 1 : i32
      %add3A_296 = arith.addi %add3A_294, %add3A_295 : i32
      %dma_wait3A_297 = arith.constant 0 : i32
      %dma_wait3A_298 = arith.constant 0 : i32
      %dma_wait3A_299 = tpu.memref_slice %arg6[%dma_wait3A_297, %dma_wait3A_298] : memref<157x128xi32, #tpu.memory_space<vmem>> -> memref<1x128xi32, #tpu.memory_space<vmem>>
      %dma_wait3A_300 = tpu.memref_squeeze %dma_wait3A_299 : memref<1x128xi32, #tpu.memory_space<vmem>> -> memref<128xi32, #tpu.memory_space<vmem>>
      %dma_wait3A_301 = arith.constant 0 : i32
      %dma_wait3A_302 = arith.constant 0 : i32
      %dma_wait3A_303 = tpu.memref_slice %arg2[%arg0, %dma_wait3A_301, %dma_wait3A_302] : memref<2x10000x64xf32, #tpu.memory_space<hbm>> -> memref<1x10000x64xf32, #tpu.memory_space<hbm>>
      %dma_wait3A_304 = tpu.memref_squeeze %dma_wait3A_303 : memref<1x10000x64xf32, #tpu.memory_space<hbm>> -> memref<10000x64xf32, #tpu.memory_space<hbm>>
      %dma_wait3A_305 = arith.constant 0 : i32
      %dma_wait3A_306 = arith.constant 0 : i32
      %dma_wait3A_307 = tpu.memref_slice %dma_wait3A_304[%dma_wait3A_305, %dma_wait3A_306] : memref<10000x64xf32, #tpu.memory_space<hbm>> -> memref<10000x64xf32, #tpu.memory_space<hbm>>
      tpu.wait_indirect_dma semaphore(%arg16 : memref<!tpu.dma_semaphore, #tpu.memory_space<semaphore_mem>>) src(%dma_wait3A_307 : memref<10000x64xf32, #tpu.memory_space<hbm>>) dst(%arg10 : memref<128x64xf32, #tpu.memory_space<vmem>>)
      %dma_start3A_308 = arith.constant 0 : i32
      %dma_start3A_309 = tpu.memref_slice %arg7[%add3A_296, %dma_start3A_308] : memref<157x128xi32, #tpu.memory_space<vmem>> -> memref<1x128xi32, #tpu.memory_space<vmem>>
      %dma_start3A_310 = tpu.memref_squeeze %dma_start3A_309 : memref<1x128xi32, #tpu.memory_space<vmem>> -> memref<128xi32, #tpu.memory_space<vmem>>
      %dma_start3A_311 = arith.constant 0 : i32
      %dma_start3A_312 = arith.constant 0 : i32
      %dma_start3A_313 = tpu.memref_slice %arg13[%dma_start3A_311, %dma_start3A_312] : memref<10240x64xf32, #tpu.memory_space<vmem_shared>> -> memref<10240x64xf32, #tpu.memory_space<vmem_shared>>
      tpu.enqueue_indirect_dma source(%arg10 : memref<128x64xf32, #tpu.memory_space<vmem>>) target(%dma_start3A_313 : memref<10240x64xf32, #tpu.memory_space<vmem_shared>>) offsets(%dma_start3A_310 : memref<128xi32, #tpu.memory_space<vmem>>) semaphore(%arg20 : memref<!tpu.dma_semaphore, #tpu.memory_space<semaphore_mem>>) {add = true}
      %dma_wait3A_314 = arith.constant 0 : i32
      %dma_wait3A_315 = arith.constant 0 : i32
      %dma_wait3A_316 = tpu.memref_slice %arg7[%dma_wait3A_314, %dma_wait3A_315] : memref<157x128xi32, #tpu.memory_space<vmem>> -> memref<1x128xi32, #tpu.memory_space<vmem>>
      %dma_wait3A_317 = tpu.memref_squeeze %dma_wait3A_316 : memref<1x128xi32, #tpu.memory_space<vmem>> -> memref<128xi32, #tpu.memory_space<vmem>>
      %dma_wait3A_318 = arith.constant 0 : i32
      %dma_wait3A_319 = arith.constant 0 : i32
      %dma_wait3A_320 = tpu.memref_slice %arg13[%dma_wait3A_318, %dma_wait3A_319] : memref<10240x64xf32, #tpu.memory_space<vmem_shared>> -> memref<10240x64xf32, #tpu.memory_space<vmem_shared>>
      tpu.wait_indirect_dma semaphore(%arg19 : memref<!tpu.dma_semaphore, #tpu.memory_space<semaphore_mem>>) src(%arg9 : memref<128x64xf32, #tpu.memory_space<vmem>>) dst(%dma_wait3A_320 : memref<10240x64xf32, #tpu.memory_space<vmem_shared>>)
      %add3A_321 = arith.constant 3 : i32
      %add3A_322 = arith.addi %add3A_296, %add3A_321 : i32
      %dma_start3A_323 = arith.constant 0 : i32
      %dma_start3A_324 = tpu.memref_slice %arg6[%add3A_322, %dma_start3A_323] : memref<157x128xi32, #tpu.memory_space<vmem>> -> memref<1x128xi32, #tpu.memory_space<vmem>>
      %dma_start3A_325 = tpu.memref_squeeze %dma_start3A_324 : memref<1x128xi32, #tpu.memory_space<vmem>> -> memref<128xi32, #tpu.memory_space<vmem>>
      %dma_start3A_326 = arith.constant 0 : i32
      %dma_start3A_327 = arith.constant 0 : i32
      %dma_start3A_328 = tpu.memref_slice %arg2[%arg0, %dma_start3A_326, %dma_start3A_327] : memref<2x10000x64xf32, #tpu.memory_space<hbm>> -> memref<1x10000x64xf32, #tpu.memory_space<hbm>>
      %dma_start3A_329 = tpu.memref_squeeze %dma_start3A_328 : memref<1x10000x64xf32, #tpu.memory_space<hbm>> -> memref<10000x64xf32, #tpu.memory_space<hbm>>
      %dma_start3A_330 = arith.constant 0 : i32
      %dma_start3A_331 = arith.constant 0 : i32
      %dma_start3A_332 = tpu.memref_slice %dma_start3A_329[%dma_start3A_330, %dma_start3A_331] : memref<10000x64xf32, #tpu.memory_space<hbm>> -> memref<10000x64xf32, #tpu.memory_space<hbm>>
      tpu.enqueue_indirect_dma source(%dma_start3A_332 : memref<10000x64xf32, #tpu.memory_space<hbm>>) target(%arg9 : memref<128x64xf32, #tpu.memory_space<vmem>>) offsets(%dma_start3A_325 : memref<128xi32, #tpu.memory_space<vmem>>) semaphore(%arg15 : memref<!tpu.dma_semaphore, #tpu.memory_space<semaphore_mem>>)
      %mul3A_333 = arith.constant 4 : i32
      %mul3A_334 = arith.muli %mul3A_333, %scan3A_248 : i32
      %add3A_335 = arith.constant 1 : i32
      %add3A_336 = arith.addi %mul3A_334, %add3A_335 : i32
      %add3A_337 = arith.constant 2 : i32
      %add3A_338 = arith.addi %add3A_336, %add3A_337 : i32
      %dma_wait3A_339 = arith.constant 0 : i32
      %dma_wait3A_340 = arith.constant 0 : i32
      %dma_wait3A_341 = tpu.memref_slice %arg6[%dma_wait3A_339, %dma_wait3A_340] : memref<157x128xi32, #tpu.memory_space<vmem>> -> memref<1x128xi32, #tpu.memory_space<vmem>>
      %dma_wait3A_342 = tpu.memref_squeeze %dma_wait3A_341 : memref<1x128xi32, #tpu.memory_space<vmem>> -> memref<128xi32, #tpu.memory_space<vmem>>
      %dma_wait3A_343 = arith.constant 0 : i32
      %dma_wait3A_344 = arith.constant 0 : i32
      %dma_wait3A_345 = tpu.memref_slice %arg2[%arg0, %dma_wait3A_343, %dma_wait3A_344] : memref<2x10000x64xf32, #tpu.memory_space<hbm>> -> memref<1x10000x64xf32, #tpu.memory_space<hbm>>
      %dma_wait3A_346 = tpu.memref_squeeze %dma_wait3A_345 : memref<1x10000x64xf32, #tpu.memory_space<hbm>> -> memref<10000x64xf32, #tpu.memory_space<hbm>>
      %dma_wait3A_347 = arith.constant 0 : i32
      %dma_wait3A_348 = arith.constant 0 : i32
      %dma_wait3A_349 = tpu.memref_slice %dma_wait3A_346[%dma_wait3A_347, %dma_wait3A_348] : memref<10000x64xf32, #tpu.memory_space<hbm>> -> memref<10000x64xf32, #tpu.memory_space<hbm>>
      tpu.wait_indirect_dma semaphore(%arg17 : memref<!tpu.dma_semaphore, #tpu.memory_space<semaphore_mem>>) src(%dma_wait3A_349 : memref<10000x64xf32, #tpu.memory_space<hbm>>) dst(%arg11 : memref<128x64xf32, #tpu.memory_space<vmem>>)
      %dma_start3A_350 = arith.constant 0 : i32
      %dma_start3A_351 = tpu.memref_slice %arg7[%add3A_338, %dma_start3A_350] : memref<157x128xi32, #tpu.memory_space<vmem>> -> memref<1x128xi32, #tpu.memory_space<vmem>>
      %dma_start3A_352 = tpu.memref_squeeze %dma_start3A_351 : memref<1x128xi32, #tpu.memory_space<vmem>> -> memref<128xi32, #tpu.memory_space<vmem>>
      %dma_start3A_353 = arith.constant 0 : i32
      %dma_start3A_354 = arith.constant 0 : i32
      %dma_start3A_355 = tpu.memref_slice %arg13[%dma_start3A_353, %dma_start3A_354] : memref<10240x64xf32, #tpu.memory_space<vmem_shared>> -> memref<10240x64xf32, #tpu.memory_space<vmem_shared>>
      tpu.enqueue_indirect_dma source(%arg11 : memref<128x64xf32, #tpu.memory_space<vmem>>) target(%dma_start3A_355 : memref<10240x64xf32, #tpu.memory_space<vmem_shared>>) offsets(%dma_start3A_352 : memref<128xi32, #tpu.memory_space<vmem>>) semaphore(%arg21 : memref<!tpu.dma_semaphore, #tpu.memory_space<semaphore_mem>>) {add = true}
      %dma_wait3A_356 = arith.constant 0 : i32
      %dma_wait3A_357 = arith.constant 0 : i32
      %dma_wait3A_358 = tpu.memref_slice %arg7[%dma_wait3A_356, %dma_wait3A_357] : memref<157x128xi32, #tpu.memory_space<vmem>> -> memref<1x128xi32, #tpu.memory_space<vmem>>
      %dma_wait3A_359 = tpu.memref_squeeze %dma_wait3A_358 : memref<1x128xi32, #tpu.memory_space<vmem>> -> memref<128xi32, #tpu.memory_space<vmem>>
      %dma_wait3A_360 = arith.constant 0 : i32
      %dma_wait3A_361 = arith.constant 0 : i32
      %dma_wait3A_362 = tpu.memref_slice %arg13[%dma_wait3A_360, %dma_wait3A_361] : memref<10240x64xf32, #tpu.memory_space<vmem_shared>> -> memref<10240x64xf32, #tpu.memory_space<vmem_shared>>
      tpu.wait_indirect_dma semaphore(%arg20 : memref<!tpu.dma_semaphore, #tpu.memory_space<semaphore_mem>>) src(%arg10 : memref<128x64xf32, #tpu.memory_space<vmem>>) dst(%dma_wait3A_362 : memref<10240x64xf32, #tpu.memory_space<vmem_shared>>)
      %add3A_363 = arith.constant 3 : i32
      %add3A_364 = arith.addi %add3A_338, %add3A_363 : i32
      %dma_start3A_365 = arith.constant 0 : i32
      %dma_start3A_366 = tpu.memref_slice %arg6[%add3A_364, %dma_start3A_365] : memref<157x128xi32, #tpu.memory_space<vmem>> -> memref<1x128xi32, #tpu.memory_space<vmem>>
      %dma_start3A_367 = tpu.memref_squeeze %dma_start3A_366 : memref<1x128xi32, #tpu.memory_space<vmem>> -> memref<128xi32, #tpu.memory_space<vmem>>
      %dma_start3A_368 = arith.constant 0 : i32
      %dma_start3A_369 = arith.constant 0 : i32
      %dma_start3A_370 = tpu.memref_slice %arg2[%arg0, %dma_start3A_368, %dma_start3A_369] : memref<2x10000x64xf32, #tpu.memory_space<hbm>> -> memref<1x10000x64xf32, #tpu.memory_space<hbm>>
      %dma_start3A_371 = tpu.memref_squeeze %dma_start3A_370 : memref<1x10000x64xf32, #tpu.memory_space<hbm>> -> memref<10000x64xf32, #tpu.memory_space<hbm>>
      %dma_start3A_372 = arith.constant 0 : i32
      %dma_start3A_373 = arith.constant 0 : i32
      %dma_start3A_374 = tpu.memref_slice %dma_start3A_371[%dma_start3A_372, %dma_start3A_373] : memref<10000x64xf32, #tpu.memory_space<hbm>> -> memref<10000x64xf32, #tpu.memory_space<hbm>>
      tpu.enqueue_indirect_dma source(%dma_start3A_374 : memref<10000x64xf32, #tpu.memory_space<hbm>>) target(%arg10 : memref<128x64xf32, #tpu.memory_space<vmem>>) offsets(%dma_start3A_367 : memref<128xi32, #tpu.memory_space<vmem>>) semaphore(%arg16 : memref<!tpu.dma_semaphore, #tpu.memory_space<semaphore_mem>>)
      %mul3A_375 = arith.constant 4 : i32
      %mul3A_376 = arith.muli %mul3A_375, %scan3A_248 : i32
      %add3A_377 = arith.constant 1 : i32
      %add3A_378 = arith.addi %mul3A_376, %add3A_377 : i32
      %add3A_379 = arith.constant 3 : i32
      %add3A_380 = arith.addi %add3A_378, %add3A_379 : i32
      %dma_wait3A_381 = arith.constant 0 : i32
      %dma_wait3A_382 = arith.constant 0 : i32
      %dma_wait3A_383 = tpu.memref_slice %arg6[%dma_wait3A_381, %dma_wait3A_382] : memref<157x128xi32, #tpu.memory_space<vmem>> -> memref<1x128xi32, #tpu.memory_space<vmem>>
      %dma_wait3A_384 = tpu.memref_squeeze %dma_wait3A_383 : memref<1x128xi32, #tpu.memory_space<vmem>> -> memref<128xi32, #tpu.memory_space<vmem>>
      %dma_wait3A_385 = arith.constant 0 : i32
      %dma_wait3A_386 = arith.constant 0 : i32
      %dma_wait3A_387 = tpu.memref_slice %arg2[%arg0, %dma_wait3A_385, %dma_wait3A_386] : memref<2x10000x64xf32, #tpu.memory_space<hbm>> -> memref<1x10000x64xf32, #tpu.memory_space<hbm>>
      %dma_wait3A_388 = tpu.memref_squeeze %dma_wait3A_387 : memref<1x10000x64xf32, #tpu.memory_space<hbm>> -> memref<10000x64xf32, #tpu.memory_space<hbm>>
      %dma_wait3A_389 = arith.constant 0 : i32
      %dma_wait3A_390 = arith.constant 0 : i32
      %dma_wait3A_391 = tpu.memref_slice %dma_wait3A_388[%dma_wait3A_389, %dma_wait3A_390] : memref<10000x64xf32, #tpu.memory_space<hbm>> -> memref<10000x64xf32, #tpu.memory_space<hbm>>
      tpu.wait_indirect_dma semaphore(%arg14 : memref<!tpu.dma_semaphore, #tpu.memory_space<semaphore_mem>>) src(%dma_wait3A_391 : memref<10000x64xf32, #tpu.memory_space<hbm>>) dst(%arg8 : memref<128x64xf32, #tpu.memory_space<vmem>>)
      %dma_start3A_392 = arith.constant 0 : i32
      %dma_start3A_393 = tpu.memref_slice %arg7[%add3A_380, %dma_start3A_392] : memref<157x128xi32, #tpu.memory_space<vmem>> -> memref<1x128xi32, #tpu.memory_space<vmem>>
      %dma_start3A_394 = tpu.memref_squeeze %dma_start3A_393 : memref<1x128xi32, #tpu.memory_space<vmem>> -> memref<128xi32, #tpu.memory_space<vmem>>
      %dma_start3A_395 = arith.constant 0 : i32
      %dma_start3A_396 = arith.constant 0 : i32
      %dma_start3A_397 = tpu.memref_slice %arg13[%dma_start3A_395, %dma_start3A_396] : memref<10240x64xf32, #tpu.memory_space<vmem_shared>> -> memref<10240x64xf32, #tpu.memory_space<vmem_shared>>
      tpu.enqueue_indirect_dma source(%arg8 : memref<128x64xf32, #tpu.memory_space<vmem>>) target(%dma_start3A_397 : memref<10240x64xf32, #tpu.memory_space<vmem_shared>>) offsets(%dma_start3A_394 : memref<128xi32, #tpu.memory_space<vmem>>) semaphore(%arg18 : memref<!tpu.dma_semaphore, #tpu.memory_space<semaphore_mem>>) {add = true}
      %dma_wait3A_398 = arith.constant 0 : i32
      %dma_wait3A_399 = arith.constant 0 : i32
      %dma_wait3A_400 = tpu.memref_slice %arg7[%dma_wait3A_398, %dma_wait3A_399] : memref<157x128xi32, #tpu.memory_space<vmem>> -> memref<1x128xi32, #tpu.memory_space<vmem>>
      %dma_wait3A_401 = tpu.memref_squeeze %dma_wait3A_400 : memref<1x128xi32, #tpu.memory_space<vmem>> -> memref<128xi32, #tpu.memory_space<vmem>>
      %dma_wait3A_402 = arith.constant 0 : i32
      %dma_wait3A_403 = arith.constant 0 : i32
      %dma_wait3A_404 = tpu.memref_slice %arg13[%dma_wait3A_402, %dma_wait3A_403] : memref<10240x64xf32, #tpu.memory_space<vmem_shared>> -> memref<10240x64xf32, #tpu.memory_space<vmem_shared>>
      tpu.wait_indirect_dma semaphore(%arg21 : memref<!tpu.dma_semaphore, #tpu.memory_space<semaphore_mem>>) src(%arg11 : memref<128x64xf32, #tpu.memory_space<vmem>>) dst(%dma_wait3A_404 : memref<10240x64xf32, #tpu.memory_space<vmem_shared>>)
      %add3A_405 = arith.constant 3 : i32
      %add3A_406 = arith.addi %add3A_380, %add3A_405 : i32
      %dma_start3A_407 = arith.constant 0 : i32
      %dma_start3A_408 = tpu.memref_slice %arg6[%add3A_406, %dma_start3A_407] : memref<157x128xi32, #tpu.memory_space<vmem>> -> memref<1x128xi32, #tpu.memory_space<vmem>>
      %dma_start3A_409 = tpu.memref_squeeze %dma_start3A_408 : memref<1x128xi32, #tpu.memory_space<vmem>> -> memref<128xi32, #tpu.memory_space<vmem>>
      %dma_start3A_410 = arith.constant 0 : i32
      %dma_start3A_411 = arith.constant 0 : i32
      %dma_start3A_412 = tpu.memref_slice %arg2[%arg0, %dma_start3A_410, %dma_start3A_411] : memref<2x10000x64xf32, #tpu.memory_space<hbm>> -> memref<1x10000x64xf32, #tpu.memory_space<hbm>>
      %dma_start3A_413 = tpu.memref_squeeze %dma_start3A_412 : memref<1x10000x64xf32, #tpu.memory_space<hbm>> -> memref<10000x64xf32, #tpu.memory_space<hbm>>
      %dma_start3A_414 = arith.constant 0 : i32
      %dma_start3A_415 = arith.constant 0 : i32
      %dma_start3A_416 = tpu.memref_slice %dma_start3A_413[%dma_start3A_414, %dma_start3A_415] : memref<10000x64xf32, #tpu.memory_space<hbm>> -> memref<10000x64xf32, #tpu.memory_space<hbm>>
      tpu.enqueue_indirect_dma source(%dma_start3A_416 : memref<10000x64xf32, #tpu.memory_space<hbm>>) target(%arg11 : memref<128x64xf32, #tpu.memory_space<vmem>>) offsets(%dma_start3A_409 : memref<128xi32, #tpu.memory_space<vmem>>) semaphore(%arg17 : memref<!tpu.dma_semaphore, #tpu.memory_space<semaphore_mem>>)
    }
    %scan3A_88 = arith.constant 38 : i32
    %dma_wait3A_89 = arith.constant 0 : i32
    %dma_wait3A_90 = arith.constant 0 : i32
    %dma_wait3A_91 = tpu.memref_slice %arg6[%dma_wait3A_89, %dma_wait3A_90] : memref<157x128xi32, #tpu.memory_space<vmem>> -> memref<1x128xi32, #tpu.memory_space<vmem>>
    %dma_wait3A_92 = tpu.memref_squeeze %dma_wait3A_91 : memref<1x128xi32, #tpu.memory_space<vmem>> -> memref<128xi32, #tpu.memory_space<vmem>>
    %dma_wait3A_93 = arith.constant 0 : i32
    %dma_wait3A_94 = arith.constant 0 : i32
    %dma_wait3A_95 = tpu.memref_slice %arg2[%arg0, %dma_wait3A_93, %dma_wait3A_94] : memref<2x10000x64xf32, #tpu.memory_space<hbm>> -> memref<1x10000x64xf32, #tpu.memory_space<hbm>>
    %dma_wait3A_96 = tpu.memref_squeeze %dma_wait3A_95 : memref<1x10000x64xf32, #tpu.memory_space<hbm>> -> memref<10000x64xf32, #tpu.memory_space<hbm>>
    %dma_wait3A_97 = arith.constant 0 : i32
    %dma_wait3A_98 = arith.constant 0 : i32
    %dma_wait3A_99 = tpu.memref_slice %dma_wait3A_96[%dma_wait3A_97, %dma_wait3A_98] : memref<10000x64xf32, #tpu.memory_space<hbm>> -> memref<10000x64xf32, #tpu.memory_space<hbm>>
    tpu.wait_indirect_dma semaphore(%arg15 : memref<!tpu.dma_semaphore, #tpu.memory_space<semaphore_mem>>) src(%dma_wait3A_99 : memref<10000x64xf32, #tpu.memory_space<hbm>>) dst(%arg9 : memref<128x64xf32, #tpu.memory_space<vmem>>)
    %dma_start3A_100 = arith.constant 153 : i32
    %dma_start3A_101 = arith.constant 0 : i32
    %dma_start3A_102 = tpu.memref_slice %arg7[%dma_start3A_100, %dma_start3A_101] : memref<157x128xi32, #tpu.memory_space<vmem>> -> memref<1x128xi32, #tpu.memory_space<vmem>>
    %dma_start3A_103 = tpu.memref_squeeze %dma_start3A_102 : memref<1x128xi32, #tpu.memory_space<vmem>> -> memref<128xi32, #tpu.memory_space<vmem>>
    %dma_start3A_104 = arith.constant 0 : i32
    %dma_start3A_105 = arith.constant 0 : i32
    %dma_start3A_106 = tpu.memref_slice %arg13[%dma_start3A_104, %dma_start3A_105] : memref<10240x64xf32, #tpu.memory_space<vmem_shared>> -> memref<10240x64xf32, #tpu.memory_space<vmem_shared>>
    tpu.enqueue_indirect_dma source(%arg9 : memref<128x64xf32, #tpu.memory_space<vmem>>) target(%dma_start3A_106 : memref<10240x64xf32, #tpu.memory_space<vmem_shared>>) offsets(%dma_start3A_103 : memref<128xi32, #tpu.memory_space<vmem>>) semaphore(%arg19 : memref<!tpu.dma_semaphore, #tpu.memory_space<semaphore_mem>>) {add = true}
    %dma_wait3A_107 = arith.constant 0 : i32
    %dma_wait3A_108 = arith.constant 0 : i32
    %dma_wait3A_109 = tpu.memref_slice %arg7[%dma_wait3A_107, %dma_wait3A_108] : memref<157x128xi32, #tpu.memory_space<vmem>> -> memref<1x128xi32, #tpu.memory_space<vmem>>
    %dma_wait3A_110 = tpu.memref_squeeze %dma_wait3A_109 : memref<1x128xi32, #tpu.memory_space<vmem>> -> memref<128xi32, #tpu.memory_space<vmem>>
    %dma_wait3A_111 = arith.constant 0 : i32
    %dma_wait3A_112 = arith.constant 0 : i32
    %dma_wait3A_113 = tpu.memref_slice %arg13[%dma_wait3A_111, %dma_wait3A_112] : memref<10240x64xf32, #tpu.memory_space<vmem_shared>> -> memref<10240x64xf32, #tpu.memory_space<vmem_shared>>
    tpu.wait_indirect_dma semaphore(%arg18 : memref<!tpu.dma_semaphore, #tpu.memory_space<semaphore_mem>>) src(%arg8 : memref<128x64xf32, #tpu.memory_space<vmem>>) dst(%dma_wait3A_113 : memref<10240x64xf32, #tpu.memory_space<vmem_shared>>)
    %dma_start3A_114 = arith.constant 156 : i32
    %dma_start3A_115 = arith.constant 0 : i32
    %dma_start3A_116 = tpu.memref_slice %arg6[%dma_start3A_114, %dma_start3A_115] : memref<157x128xi32, #tpu.memory_space<vmem>> -> memref<1x128xi32, #tpu.memory_space<vmem>>
    %dma_start3A_117 = tpu.memref_squeeze %dma_start3A_116 : memref<1x128xi32, #tpu.memory_space<vmem>> -> memref<128xi32, #tpu.memory_space<vmem>>
    %dma_start3A_118 = arith.constant 0 : i32
    %dma_start3A_119 = arith.constant 0 : i32
    %dma_start3A_120 = tpu.memref_slice %arg2[%arg0, %dma_start3A_118, %dma_start3A_119] : memref<2x10000x64xf32, #tpu.memory_space<hbm>> -> memref<1x10000x64xf32, #tpu.memory_space<hbm>>
    %dma_start3A_121 = tpu.memref_squeeze %dma_start3A_120 : memref<1x10000x64xf32, #tpu.memory_space<hbm>> -> memref<10000x64xf32, #tpu.memory_space<hbm>>
    %dma_start3A_122 = arith.constant 0 : i32
    %dma_start3A_123 = arith.constant 0 : i32
    %dma_start3A_124 = tpu.memref_slice %dma_start3A_121[%dma_start3A_122, %dma_start3A_123] : memref<10000x64xf32, #tpu.memory_space<hbm>> -> memref<10000x64xf32, #tpu.memory_space<hbm>>
    tpu.enqueue_indirect_dma source(%dma_start3A_124 : memref<10000x64xf32, #tpu.memory_space<hbm>>) target(%arg8 : memref<128x64xf32, #tpu.memory_space<vmem>>) offsets(%dma_start3A_117 : memref<128xi32, #tpu.memory_space<vmem>>) semaphore(%arg14 : memref<!tpu.dma_semaphore, #tpu.memory_space<semaphore_mem>>)
    %dma_wait3A_125 = arith.constant 0 : i32
    %dma_wait3A_126 = arith.constant 0 : i32
    %dma_wait3A_127 = tpu.memref_slice %arg6[%dma_wait3A_125, %dma_wait3A_126] : memref<157x128xi32, #tpu.memory_space<vmem>> -> memref<1x128xi32, #tpu.memory_space<vmem>>
    %dma_wait3A_128 = tpu.memref_squeeze %dma_wait3A_127 : memref<1x128xi32, #tpu.memory_space<vmem>> -> memref<128xi32, #tpu.memory_space<vmem>>
    %dma_wait3A_129 = arith.constant 0 : i32
    %dma_wait3A_130 = arith.constant 0 : i32
    %dma_wait3A_131 = tpu.memref_slice %arg2[%arg0, %dma_wait3A_129, %dma_wait3A_130] : memref<2x10000x64xf32, #tpu.memory_space<hbm>> -> memref<1x10000x64xf32, #tpu.memory_space<hbm>>
    %dma_wait3A_132 = tpu.memref_squeeze %dma_wait3A_131 : memref<1x10000x64xf32, #tpu.memory_space<hbm>> -> memref<10000x64xf32, #tpu.memory_space<hbm>>
    %dma_wait3A_133 = arith.constant 0 : i32
    %dma_wait3A_134 = arith.constant 0 : i32
    %dma_wait3A_135 = tpu.memref_slice %dma_wait3A_132[%dma_wait3A_133, %dma_wait3A_134] : memref<10000x64xf32, #tpu.memory_space<hbm>> -> memref<10000x64xf32, #tpu.memory_space<hbm>>
    tpu.wait_indirect_dma semaphore(%arg16 : memref<!tpu.dma_semaphore, #tpu.memory_space<semaphore_mem>>) src(%dma_wait3A_135 : memref<10000x64xf32, #tpu.memory_space<hbm>>) dst(%arg10 : memref<128x64xf32, #tpu.memory_space<vmem>>)
    %dma_start3A_136 = arith.constant 154 : i32
    %dma_start3A_137 = arith.constant 0 : i32
    %dma_start3A_138 = tpu.memref_slice %arg7[%dma_start3A_136, %dma_start3A_137] : memref<157x128xi32, #tpu.memory_space<vmem>> -> memref<1x128xi32, #tpu.memory_space<vmem>>
    %dma_start3A_139 = tpu.memref_squeeze %dma_start3A_138 : memref<1x128xi32, #tpu.memory_space<vmem>> -> memref<128xi32, #tpu.memory_space<vmem>>
    %dma_start3A_140 = arith.constant 0 : i32
    %dma_start3A_141 = arith.constant 0 : i32
    %dma_start3A_142 = tpu.memref_slice %arg13[%dma_start3A_140, %dma_start3A_141] : memref<10240x64xf32, #tpu.memory_space<vmem_shared>> -> memref<10240x64xf32, #tpu.memory_space<vmem_shared>>
    tpu.enqueue_indirect_dma source(%arg10 : memref<128x64xf32, #tpu.memory_space<vmem>>) target(%dma_start3A_142 : memref<10240x64xf32, #tpu.memory_space<vmem_shared>>) offsets(%dma_start3A_139 : memref<128xi32, #tpu.memory_space<vmem>>) semaphore(%arg20 : memref<!tpu.dma_semaphore, #tpu.memory_space<semaphore_mem>>) {add = true}
    %dma_wait3A_143 = arith.constant 0 : i32
    %dma_wait3A_144 = arith.constant 0 : i32
    %dma_wait3A_145 = tpu.memref_slice %arg6[%dma_wait3A_143, %dma_wait3A_144] : memref<157x128xi32, #tpu.memory_space<vmem>> -> memref<1x128xi32, #tpu.memory_space<vmem>>
    %dma_wait3A_146 = tpu.memref_squeeze %dma_wait3A_145 : memref<1x128xi32, #tpu.memory_space<vmem>> -> memref<128xi32, #tpu.memory_space<vmem>>
    %dma_wait3A_147 = arith.constant 0 : i32
    %dma_wait3A_148 = arith.constant 0 : i32
    %dma_wait3A_149 = tpu.memref_slice %arg2[%arg0, %dma_wait3A_147, %dma_wait3A_148] : memref<2x10000x64xf32, #tpu.memory_space<hbm>> -> memref<1x10000x64xf32, #tpu.memory_space<hbm>>
    %dma_wait3A_150 = tpu.memref_squeeze %dma_wait3A_149 : memref<1x10000x64xf32, #tpu.memory_space<hbm>> -> memref<10000x64xf32, #tpu.memory_space<hbm>>
    %dma_wait3A_151 = arith.constant 0 : i32
    %dma_wait3A_152 = arith.constant 0 : i32
    %dma_wait3A_153 = tpu.memref_slice %dma_wait3A_150[%dma_wait3A_151, %dma_wait3A_152] : memref<10000x64xf32, #tpu.memory_space<hbm>> -> memref<10000x64xf32, #tpu.memory_space<hbm>>
    tpu.wait_indirect_dma semaphore(%arg17 : memref<!tpu.dma_semaphore, #tpu.memory_space<semaphore_mem>>) src(%dma_wait3A_153 : memref<10000x64xf32, #tpu.memory_space<hbm>>) dst(%arg11 : memref<128x64xf32, #tpu.memory_space<vmem>>)
    %dma_start3A_154 = arith.constant 155 : i32
    %dma_start3A_155 = arith.constant 0 : i32
    %dma_start3A_156 = tpu.memref_slice %arg7[%dma_start3A_154, %dma_start3A_155] : memref<157x128xi32, #tpu.memory_space<vmem>> -> memref<1x128xi32, #tpu.memory_space<vmem>>
    %dma_start3A_157 = tpu.memref_squeeze %dma_start3A_156 : memref<1x128xi32, #tpu.memory_space<vmem>> -> memref<128xi32, #tpu.memory_space<vmem>>
    %dma_start3A_158 = arith.constant 0 : i32
    %dma_start3A_159 = arith.constant 0 : i32
    %dma_start3A_160 = tpu.memref_slice %arg13[%dma_start3A_158, %dma_start3A_159] : memref<10240x64xf32, #tpu.memory_space<vmem_shared>> -> memref<10240x64xf32, #tpu.memory_space<vmem_shared>>
    tpu.enqueue_indirect_dma source(%arg11 : memref<128x64xf32, #tpu.memory_space<vmem>>) target(%dma_start3A_160 : memref<10240x64xf32, #tpu.memory_space<vmem_shared>>) offsets(%dma_start3A_157 : memref<128xi32, #tpu.memory_space<vmem>>) semaphore(%arg21 : memref<!tpu.dma_semaphore, #tpu.memory_space<semaphore_mem>>) {add = true}
    %dma_wait3A_161 = arith.constant 0 : i32
    %dma_wait3A_162 = arith.constant 0 : i32
    %dma_wait3A_163 = tpu.memref_slice %arg6[%dma_wait3A_161, %dma_wait3A_162] : memref<157x128xi32, #tpu.memory_space<vmem>> -> memref<1x128xi32, #tpu.memory_space<vmem>>
    %dma_wait3A_164 = tpu.memref_squeeze %dma_wait3A_163 : memref<1x128xi32, #tpu.memory_space<vmem>> -> memref<128xi32, #tpu.memory_space<vmem>>
    %dma_wait3A_165 = arith.constant 0 : i32
    %dma_wait3A_166 = arith.constant 0 : i32
    %dma_wait3A_167 = tpu.memref_slice %arg2[%arg0, %dma_wait3A_165, %dma_wait3A_166] : memref<2x10000x64xf32, #tpu.memory_space<hbm>> -> memref<1x10000x64xf32, #tpu.memory_space<hbm>>
    %dma_wait3A_168 = tpu.memref_squeeze %dma_wait3A_167 : memref<1x10000x64xf32, #tpu.memory_space<hbm>> -> memref<10000x64xf32, #tpu.memory_space<hbm>>
    %dma_wait3A_169 = arith.constant 0 : i32
    %dma_wait3A_170 = arith.constant 0 : i32
    %dma_wait3A_171 = tpu.memref_slice %dma_wait3A_168[%dma_wait3A_169, %dma_wait3A_170] : memref<10000x64xf32, #tpu.memory_space<hbm>> -> memref<10000x64xf32, #tpu.memory_space<hbm>>
    tpu.wait_indirect_dma semaphore(%arg14 : memref<!tpu.dma_semaphore, #tpu.memory_space<semaphore_mem>>) src(%dma_wait3A_171 : memref<10000x64xf32, #tpu.memory_space<hbm>>) dst(%arg8 : memref<128x64xf32, #tpu.memory_space<vmem>>)
    %dma_start3A_172 = arith.constant 156 : i32
    %dma_start3A_173 = arith.constant 0 : i32
    %dma_start3A_174 = tpu.memref_slice %arg7[%dma_start3A_172, %dma_start3A_173] : memref<157x128xi32, #tpu.memory_space<vmem>> -> memref<1x128xi32, #tpu.memory_space<vmem>>
    %dma_start3A_175 = tpu.memref_squeeze %dma_start3A_174 : memref<1x128xi32, #tpu.memory_space<vmem>> -> memref<128xi32, #tpu.memory_space<vmem>>
    %dma_start3A_176 = arith.constant 0 : i32
    %dma_start3A_177 = arith.constant 0 : i32
    %dma_start3A_178 = tpu.memref_slice %arg13[%dma_start3A_176, %dma_start3A_177] : memref<10240x64xf32, #tpu.memory_space<vmem_shared>> -> memref<10240x64xf32, #tpu.memory_space<vmem_shared>>
    tpu.enqueue_indirect_dma source(%arg8 : memref<128x64xf32, #tpu.memory_space<vmem>>) target(%dma_start3A_178 : memref<10240x64xf32, #tpu.memory_space<vmem_shared>>) offsets(%dma_start3A_175 : memref<128xi32, #tpu.memory_space<vmem>>) semaphore(%arg18 : memref<!tpu.dma_semaphore, #tpu.memory_space<semaphore_mem>>) {add = true}
    %dma_wait3A_179 = arith.constant 0 : i32
    %dma_wait3A_180 = arith.constant 0 : i32
    %dma_wait3A_181 = tpu.memref_slice %arg7[%dma_wait3A_179, %dma_wait3A_180] : memref<157x128xi32, #tpu.memory_space<vmem>> -> memref<1x128xi32, #tpu.memory_space<vmem>>
    %dma_wait3A_182 = tpu.memref_squeeze %dma_wait3A_181 : memref<1x128xi32, #tpu.memory_space<vmem>> -> memref<128xi32, #tpu.memory_space<vmem>>
    %dma_wait3A_183 = arith.constant 0 : i32
    %dma_wait3A_184 = arith.constant 0 : i32
    %dma_wait3A_185 = tpu.memref_slice %arg13[%dma_wait3A_183, %dma_wait3A_184] : memref<10240x64xf32, #tpu.memory_space<vmem_shared>> -> memref<10240x64xf32, #tpu.memory_space<vmem_shared>>
    tpu.wait_indirect_dma semaphore(%arg18 : memref<!tpu.dma_semaphore, #tpu.memory_space<semaphore_mem>>) src(%arg8 : memref<128x64xf32, #tpu.memory_space<vmem>>) dst(%dma_wait3A_185 : memref<10240x64xf32, #tpu.memory_space<vmem_shared>>)
    %dma_wait3A_186 = arith.constant 0 : i32
    %dma_wait3A_187 = arith.constant 0 : i32
    %dma_wait3A_188 = tpu.memref_slice %arg7[%dma_wait3A_186, %dma_wait3A_187] : memref<157x128xi32, #tpu.memory_space<vmem>> -> memref<1x128xi32, #tpu.memory_space<vmem>>
    %dma_wait3A_189 = tpu.memref_squeeze %dma_wait3A_188 : memref<1x128xi32, #tpu.memory_space<vmem>> -> memref<128xi32, #tpu.memory_space<vmem>>
    %dma_wait3A_190 = arith.constant 0 : i32
    %dma_wait3A_191 = arith.constant 0 : i32
    %dma_wait3A_192 = tpu.memref_slice %arg13[%dma_wait3A_190, %dma_wait3A_191] : memref<10240x64xf32, #tpu.memory_space<vmem_shared>> -> memref<10240x64xf32, #tpu.memory_space<vmem_shared>>
    tpu.wait_indirect_dma semaphore(%arg19 : memref<!tpu.dma_semaphore, #tpu.memory_space<semaphore_mem>>) src(%arg9 : memref<128x64xf32, #tpu.memory_space<vmem>>) dst(%dma_wait3A_192 : memref<10240x64xf32, #tpu.memory_space<vmem_shared>>)
    %dma_wait3A_193 = arith.constant 0 : i32
    %dma_wait3A_194 = arith.constant 0 : i32
    %dma_wait3A_195 = tpu.memref_slice %arg7[%dma_wait3A_193, %dma_wait3A_194] : memref<157x128xi32, #tpu.memory_space<vmem>> -> memref<1x128xi32, #tpu.memory_space<vmem>>
    %dma_wait3A_196 = tpu.memref_squeeze %dma_wait3A_195 : memref<1x128xi32, #tpu.memory_space<vmem>> -> memref<128xi32, #tpu.memory_space<vmem>>
    %dma_wait3A_197 = arith.constant 0 : i32
    %dma_wait3A_198 = arith.constant 0 : i32
    %dma_wait3A_199 = tpu.memref_slice %arg13[%dma_wait3A_197, %dma_wait3A_198] : memref<10240x64xf32, #tpu.memory_space<vmem_shared>> -> memref<10240x64xf32, #tpu.memory_space<vmem_shared>>
    tpu.wait_indirect_dma semaphore(%arg20 : memref<!tpu.dma_semaphore, #tpu.memory_space<semaphore_mem>>) src(%arg10 : memref<128x64xf32, #tpu.memory_space<vmem>>) dst(%dma_wait3A_199 : memref<10240x64xf32, #tpu.memory_space<vmem_shared>>)
    %dma_wait3A_200 = arith.constant 0 : i32
    %dma_wait3A_201 = arith.constant 0 : i32
    %dma_wait3A_202 = tpu.memref_slice %arg7[%dma_wait3A_200, %dma_wait3A_201] : memref<157x128xi32, #tpu.memory_space<vmem>> -> memref<1x128xi32, #tpu.memory_space<vmem>>
    %dma_wait3A_203 = tpu.memref_squeeze %dma_wait3A_202 : memref<1x128xi32, #tpu.memory_space<vmem>> -> memref<128xi32, #tpu.memory_space<vmem>>
    %dma_wait3A_204 = arith.constant 0 : i32
    %dma_wait3A_205 = arith.constant 0 : i32
    %dma_wait3A_206 = tpu.memref_slice %arg13[%dma_wait3A_204, %dma_wait3A_205] : memref<10240x64xf32, #tpu.memory_space<vmem_shared>> -> memref<10240x64xf32, #tpu.memory_space<vmem_shared>>
    tpu.wait_indirect_dma semaphore(%arg21 : memref<!tpu.dma_semaphore, #tpu.memory_space<semaphore_mem>>) src(%arg11 : memref<128x64xf32, #tpu.memory_space<vmem>>) dst(%dma_wait3A_206 : memref<10240x64xf32, #tpu.memory_space<vmem_shared>>)
    %barrier3A_207 = arith.constant 0 : index
    tpu.barrier barrier_id(%barrier3A_207)
    %mul3A_208 = arith.constant 640 : i32
    %mul3A_209 = arith.muli %arg1, %mul3A_208 : i32
    %add3A_210 = arith.constant 0 : i32
    %add3A_211 = arith.addi %mul3A_209, %add3A_210 : i32
    %mul3A_212 = arith.constant 640 : i32
    %mul3A_213 = arith.muli %arg1, %mul3A_212 : i32
    %add3A_214 = arith.constant 0 : i32
    %add3A_215 = arith.addi %mul3A_213, %add3A_214 : i32
    "tpu.region"() ({
      %run_scoped3A = tpu.sem_alloc : memref<!tpu.dma_semaphore, #tpu.memory_space<semaphore_mem>>
      %dma_start3A_248 = arith.constant 0 : i32
      %dma_start3A_249 = tpu.memref_slice %arg5[%arg0, %add3A_215, %dma_start3A_248] : memref<2x10240x64xf32, #tpu.memory_space<hbm>> -> memref<1x128x64xf32, #tpu.memory_space<hbm>>
      %dma_start3A_250 = tpu.memref_squeeze %dma_start3A_249 : memref<1x128x64xf32, #tpu.memory_space<hbm>> -> memref<128x64xf32, #tpu.memory_space<hbm>>
      %dma_start3A_251 = arith.constant 0 : i32
      %dma_start3A_252 = tpu.memref_slice %arg13[%add3A_211, %dma_start3A_251] : memref<10240x64xf32, #tpu.memory_space<vmem_shared>> -> memref<128x64xf32, #tpu.memory_space<vmem_shared>>
      tpu.enqueue_dma source(%dma_start3A_252 : memref<128x64xf32, #tpu.memory_space<vmem_shared>>) target(%dma_start3A_250 : memref<128x64xf32, #tpu.memory_space<hbm>>) target_semaphore(%run_scoped3A : memref<!tpu.dma_semaphore, #tpu.memory_space<semaphore_mem>>)
      %dma_wait3A_253 = arith.constant 0 : i32
      %dma_wait3A_254 = tpu.memref_slice %arg5[%arg0, %add3A_215, %dma_wait3A_253] : memref<2x10240x64xf32, #tpu.memory_space<hbm>> -> memref<1x128x64xf32, #tpu.memory_space<hbm>>
      %dma_wait3A_255 = tpu.memref_squeeze %dma_wait3A_254 : memref<1x128x64xf32, #tpu.memory_space<hbm>> -> memref<128x64xf32, #tpu.memory_space<hbm>>
      %dma_wait3A_256 = arith.constant 0 : i32
      %dma_wait3A_257 = tpu.memref_slice %arg13[%add3A_211, %dma_wait3A_256] : memref<10240x64xf32, #tpu.memory_space<vmem_shared>> -> memref<128x64xf32, #tpu.memory_space<vmem_shared>>
      tpu.wait_dma2 semaphore(%run_scoped3A : memref<!tpu.dma_semaphore, #tpu.memory_space<semaphore_mem>>) src(%dma_wait3A_257 : memref<128x64xf32, #tpu.memory_space<vmem_shared>>) dst(%dma_wait3A_255 : memref<128x64xf32, #tpu.memory_space<hbm>>)
      tpu.yield
    }) : () -> ()
    %mul3A_216 = arith.constant 640 : i32
    %mul3A_217 = arith.muli %arg1, %mul3A_216 : i32
    %add3A_218 = arith.constant 128 : i32
    %add3A_219 = arith.addi %mul3A_217, %add3A_218 : i32
    %mul3A_220 = arith.constant 640 : i32
    %mul3A_221 = arith.muli %arg1, %mul3A_220 : i32
    %add3A_222 = arith.constant 128 : i32
    %add3A_223 = arith.addi %mul3A_221, %add3A_222 : i32
    "tpu.region"() ({
      %run_scoped3A = tpu.sem_alloc : memref<!tpu.dma_semaphore, #tpu.memory_space<semaphore_mem>>
      %dma_start3A_248 = arith.constant 0 : i32
      %dma_start3A_249 = tpu.memref_slice %arg5[%arg0, %add3A_223, %dma_start3A_248] : memref<2x10240x64xf32, #tpu.memory_space<hbm>> -> memref<1x128x64xf32, #tpu.memory_space<hbm>>
      %dma_start3A_250 = tpu.memref_squeeze %dma_start3A_249 : memref<1x128x64xf32, #tpu.memory_space<hbm>> -> memref<128x64xf32, #tpu.memory_space<hbm>>
      %dma_start3A_251 = arith.constant 0 : i32
      %dma_start3A_252 = tpu.memref_slice %arg13[%add3A_219, %dma_start3A_251] : memref<10240x64xf32, #tpu.memory_space<vmem_shared>> -> memref<128x64xf32, #tpu.memory_space<vmem_shared>>
      tpu.enqueue_dma source(%dma_start3A_252 : memref<128x64xf32, #tpu.memory_space<vmem_shared>>) target(%dma_start3A_250 : memref<128x64xf32, #tpu.memory_space<hbm>>) target_semaphore(%run_scoped3A : memref<!tpu.dma_semaphore, #tpu.memory_space<semaphore_mem>>)
      %dma_wait3A_253 = arith.constant 0 : i32
      %dma_wait3A_254 = tpu.memref_slice %arg5[%arg0, %add3A_223, %dma_wait3A_253] : memref<2x10240x64xf32, #tpu.memory_space<hbm>> -> memref<1x128x64xf32, #tpu.memory_space<hbm>>
      %dma_wait3A_255 = tpu.memref_squeeze %dma_wait3A_254 : memref<1x128x64xf32, #tpu.memory_space<hbm>> -> memref<128x64xf32, #tpu.memory_space<hbm>>
      %dma_wait3A_256 = arith.constant 0 : i32
      %dma_wait3A_257 = tpu.memref_slice %arg13[%add3A_219, %dma_wait3A_256] : memref<10240x64xf32, #tpu.memory_space<vmem_shared>> -> memref<128x64xf32, #tpu.memory_space<vmem_shared>>
      tpu.wait_dma2 semaphore(%run_scoped3A : memref<!tpu.dma_semaphore, #tpu.memory_space<semaphore_mem>>) src(%dma_wait3A_257 : memref<128x64xf32, #tpu.memory_space<vmem_shared>>) dst(%dma_wait3A_255 : memref<128x64xf32, #tpu.memory_space<hbm>>)
      tpu.yield
    }) : () -> ()
    %mul3A_224 = arith.constant 640 : i32
    %mul3A_225 = arith.muli %arg1, %mul3A_224 : i32
    %add3A_226 = arith.constant 256 : i32
    %add3A_227 = arith.addi %mul3A_225, %add3A_226 : i32
    %mul3A_228 = arith.constant 640 : i32
    %mul3A_229 = arith.muli %arg1, %mul3A_228 : i32
    %add3A_230 = arith.constant 256 : i32
    %add3A_231 = arith.addi %mul3A_229, %add3A_230 : i32
    "tpu.region"() ({
      %run_scoped3A = tpu.sem_alloc : memref<!tpu.dma_semaphore, #tpu.memory_space<semaphore_mem>>
      %dma_start3A_248 = arith.constant 0 : i32
      %dma_start3A_249 = tpu.memref_slice %arg5[%arg0, %add3A_231, %dma_start3A_248] : memref<2x10240x64xf32, #tpu.memory_space<hbm>> -> memref<1x128x64xf32, #tpu.memory_space<hbm>>
      %dma_start3A_250 = tpu.memref_squeeze %dma_start3A_249 : memref<1x128x64xf32, #tpu.memory_space<hbm>> -> memref<128x64xf32, #tpu.memory_space<hbm>>
      %dma_start3A_251 = arith.constant 0 : i32
      %dma_start3A_252 = tpu.memref_slice %arg13[%add3A_227, %dma_start3A_251] : memref<10240x64xf32, #tpu.memory_space<vmem_shared>> -> memref<128x64xf32, #tpu.memory_space<vmem_shared>>
      tpu.enqueue_dma source(%dma_start3A_252 : memref<128x64xf32, #tpu.memory_space<vmem_shared>>) target(%dma_start3A_250 : memref<128x64xf32, #tpu.memory_space<hbm>>) target_semaphore(%run_scoped3A : memref<!tpu.dma_semaphore, #tpu.memory_space<semaphore_mem>>)
      %dma_wait3A_253 = arith.constant 0 : i32
      %dma_wait3A_254 = tpu.memref_slice %arg5[%arg0, %add3A_231, %dma_wait3A_253] : memref<2x10240x64xf32, #tpu.memory_space<hbm>> -> memref<1x128x64xf32, #tpu.memory_space<hbm>>
      %dma_wait3A_255 = tpu.memref_squeeze %dma_wait3A_254 : memref<1x128x64xf32, #tpu.memory_space<hbm>> -> memref<128x64xf32, #tpu.memory_space<hbm>>
      %dma_wait3A_256 = arith.constant 0 : i32
      %dma_wait3A_257 = tpu.memref_slice %arg13[%add3A_227, %dma_wait3A_256] : memref<10240x64xf32, #tpu.memory_space<vmem_shared>> -> memref<128x64xf32, #tpu.memory_space<vmem_shared>>
      tpu.wait_dma2 semaphore(%run_scoped3A : memref<!tpu.dma_semaphore, #tpu.memory_space<semaphore_mem>>) src(%dma_wait3A_257 : memref<128x64xf32, #tpu.memory_space<vmem_shared>>) dst(%dma_wait3A_255 : memref<128x64xf32, #tpu.memory_space<hbm>>)
      tpu.yield
    }) : () -> ()
    %mul3A_232 = arith.constant 640 : i32
    %mul3A_233 = arith.muli %arg1, %mul3A_232 : i32
    %add3A_234 = arith.constant 384 : i32
    %add3A_235 = arith.addi %mul3A_233, %add3A_234 : i32
    %mul3A_236 = arith.constant 640 : i32
    %mul3A_237 = arith.muli %arg1, %mul3A_236 : i32
    %add3A_238 = arith.constant 384 : i32
    %add3A_239 = arith.addi %mul3A_237, %add3A_238 : i32
    "tpu.region"() ({
      %run_scoped3A = tpu.sem_alloc : memref<!tpu.dma_semaphore, #tpu.memory_space<semaphore_mem>>
      %dma_start3A_248 = arith.constant 0 : i32
      %dma_start3A_249 = tpu.memref_slice %arg5[%arg0, %add3A_239, %dma_start3A_248] : memref<2x10240x64xf32, #tpu.memory_space<hbm>> -> memref<1x128x64xf32, #tpu.memory_space<hbm>>
      %dma_start3A_250 = tpu.memref_squeeze %dma_start3A_249 : memref<1x128x64xf32, #tpu.memory_space<hbm>> -> memref<128x64xf32, #tpu.memory_space<hbm>>
      %dma_start3A_251 = arith.constant 0 : i32
      %dma_start3A_252 = tpu.memref_slice %arg13[%add3A_235, %dma_start3A_251] : memref<10240x64xf32, #tpu.memory_space<vmem_shared>> -> memref<128x64xf32, #tpu.memory_space<vmem_shared>>
      tpu.enqueue_dma source(%dma_start3A_252 : memref<128x64xf32, #tpu.memory_space<vmem_shared>>) target(%dma_start3A_250 : memref<128x64xf32, #tpu.memory_space<hbm>>) target_semaphore(%run_scoped3A : memref<!tpu.dma_semaphore, #tpu.memory_space<semaphore_mem>>)
      %dma_wait3A_253 = arith.constant 0 : i32
      %dma_wait3A_254 = tpu.memref_slice %arg5[%arg0, %add3A_239, %dma_wait3A_253] : memref<2x10240x64xf32, #tpu.memory_space<hbm>> -> memref<1x128x64xf32, #tpu.memory_space<hbm>>
      %dma_wait3A_255 = tpu.memref_squeeze %dma_wait3A_254 : memref<1x128x64xf32, #tpu.memory_space<hbm>> -> memref<128x64xf32, #tpu.memory_space<hbm>>
      %dma_wait3A_256 = arith.constant 0 : i32
      %dma_wait3A_257 = tpu.memref_slice %arg13[%add3A_235, %dma_wait3A_256] : memref<10240x64xf32, #tpu.memory_space<vmem_shared>> -> memref<128x64xf32, #tpu.memory_space<vmem_shared>>
      tpu.wait_dma2 semaphore(%run_scoped3A : memref<!tpu.dma_semaphore, #tpu.memory_space<semaphore_mem>>) src(%dma_wait3A_257 : memref<128x64xf32, #tpu.memory_space<vmem_shared>>) dst(%dma_wait3A_255 : memref<128x64xf32, #tpu.memory_space<hbm>>)
      tpu.yield
    }) : () -> ()
    %mul3A_240 = arith.constant 640 : i32
    %mul3A_241 = arith.muli %arg1, %mul3A_240 : i32
    %add3A_242 = arith.constant 512 : i32
    %add3A_243 = arith.addi %mul3A_241, %add3A_242 : i32
    %mul3A_244 = arith.constant 640 : i32
    %mul3A_245 = arith.muli %arg1, %mul3A_244 : i32
    %add3A_246 = arith.constant 512 : i32
    %add3A_247 = arith.addi %mul3A_245, %add3A_246 : i32
    "tpu.region"() ({
      %run_scoped3A = tpu.sem_alloc : memref<!tpu.dma_semaphore, #tpu.memory_space<semaphore_mem>>
      %dma_start3A_248 = arith.constant 0 : i32
      %dma_start3A_249 = tpu.memref_slice %arg5[%arg0, %add3A_247, %dma_start3A_248] : memref<2x10240x64xf32, #tpu.memory_space<hbm>> -> memref<1x128x64xf32, #tpu.memory_space<hbm>>
      %dma_start3A_250 = tpu.memref_squeeze %dma_start3A_249 : memref<1x128x64xf32, #tpu.memory_space<hbm>> -> memref<128x64xf32, #tpu.memory_space<hbm>>
      %dma_start3A_251 = arith.constant 0 : i32
      %dma_start3A_252 = tpu.memref_slice %arg13[%add3A_243, %dma_start3A_251] : memref<10240x64xf32, #tpu.memory_space<vmem_shared>> -> memref<128x64xf32, #tpu.memory_space<vmem_shared>>
      tpu.enqueue_dma source(%dma_start3A_252 : memref<128x64xf32, #tpu.memory_space<vmem_shared>>) target(%dma_start3A_250 : memref<128x64xf32, #tpu.memory_space<hbm>>) target_semaphore(%run_scoped3A : memref<!tpu.dma_semaphore, #tpu.memory_space<semaphore_mem>>)
      %dma_wait3A_253 = arith.constant 0 : i32
      %dma_wait3A_254 = tpu.memref_slice %arg5[%arg0, %add3A_247, %dma_wait3A_253] : memref<2x10240x64xf32, #tpu.memory_space<hbm>> -> memref<1x128x64xf32, #tpu.memory_space<hbm>>
      %dma_wait3A_255 = tpu.memref_squeeze %dma_wait3A_254 : memref<1x128x64xf32, #tpu.memory_space<hbm>> -> memref<128x64xf32, #tpu.memory_space<hbm>>
      %dma_wait3A_256 = arith.constant 0 : i32
      %dma_wait3A_257 = tpu.memref_slice %arg13[%add3A_243, %dma_wait3A_256] : memref<10240x64xf32, #tpu.memory_space<vmem_shared>> -> memref<128x64xf32, #tpu.memory_space<vmem_shared>>
      tpu.wait_dma2 semaphore(%run_scoped3A : memref<!tpu.dma_semaphore, #tpu.memory_space<semaphore_mem>>) src(%dma_wait3A_257 : memref<128x64xf32, #tpu.memory_space<vmem_shared>>) dst(%dma_wait3A_255 : memref<128x64xf32, #tpu.memory_space<hbm>>)
      tpu.yield
    }) : () -> ()
    return
  }
}

#map = affine_map<(d0, d1) -> (0, 0, 0)>
module attributes {stable_mosaic.version = 14 : i64} {
  func.func @_scatter_body(%arg0: i32, %arg1: i32, %arg2: memref<2x10000x64xf32, #tpu.memory_space<hbm>>, %arg3: memref<16x157x128xi32, #tpu.memory_space<hbm>>, %arg4: memref<16x157x128xi32, #tpu.memory_space<hbm>>, %arg5: memref<2x10240x64xf32, #tpu.memory_space<hbm>>, %arg6: memref<157x128xi32, #tpu.memory_space<vmem>>, %arg7: memref<157x128xi32, #tpu.memory_space<vmem>>, %arg8: memref<128x64xf32, #tpu.memory_space<vmem>>, %arg9: memref<128x64xf32, #tpu.memory_space<vmem>>, %arg10: memref<128x64xf32, #tpu.memory_space<vmem>>, %arg11: memref<128x64xf32, #tpu.memory_space<vmem>>, %arg12: memref<128x64xf32, #tpu.memory_space<vmem>>, %arg13: memref<10240x64xf32, #tpu.memory_space<vmem_shared>>, %arg14: memref<!tpu.dma_semaphore, #tpu.memory_space<semaphore_mem>>, %arg15: memref<!tpu.dma_semaphore, #tpu.memory_space<semaphore_mem>>, %arg16: memref<!tpu.dma_semaphore, #tpu.memory_space<semaphore_mem>>, %arg17: memref<!tpu.dma_semaphore, #tpu.memory_space<semaphore_mem>>, %arg18: memref<!tpu.dma_semaphore, #tpu.memory_space<semaphore_mem>>, %arg19: memref<!tpu.dma_semaphore, #tpu.memory_space<semaphore_mem>>, %arg20: memref<!tpu.dma_semaphore, #tpu.memory_space<semaphore_mem>>, %arg21: memref<!tpu.dma_semaphore, #tpu.memory_space<semaphore_mem>>) attributes {dimension_semantics = [#tpu.dimension_semantics<core_parallel>, #tpu.dimension_semantics<subcore_parallel>], iteration_bounds = array<i64: 2, 16>, scalar_prefetch = 0 : i64, scratch_operands = 16 : i64, tpu.core_type = #tpu.core_type<sc_vector_subcore>, window_params = [{transform_indices = #map}, {transform_indices = #map}, {transform_indices = #map}, {transform_indices = #map}]} {
    %scan3A = arith.constant 0 : i32
    %scan3A_0 = arith.constant 0 : i32
    %scan3A_1 = arith.constant 128 : i32
    %scan3A_2 = arith.addi %scan3A_0, %scan3A_1 : i32
    %scan3A_3 = arith.constant 1 : i32
    scf.for %scan3A_248 = %scan3A_0 to %scan3A_2 step %scan3A_3  : i32 {
      %broadcast_in_dim3A = arith.constant 0.000000e+00 : f32
      %broadcast_in_dim3A_249 = vector.broadcast %broadcast_in_dim3A : f32 to vector<16xf32>
      %swap3A = arith.index_cast %scan3A_248 : i32 to index
      %swap3A_250 = arith.constant 0 : index
      %swap3A_251 = tpu.vector_load %arg12[%swap3A, %swap3A_250] {strides = array<i32>} : memref<128x64xf32, #tpu.memory_space<vmem>>, vector<1x16xf32>,
      %swap3A_252 = vector.shape_cast %swap3A_251 : vector<1x16xf32> to vector<16xf32>
      %swap3A_253 = vector.shape_cast %broadcast_in_dim3A_249 : vector<16xf32> to vector<1x16xf32>
      tpu.vector_store %arg12[%swap3A, %swap3A_250], %swap3A_253 {strides = array<i32>} : memref<128x64xf32, #tpu.memory_space<vmem>>, vector<1x16xf32>,
      %broadcast_in_dim3A_254 = arith.constant 0.000000e+00 : f32
      %broadcast_in_dim3A_255 = vector.broadcast %broadcast_in_dim3A_254 : f32 to vector<16xf32>
      %swap3A_256 = arith.index_cast %scan3A_248 : i32 to index
      %swap3A_257 = arith.constant 16 : index
      %swap3A_258 = tpu.vector_load %arg12[%swap3A_256, %swap3A_257] {strides = array<i32>} : memref<128x64xf32, #tpu.memory_space<vmem>>, vector<1x16xf32>,
      %swap3A_259 = vector.shape_cast %swap3A_258 : vector<1x16xf32> to vector<16xf32>
      %swap3A_260 = vector.shape_cast %broadcast_in_dim3A_255 : vector<16xf32> to vector<1x16xf32>
      tpu.vector_store %arg12[%swap3A_256, %swap3A_257], %swap3A_260 {strides = array<i32>} : memref<128x64xf32, #tpu.memory_space<vmem>>, vector<1x16xf32>,
      %broadcast_in_dim3A_261 = arith.constant 0.000000e+00 : f32
      %broadcast_in_dim3A_262 = vector.broadcast %broadcast_in_dim3A_261 : f32 to vector<16xf32>
      %swap3A_263 = arith.index_cast %scan3A_248 : i32 to index
      %swap3A_264 = arith.constant 32 : index
      %swap3A_265 = tpu.vector_load %arg12[%swap3A_263, %swap3A_264] {strides = array<i32>} : memref<128x64xf32, #tpu.memory_space<vmem>>, vector<1x16xf32>,
      %swap3A_266 = vector.shape_cast %swap3A_265 : vector<1x16xf32> to vector<16xf32>
      %swap3A_267 = vector.shape_cast %broadcast_in_dim3A_262 : vector<16xf32> to vector<1x16xf32>
      tpu.vector_store %arg12[%swap3A_263, %swap3A_264], %swap3A_267 {strides = array<i32>} : memref<128x64xf32, #tpu.memory_space<vmem>>, vector<1x16xf32>,
      %broadcast_in_dim3A_268 = arith.constant 0.000000e+00 : f32
      %broadcast_in_dim3A_269 = vector.broadcast %broadcast_in_dim3A_268 : f32 to vector<16xf32>
      %swap3A_270 = arith.index_cast %scan3A_248 : i32 to index
      %swap3A_271 = arith.constant 48 : index
      %swap3A_272 = tpu.vector_load %arg12[%swap3A_270, %swap3A_271] {strides = array<i32>} : memref<128x64xf32, #tpu.memory_space<vmem>>, vector<1x16xf32>,
      %swap3A_273 = vector.shape_cast %swap3A_272 : vector<1x16xf32> to vector<16xf32>
      %swap3A_274 = vector.shape_cast %broadcast_in_dim3A_269 : vector<16xf32> to vector<1x16xf32>
      tpu.vector_store %arg12[%swap3A_270, %swap3A_271], %swap3A_274 {strides = array<i32>} : memref<128x64xf32, #tpu.memory_space<vmem>>, vector<1x16xf32>,
    }
    %scan3A_4 = arith.constant 128 : i32
    %mul3A = arith.constant 640 : i32
    %mul3A_5 = arith.muli %arg1, %mul3A : i32
    %add3A = arith.constant 0 : i32
    %add3A_6 = arith.addi %mul3A_5, %add3A : i32
    "tpu.region"() ({
      %run_scoped3A = tpu.sem_alloc : memref<!tpu.dma_semaphore, #tpu.memory_space<semaphore_mem>>
      %dma_start3A_248 = arith.constant 0 : i32
      %dma_start3A_249 = tpu.memref_slice %arg13[%add3A_6, %dma_start3A_248] : memref<10240x64xf32, #tpu.memory_space<vmem_shared>> -> memref<128x64xf32, #tpu.memory_space<vmem_shared>>
      %dma_start3A_250 = arith.constant 0 : i32
      %dma_start3A_251 = tpu.memref_slice %arg13[%add3A_6, %dma_start3A_250] : memref<10240x64xf32, #tpu.memory_space<vmem_shared>> -> memref<128x64xf32, #tpu.memory_space<vmem_shared>>
      tpu.enqueue_dma source(%arg12 : memref<128x64xf32, #tpu.memory_space<vmem>>) target(%dma_start3A_251 : memref<128x64xf32, #tpu.memory_space<vmem_shared>>) target_semaphore(%run_scoped3A : memref<!tpu.dma_semaphore, #tpu.memory_space<semaphore_mem>>)
      %dma_wait3A_252 = arith.constant 0 : i32
      %dma_wait3A_253 = tpu.memref_slice %arg13[%add3A_6, %dma_wait3A_252] : memref<10240x64xf32, #tpu.memory_space<vmem_shared>> -> memref<128x64xf32, #tpu.memory_space<vmem_shared>>
      %dma_wait3A_254 = arith.constant 0 : i32
      %dma_wait3A_255 = tpu.memref_slice %arg13[%add3A_6, %dma_wait3A_254] : memref<10240x64xf32, #tpu.memory_space<vmem_shared>> -> memref<128x64xf32, #tpu.memory_space<vmem_shared>>
      tpu.wait_dma2 semaphore(%run_scoped3A : memref<!tpu.dma_semaphore, #tpu.memory_space<semaphore_mem>>) src(%arg12 : memref<128x64xf32, #tpu.memory_space<vmem>>) dst(%dma_wait3A_255 : memref<128x64xf32, #tpu.memory_space<vmem_shared>>)
      tpu.yield
    }) : () -> ()
    %mul3A_7 = arith.constant 640 : i32
    %mul3A_8 = arith.muli %arg1, %mul3A_7 : i32
    %add3A_9 = arith.constant 128 : i32
    %add3A_10 = arith.addi %mul3A_8, %add3A_9 : i32
    "tpu.region"() ({
      %run_scoped3A = tpu.sem_alloc : memref<!tpu.dma_semaphore, #tpu.memory_space<semaphore_mem>>
      %dma_start3A_248 = arith.constant 0 : i32
      %dma_start3A_249 = tpu.memref_slice %arg13[%add3A_10, %dma_start3A_248] : memref<10240x64xf32, #tpu.memory_space<vmem_shared>> -> memref<128x64xf32, #tpu.memory_space<vmem_shared>>
      %dma_start3A_250 = arith.constant 0 : i32
      %dma_start3A_251 = tpu.memref_slice %arg13[%add3A_10, %dma_start3A_250] : memref<10240x64xf32, #tpu.memory_space<vmem_shared>> -> memref<128x64xf32, #tpu.memory_space<vmem_shared>>
      tpu.enqueue_dma source(%arg12 : memref<128x64xf32, #tpu.memory_space<vmem>>) target(%dma_start3A_251 : memref<128x64xf32, #tpu.memory_space<vmem_shared>>) target_semaphore(%run_scoped3A : memref<!tpu.dma_semaphore, #tpu.memory_space<semaphore_mem>>)
      %dma_wait3A_252 = arith.constant 0 : i32
      %dma_wait3A_253 = tpu.memref_slice %arg13[%add3A_10, %dma_wait3A_252] : memref<10240x64xf32, #tpu.memory_space<vmem_shared>> -> memref<128x64xf32, #tpu.memory_space<vmem_shared>>
      %dma_wait3A_254 = arith.constant 0 : i32
      %dma_wait3A_255 = tpu.memref_slice %arg13[%add3A_10, %dma_wait3A_254] : memref<10240x64xf32, #tpu.memory_space<vmem_shared>> -> memref<128x64xf32, #tpu.memory_space<vmem_shared>>
      tpu.wait_dma2 semaphore(%run_scoped3A : memref<!tpu.dma_semaphore, #tpu.memory_space<semaphore_mem>>) src(%arg12 : memref<128x64xf32, #tpu.memory_space<vmem>>) dst(%dma_wait3A_255 : memref<128x64xf32, #tpu.memory_space<vmem_shared>>)
      tpu.yield
    }) : () -> ()
    %mul3A_11 = arith.constant 640 : i32
    %mul3A_12 = arith.muli %arg1, %mul3A_11 : i32
    %add3A_13 = arith.constant 256 : i32
    %add3A_14 = arith.addi %mul3A_12, %add3A_13 : i32
    "tpu.region"() ({
      %run_scoped3A = tpu.sem_alloc : memref<!tpu.dma_semaphore, #tpu.memory_space<semaphore_mem>>
      %dma_start3A_248 = arith.constant 0 : i32
      %dma_start3A_249 = tpu.memref_slice %arg13[%add3A_14, %dma_start3A_248] : memref<10240x64xf32, #tpu.memory_space<vmem_shared>> -> memref<128x64xf32, #tpu.memory_space<vmem_shared>>
      %dma_start3A_250 = arith.constant 0 : i32
      %dma_start3A_251 = tpu.memref_slice %arg13[%add3A_14, %dma_start3A_250] : memref<10240x64xf32, #tpu.memory_space<vmem_shared>> -> memref<128x64xf32, #tpu.memory_space<vmem_shared>>
      tpu.enqueue_dma source(%arg12 : memref<128x64xf32, #tpu.memory_space<vmem>>) target(%dma_start3A_251 : memref<128x64xf32, #tpu.memory_space<vmem_shared>>) target_semaphore(%run_scoped3A : memref<!tpu.dma_semaphore, #tpu.memory_space<semaphore_mem>>)
      %dma_wait3A_252 = arith.constant 0 : i32
      %dma_wait3A_253 = tpu.memref_slice %arg13[%add3A_14, %dma_wait3A_252] : memref<10240x64xf32, #tpu.memory_space<vmem_shared>> -> memref<128x64xf32, #tpu.memory_space<vmem_shared>>
      %dma_wait3A_254 = arith.constant 0 : i32
      %dma_wait3A_255 = tpu.memref_slice %arg13[%add3A_14, %dma_wait3A_254] : memref<10240x64xf32, #tpu.memory_space<vmem_shared>> -> memref<128x64xf32, #tpu.memory_space<vmem_shared>>
      tpu.wait_dma2 semaphore(%run_scoped3A : memref<!tpu.dma_semaphore, #tpu.memory_space<semaphore_mem>>) src(%arg12 : memref<128x64xf32, #tpu.memory_space<vmem>>) dst(%dma_wait3A_255 : memref<128x64xf32, #tpu.memory_space<vmem_shared>>)
      tpu.yield
    }) : () -> ()
    %mul3A_15 = arith.constant 640 : i32
    %mul3A_16 = arith.muli %arg1, %mul3A_15 : i32
    %add3A_17 = arith.constant 384 : i32
    %add3A_18 = arith.addi %mul3A_16, %add3A_17 : i32
    "tpu.region"() ({
      %run_scoped3A = tpu.sem_alloc : memref<!tpu.dma_semaphore, #tpu.memory_space<semaphore_mem>>
      %dma_start3A_248 = arith.constant 0 : i32
      %dma_start3A_249 = tpu.memref_slice %arg13[%add3A_18, %dma_start3A_248] : memref<10240x64xf32, #tpu.memory_space<vmem_shared>> -> memref<128x64xf32, #tpu.memory_space<vmem_shared>>
      %dma_start3A_250 = arith.constant 0 : i32
      %dma_start3A_251 = tpu.memref_slice %arg13[%add3A_18, %dma_start3A_250] : memref<10240x64xf32, #tpu.memory_space<vmem_shared>> -> memref<128x64xf32, #tpu.memory_space<vmem_shared>>
      tpu.enqueue_dma source(%arg12 : memref<128x64xf32, #tpu.memory_space<vmem>>) target(%dma_start3A_251 : memref<128x64xf32, #tpu.memory_space<vmem_shared>>) target_semaphore(%run_scoped3A : memref<!tpu.dma_semaphore, #tpu.memory_space<semaphore_mem>>)
      %dma_wait3A_252 = arith.constant 0 : i32
      %dma_wait3A_253 = tpu.memref_slice %arg13[%add3A_18, %dma_wait3A_252] : memref<10240x64xf32, #tpu.memory_space<vmem_shared>> -> memref<128x64xf32, #tpu.memory_space<vmem_shared>>
      %dma_wait3A_254 = arith.constant 0 : i32
      %dma_wait3A_255 = tpu.memref_slice %arg13[%add3A_18, %dma_wait3A_254] : memref<10240x64xf32, #tpu.memory_space<vmem_shared>> -> memref<128x64xf32, #tpu.memory_space<vmem_shared>>
      tpu.wait_dma2 semaphore(%run_scoped3A : memref<!tpu.dma_semaphore, #tpu.memory_space<semaphore_mem>>) src(%arg12 : memref<128x64xf32, #tpu.memory_space<vmem>>) dst(%dma_wait3A_255 : memref<128x64xf32, #tpu.memory_space<vmem_shared>>)
      tpu.yield
    }) : () -> ()
    %mul3A_19 = arith.constant 640 : i32
    %mul3A_20 = arith.muli %arg1, %mul3A_19 : i32
    %add3A_21 = arith.constant 512 : i32
    %add3A_22 = arith.addi %mul3A_20, %add3A_21 : i32
    "tpu.region"() ({
      %run_scoped3A = tpu.sem_alloc : memref<!tpu.dma_semaphore, #tpu.memory_space<semaphore_mem>>
      %dma_start3A_248 = arith.constant 0 : i32
      %dma_start3A_249 = tpu.memref_slice %arg13[%add3A_22, %dma_start3A_248] : memref<10240x64xf32, #tpu.memory_space<vmem_shared>> -> memref<128x64xf32, #tpu.memory_space<vmem_shared>>
      %dma_start3A_250 = arith.constant 0 : i32
      %dma_start3A_251 = tpu.memref_slice %arg13[%add3A_22, %dma_start3A_250] : memref<10240x64xf32, #tpu.memory_space<vmem_shared>> -> memref<128x64xf32, #tpu.memory_space<vmem_shared>>
      tpu.enqueue_dma source(%arg12 : memref<128x64xf32, #tpu.memory_space<vmem>>) target(%dma_start3A_251 : memref<128x64xf32, #tpu.memory_space<vmem_shared>>) target_semaphore(%run_scoped3A : memref<!tpu.dma_semaphore, #tpu.memory_space<semaphore_mem>>)
      %dma_wait3A_252 = arith.constant 0 : i32
      %dma_wait3A_253 = tpu.memref_slice %arg13[%add3A_22, %dma_wait3A_252] : memref<10240x64xf32, #tpu.memory_space<vmem_shared>> -> memref<128x64xf32, #tpu.memory_space<vmem_shared>>
      %dma_wait3A_254 = arith.constant 0 : i32
      %dma_wait3A_255 = tpu.memref_slice %arg13[%add3A_22, %dma_wait3A_254] : memref<10240x64xf32, #tpu.memory_space<vmem_shared>> -> memref<128x64xf32, #tpu.memory_space<vmem_shared>>
      tpu.wait_dma2 semaphore(%run_scoped3A : memref<!tpu.dma_semaphore, #tpu.memory_space<semaphore_mem>>) src(%arg12 : memref<128x64xf32, #tpu.memory_space<vmem>>) dst(%dma_wait3A_255 : memref<128x64xf32, #tpu.memory_space<vmem_shared>>)
      tpu.yield
    }) : () -> ()
    "tpu.region"() ({
      %run_scoped3A = tpu.sem_alloc : memref<!tpu.dma_semaphore, #tpu.memory_space<semaphore_mem>>
      %dma_start3A_248 = arith.constant 0 : i32
      %dma_start3A_249 = arith.constant 0 : i32
      %dma_start3A_250 = tpu.memref_slice %arg3[%arg1, %dma_start3A_248, %dma_start3A_249] : memref<16x157x128xi32, #tpu.memory_space<hbm>> -> memref<1x157x128xi32, #tpu.memory_space<hbm>>
      %dma_start3A_251 = tpu.memref_squeeze %dma_start3A_250 : memref<1x157x128xi32, #tpu.memory_space<hbm>> -> memref<157x128xi32, #tpu.memory_space<hbm>>
      %dma_start3A_252 = arith.constant 0 : i32
      %dma_start3A_253 = arith.constant 0 : i32
      %dma_start3A_254 = tpu.memref_slice %arg3[%arg1, %dma_start3A_252, %dma_start3A_253] : memref<16x157x128xi32, #tpu.memory_space<hbm>> -> memref<1x157x128xi32, #tpu.memory_space<hbm>>
      %dma_start3A_255 = tpu.memref_squeeze %dma_start3A_254 : memref<1x157x128xi32, #tpu.memory_space<hbm>> -> memref<157x128xi32, #tpu.memory_space<hbm>>
      tpu.enqueue_dma source(%dma_start3A_255 : memref<157x128xi32, #tpu.memory_space<hbm>>) target(%arg6 : memref<157x128xi32, #tpu.memory_space<vmem>>) target_semaphore(%run_scoped3A : memref<!tpu.dma_semaphore, #tpu.memory_space<semaphore_mem>>)
      %dma_wait3A_256 = arith.constant 0 : i32
      %dma_wait3A_257 = arith.constant 0 : i32
      %dma_wait3A_258 = tpu.memref_slice %arg3[%arg1, %dma_wait3A_256, %dma_wait3A_257] : memref<16x157x128xi32, #tpu.memory_space<hbm>> -> memref<1x157x128xi32, #tpu.memory_space<hbm>>
      %dma_wait3A_259 = tpu.memref_squeeze %dma_wait3A_258 : memref<1x157x128xi32, #tpu.memory_space<hbm>> -> memref<157x128xi32, #tpu.memory_space<hbm>>
      %dma_wait3A_260 = arith.constant 0 : i32
      %dma_wait3A_261 = arith.constant 0 : i32
      %dma_wait3A_262 = tpu.memref_slice %arg3[%arg1, %dma_wait3A_260, %dma_wait3A_261] : memref<16x157x128xi32, #tpu.memory_space<hbm>> -> memref<1x157x128xi32, #tpu.memory_space<hbm>>
      %dma_wait3A_263 = tpu.memref_squeeze %dma_wait3A_262 : memref<1x157x128xi32, #tpu.memory_space<hbm>> -> memref<157x128xi32, #tpu.memory_space<hbm>>
      tpu.wait_dma2 semaphore(%run_scoped3A : memref<!tpu.dma_semaphore, #tpu.memory_space<semaphore_mem>>) src(%dma_wait3A_263 : memref<157x128xi32, #tpu.memory_space<hbm>>) dst(%arg6 : memref<157x128xi32, #tpu.memory_space<vmem>>)
      tpu.yield
    }) : () -> ()
    "tpu.region"() ({
      %run_scoped3A = tpu.sem_alloc : memref<!tpu.dma_semaphore, #tpu.memory_space<semaphore_mem>>
      %dma_start3A_248 = arith.constant 0 : i32
      %dma_start3A_249 = arith.constant 0 : i32
      %dma_start3A_250 = tpu.memref_slice %arg4[%arg1, %dma_start3A_248, %dma_start3A_249] : memref<16x157x128xi32, #tpu.memory_space<hbm>> -> memref<1x157x128xi32, #tpu.memory_space<hbm>>
      %dma_start3A_251 = tpu.memref_squeeze %dma_start3A_250 : memref<1x157x128xi32, #tpu.memory_space<hbm>> -> memref<157x128xi32, #tpu.memory_space<hbm>>
      %dma_start3A_252 = arith.constant 0 : i32
      %dma_start3A_253 = arith.constant 0 : i32
      %dma_start3A_254 = tpu.memref_slice %arg4[%arg1, %dma_start3A_252, %dma_start3A_253] : memref<16x157x128xi32, #tpu.memory_space<hbm>> -> memref<1x157x128xi32, #tpu.memory_space<hbm>>
      %dma_start3A_255 = tpu.memref_squeeze %dma_start3A_254 : memref<1x157x128xi32, #tpu.memory_space<hbm>> -> memref<157x128xi32, #tpu.memory_space<hbm>>
      tpu.enqueue_dma source(%dma_start3A_255 : memref<157x128xi32, #tpu.memory_space<hbm>>) target(%arg7 : memref<157x128xi32, #tpu.memory_space<vmem>>) target_semaphore(%run_scoped3A : memref<!tpu.dma_semaphore, #tpu.memory_space<semaphore_mem>>)
      %dma_wait3A_256 = arith.constant 0 : i32
      %dma_wait3A_257 = arith.constant 0 : i32
      %dma_wait3A_258 = tpu.memref_slice %arg4[%arg1, %dma_wait3A_256, %dma_wait3A_257] : memref<16x157x128xi32, #tpu.memory_space<hbm>> -> memref<1x157x128xi32, #tpu.memory_space<hbm>>
      %dma_wait3A_259 = tpu.memref_squeeze %dma_wait3A_258 : memref<1x157x128xi32, #tpu.memory_space<hbm>> -> memref<157x128xi32, #tpu.memory_space<hbm>>
      %dma_wait3A_260 = arith.constant 0 : i32
      %dma_wait3A_261 = arith.constant 0 : i32
      %dma_wait3A_262 = tpu.memref_slice %arg4[%arg1, %dma_wait3A_260, %dma_wait3A_261] : memref<16x157x128xi32, #tpu.memory_space<hbm>> -> memref<1x157x128xi32, #tpu.memory_space<hbm>>
      %dma_wait3A_263 = tpu.memref_squeeze %dma_wait3A_262 : memref<1x157x128xi32, #tpu.memory_space<hbm>> -> memref<157x128xi32, #tpu.memory_space<hbm>>
      tpu.wait_dma2 semaphore(%run_scoped3A : memref<!tpu.dma_semaphore, #tpu.memory_space<semaphore_mem>>) src(%dma_wait3A_263 : memref<157x128xi32, #tpu.memory_space<hbm>>) dst(%arg7 : memref<157x128xi32, #tpu.memory_space<vmem>>)
      tpu.yield
    }) : () -> ()
    %barrier3A = arith.constant 0 : index
    tpu.barrier barrier_id(%barrier3A)
    %dma_start3A = arith.constant 0 : i32
    %dma_start3A_23 = arith.constant 0 : i32
    %dma_start3A_24 = tpu.memref_slice %arg6[%dma_start3A, %dma_start3A_23] : memref<157x128xi32, #tpu.memory_space<vmem>> -> memref<1x128xi32, #tpu.memory_space<vmem>>
    %dma_start3A_25 = tpu.memref_squeeze %dma_start3A_24 : memref<1x128xi32, #tpu.memory_space<vmem>> -> memref<128xi32, #tpu.memory_space<vmem>>
    %dma_start3A_26 = arith.constant 0 : i32
    %dma_start3A_27 = arith.constant 0 : i32
    %dma_start3A_28 = tpu.memref_slice %arg2[%arg0, %dma_start3A_26, %dma_start3A_27] : memref<2x10000x64xf32, #tpu.memory_space<hbm>> -> memref<1x10000x64xf32, #tpu.memory_space<hbm>>
    %dma_start3A_29 = tpu.memref_squeeze %dma_start3A_28 : memref<1x10000x64xf32, #tpu.memory_space<hbm>> -> memref<10000x64xf32, #tpu.memory_space<hbm>>
    %dma_start3A_30 = arith.constant 0 : i32
    %dma_start3A_31 = arith.constant 0 : i32
    %dma_start3A_32 = tpu.memref_slice %dma_start3A_29[%dma_start3A_30, %dma_start3A_31] : memref<10000x64xf32, #tpu.memory_space<hbm>> -> memref<10000x64xf32, #tpu.memory_space<hbm>>
    tpu.enqueue_indirect_dma source(%dma_start3A_32 : memref<10000x64xf32, #tpu.memory_space<hbm>>) target(%arg8 : memref<128x64xf32, #tpu.memory_space<vmem>>) offsets(%dma_start3A_25 : memref<128xi32, #tpu.memory_space<vmem>>) semaphore(%arg14 : memref<!tpu.dma_semaphore, #tpu.memory_space<semaphore_mem>>)
    %dma_start3A_33 = arith.constant 1 : i32
    %dma_start3A_34 = arith.constant 0 : i32
    %dma_start3A_35 = tpu.memref_slice %arg6[%dma_start3A_33, %dma_start3A_34] : memref<157x128xi32, #tpu.memory_space<vmem>> -> memref<1x128xi32, #tpu.memory_space<vmem>>
    %dma_start3A_36 = tpu.memref_squeeze %dma_start3A_35 : memref<1x128xi32, #tpu.memory_space<vmem>> -> memref<128xi32, #tpu.memory_space<vmem>>
    %dma_start3A_37 = arith.constant 0 : i32
    %dma_start3A_38 = arith.constant 0 : i32
    %dma_start3A_39 = tpu.memref_slice %arg2[%arg0, %dma_start3A_37, %dma_start3A_38] : memref<2x10000x64xf32, #tpu.memory_space<hbm>> -> memref<1x10000x64xf32, #tpu.memory_space<hbm>>
    %dma_start3A_40 = tpu.memref_squeeze %dma_start3A_39 : memref<1x10000x64xf32, #tpu.memory_space<hbm>> -> memref<10000x64xf32, #tpu.memory_space<hbm>>
    %dma_start3A_41 = arith.constant 0 : i32
    %dma_start3A_42 = arith.constant 0 : i32
    %dma_start3A_43 = tpu.memref_slice %dma_start3A_40[%dma_start3A_41, %dma_start3A_42] : memref<10000x64xf32, #tpu.memory_space<hbm>> -> memref<10000x64xf32, #tpu.memory_space<hbm>>
    tpu.enqueue_indirect_dma source(%dma_start3A_43 : memref<10000x64xf32, #tpu.memory_space<hbm>>) target(%arg9 : memref<128x64xf32, #tpu.memory_space<vmem>>) offsets(%dma_start3A_36 : memref<128xi32, #tpu.memory_space<vmem>>) semaphore(%arg15 : memref<!tpu.dma_semaphore, #tpu.memory_space<semaphore_mem>>)
    %dma_start3A_44 = arith.constant 2 : i32
    %dma_start3A_45 = arith.constant 0 : i32
    %dma_start3A_46 = tpu.memref_slice %arg6[%dma_start3A_44, %dma_start3A_45] : memref<157x128xi32, #tpu.memory_space<vmem>> -> memref<1x128xi32, #tpu.memory_space<vmem>>
    %dma_start3A_47 = tpu.memref_squeeze %dma_start3A_46 : memref<1x128xi32, #tpu.memory_space<vmem>> -> memref<128xi32, #tpu.memory_space<vmem>>
    %dma_start3A_48 = arith.constant 0 : i32
    %dma_start3A_49 = arith.constant 0 : i32
    %dma_start3A_50 = tpu.memref_slice %arg2[%arg0, %dma_start3A_48, %dma_start3A_49] : memref<2x10000x64xf32, #tpu.memory_space<hbm>> -> memref<1x10000x64xf32, #tpu.memory_space<hbm>>
    %dma_start3A_51 = tpu.memref_squeeze %dma_start3A_50 : memref<1x10000x64xf32, #tpu.memory_space<hbm>> -> memref<10000x64xf32, #tpu.memory_space<hbm>>
    %dma_start3A_52 = arith.constant 0 : i32
    %dma_start3A_53 = arith.constant 0 : i32
    %dma_start3A_54 = tpu.memref_slice %dma_start3A_51[%dma_start3A_52, %dma_start3A_53] : memref<10000x64xf32, #tpu.memory_space<hbm>> -> memref<10000x64xf32, #tpu.memory_space<hbm>>
    tpu.enqueue_indirect_dma source(%dma_start3A_54 : memref<10000x64xf32, #tpu.memory_space<hbm>>) target(%arg10 : memref<128x64xf32, #tpu.memory_space<vmem>>) offsets(%dma_start3A_47 : memref<128xi32, #tpu.memory_space<vmem>>) semaphore(%arg16 : memref<!tpu.dma_semaphore, #tpu.memory_space<semaphore_mem>>)
    %dma_wait3A = arith.constant 0 : i32
    %dma_wait3A_55 = arith.constant 0 : i32
    %dma_wait3A_56 = tpu.memref_slice %arg6[%dma_wait3A, %dma_wait3A_55] : memref<157x128xi32, #tpu.memory_space<vmem>> -> memref<1x128xi32, #tpu.memory_space<vmem>>
    %dma_wait3A_57 = tpu.memref_squeeze %dma_wait3A_56 : memref<1x128xi32, #tpu.memory_space<vmem>> -> memref<128xi32, #tpu.memory_space<vmem>>
    %dma_wait3A_58 = arith.constant 0 : i32
    %dma_wait3A_59 = arith.constant 0 : i32
    %dma_wait3A_60 = tpu.memref_slice %arg2[%arg0, %dma_wait3A_58, %dma_wait3A_59] : memref<2x10000x64xf32, #tpu.memory_space<hbm>> -> memref<1x10000x64xf32, #tpu.memory_space<hbm>>
    %dma_wait3A_61 = tpu.memref_squeeze %dma_wait3A_60 : memref<1x10000x64xf32, #tpu.memory_space<hbm>> -> memref<10000x64xf32, #tpu.memory_space<hbm>>
    %dma_wait3A_62 = arith.constant 0 : i32
    %dma_wait3A_63 = arith.constant 0 : i32
    %dma_wait3A_64 = tpu.memref_slice %dma_wait3A_61[%dma_wait3A_62, %dma_wait3A_63] : memref<10000x64xf32, #tpu.memory_space<hbm>> -> memref<10000x64xf32, #tpu.memory_space<hbm>>
    tpu.wait_indirect_dma semaphore(%arg14 : memref<!tpu.dma_semaphore, #tpu.memory_space<semaphore_mem>>) src(%dma_wait3A_64 : memref<10000x64xf32, #tpu.memory_space<hbm>>) dst(%arg8 : memref<128x64xf32, #tpu.memory_space<vmem>>)
    %dma_start3A_65 = arith.constant 0 : i32
    %dma_start3A_66 = arith.constant 0 : i32
    %dma_start3A_67 = tpu.memref_slice %arg7[%dma_start3A_65, %dma_start3A_66] : memref<157x128xi32, #tpu.memory_space<vmem>> -> memref<1x128xi32, #tpu.memory_space<vmem>>
    %dma_start3A_68 = tpu.memref_squeeze %dma_start3A_67 : memref<1x128xi32, #tpu.memory_space<vmem>> -> memref<128xi32, #tpu.memory_space<vmem>>
    %dma_start3A_69 = arith.constant 0 : i32
    %dma_start3A_70 = arith.constant 0 : i32
    %dma_start3A_71 = tpu.memref_slice %arg13[%dma_start3A_69, %dma_start3A_70] : memref<10240x64xf32, #tpu.memory_space<vmem_shared>> -> memref<10240x64xf32, #tpu.memory_space<vmem_shared>>
    tpu.enqueue_indirect_dma source(%arg8 : memref<128x64xf32, #tpu.memory_space<vmem>>) target(%dma_start3A_71 : memref<10240x64xf32, #tpu.memory_space<vmem_shared>>) offsets(%dma_start3A_68 : memref<128xi32, #tpu.memory_space<vmem>>) semaphore(%arg18 : memref<!tpu.dma_semaphore, #tpu.memory_space<semaphore_mem>>) {add = true}
    %dma_start3A_72 = arith.constant 3 : i32
    %dma_start3A_73 = arith.constant 0 : i32
    %dma_start3A_74 = tpu.memref_slice %arg6[%dma_start3A_72, %dma_start3A_73] : memref<157x128xi32, #tpu.memory_space<vmem>> -> memref<1x128xi32, #tpu.memory_space<vmem>>
    %dma_start3A_75 = tpu.memref_squeeze %dma_start3A_74 : memref<1x128xi32, #tpu.memory_space<vmem>> -> memref<128xi32, #tpu.memory_space<vmem>>
    %dma_start3A_76 = arith.constant 0 : i32
    %dma_start3A_77 = arith.constant 0 : i32
    %dma_start3A_78 = tpu.memref_slice %arg2[%arg0, %dma_start3A_76, %dma_start3A_77] : memref<2x10000x64xf32, #tpu.memory_space<hbm>> -> memref<1x10000x64xf32, #tpu.memory_space<hbm>>
    %dma_start3A_79 = tpu.memref_squeeze %dma_start3A_78 : memref<1x10000x64xf32, #tpu.memory_space<hbm>> -> memref<10000x64xf32, #tpu.memory_space<hbm>>
    %dma_start3A_80 = arith.constant 0 : i32
    %dma_start3A_81 = arith.constant 0 : i32
    %dma_start3A_82 = tpu.memref_slice %dma_start3A_79[%dma_start3A_80, %dma_start3A_81] : memref<10000x64xf32, #tpu.memory_space<hbm>> -> memref<10000x64xf32, #tpu.memory_space<hbm>>
    tpu.enqueue_indirect_dma source(%dma_start3A_82 : memref<10000x64xf32, #tpu.memory_space<hbm>>) target(%arg11 : memref<128x64xf32, #tpu.memory_space<vmem>>) offsets(%dma_start3A_75 : memref<128xi32, #tpu.memory_space<vmem>>) semaphore(%arg17 : memref<!tpu.dma_semaphore, #tpu.memory_space<semaphore_mem>>)
    %scan3A_83 = arith.constant 0 : i32
    %scan3A_84 = arith.constant 0 : i32
    %scan3A_85 = arith.constant 38 : i32
    %scan3A_86 = arith.addi %scan3A_84, %scan3A_85 : i32
    %scan3A_87 = arith.constant 1 : i32
    scf.for %scan3A_248 = %scan3A_84 to %scan3A_86 step %scan3A_87  : i32 {
      %mul3A_249 = arith.constant 4 : i32
      %mul3A_250 = arith.muli %mul3A_249, %scan3A_248 : i32
      %add3A_251 = arith.constant 1 : i32
      %add3A_252 = arith.addi %mul3A_250, %add3A_251 : i32
      %add3A_253 = arith.constant 0 : i32
      %add3A_254 = arith.addi %add3A_252, %add3A_253 : i32
      %dma_wait3A_255 = arith.constant 0 : i32
      %dma_wait3A_256 = arith.constant 0 : i32
      %dma_wait3A_257 = tpu.memref_slice %arg6[%dma_wait3A_255, %dma_wait3A_256] : memref<157x128xi32, #tpu.memory_space<vmem>> -> memref<1x128xi32, #tpu.memory_space<vmem>>
      %dma_wait3A_258 = tpu.memref_squeeze %dma_wait3A_257 : memref<1x128xi32, #tpu.memory_space<vmem>> -> memref<128xi32, #tpu.memory_space<vmem>>
      %dma_wait3A_259 = arith.constant 0 : i32
      %dma_wait3A_260 = arith.constant 0 : i32
      %dma_wait3A_261 = tpu.memref_slice %arg2[%arg0, %dma_wait3A_259, %dma_wait3A_260] : memref<2x10000x64xf32, #tpu.memory_space<hbm>> -> memref<1x10000x64xf32, #tpu.memory_space<hbm>>
      %dma_wait3A_262 = tpu.memref_squeeze %dma_wait3A_261 : memref<1x10000x64xf32, #tpu.memory_space<hbm>> -> memref<10000x64xf32, #tpu.memory_space<hbm>>
      %dma_wait3A_263 = arith.constant 0 : i32
      %dma_wait3A_264 = arith.constant 0 : i32
      %dma_wait3A_265 = tpu.memref_slice %dma_wait3A_262[%dma_wait3A_263, %dma_wait3A_264] : memref<10000x64xf32, #tpu.memory_space<hbm>> -> memref<10000x64xf32, #tpu.memory_space<hbm>>
      tpu.wait_indirect_dma semaphore(%arg15 : memref<!tpu.dma_semaphore, #tpu.memory_space<semaphore_mem>>) src(%dma_wait3A_265 : memref<10000x64xf32, #tpu.memory_space<hbm>>) dst(%arg9 : memref<128x64xf32, #tpu.memory_space<vmem>>)
      %dma_start3A_266 = arith.constant 0 : i32
      %dma_start3A_267 = tpu.memref_slice %arg7[%add3A_254, %dma_start3A_266] : memref<157x128xi32, #tpu.memory_space<vmem>> -> memref<1x128xi32, #tpu.memory_space<vmem>>
      %dma_start3A_268 = tpu.memref_squeeze %dma_start3A_267 : memref<1x128xi32, #tpu.memory_space<vmem>> -> memref<128xi32, #tpu.memory_space<vmem>>
      %dma_start3A_269 = arith.constant 0 : i32
      %dma_start3A_270 = arith.constant 0 : i32
      %dma_start3A_271 = tpu.memref_slice %arg13[%dma_start3A_269, %dma_start3A_270] : memref<10240x64xf32, #tpu.memory_space<vmem_shared>> -> memref<10240x64xf32, #tpu.memory_space<vmem_shared>>
      tpu.enqueue_indirect_dma source(%arg9 : memref<128x64xf32, #tpu.memory_space<vmem>>) target(%dma_start3A_271 : memref<10240x64xf32, #tpu.memory_space<vmem_shared>>) offsets(%dma_start3A_268 : memref<128xi32, #tpu.memory_space<vmem>>) semaphore(%arg19 : memref<!tpu.dma_semaphore, #tpu.memory_space<semaphore_mem>>) {add = true}
      %dma_wait3A_272 = arith.constant 0 : i32
      %dma_wait3A_273 = arith.constant 0 : i32
      %dma_wait3A_274 = tpu.memref_slice %arg7[%dma_wait3A_272, %dma_wait3A_273] : memref<157x128xi32, #tpu.memory_space<vmem>> -> memref<1x128xi32, #tpu.memory_space<vmem>>
      %dma_wait3A_275 = tpu.memref_squeeze %dma_wait3A_274 : memref<1x128xi32, #tpu.memory_space<vmem>> -> memref<128xi32, #tpu.memory_space<vmem>>
      %dma_wait3A_276 = arith.constant 0 : i32
      %dma_wait3A_277 = arith.constant 0 : i32
      %dma_wait3A_278 = tpu.memref_slice %arg13[%dma_wait3A_276, %dma_wait3A_277] : memref<10240x64xf32, #tpu.memory_space<vmem_shared>> -> memref<10240x64xf32, #tpu.memory_space<vmem_shared>>
      tpu.wait_indirect_dma semaphore(%arg18 : memref<!tpu.dma_semaphore, #tpu.memory_space<semaphore_mem>>) src(%arg8 : memref<128x64xf32, #tpu.memory_space<vmem>>) dst(%dma_wait3A_278 : memref<10240x64xf32, #tpu.memory_space<vmem_shared>>)
      %add3A_279 = arith.constant 3 : i32
      %add3A_280 = arith.addi %add3A_254, %add3A_279 : i32
      %dma_start3A_281 = arith.constant 0 : i32
      %dma_start3A_282 = tpu.memref_slice %arg6[%add3A_280, %dma_start3A_281] : memref<157x128xi32, #tpu.memory_space<vmem>> -> memref<1x128xi32, #tpu.memory_space<vmem>>
      %dma_start3A_283 = tpu.memref_squeeze %dma_start3A_282 : memref<1x128xi32, #tpu.memory_space<vmem>> -> memref<128xi32, #tpu.memory_space<vmem>>
      %dma_start3A_284 = arith.constant 0 : i32
      %dma_start3A_285 = arith.constant 0 : i32
      %dma_start3A_286 = tpu.memref_slice %arg2[%arg0, %dma_start3A_284, %dma_start3A_285] : memref<2x10000x64xf32, #tpu.memory_space<hbm>> -> memref<1x10000x64xf32, #tpu.memory_space<hbm>>
      %dma_start3A_287 = tpu.memref_squeeze %dma_start3A_286 : memref<1x10000x64xf32, #tpu.memory_space<hbm>> -> memref<10000x64xf32, #tpu.memory_space<hbm>>
      %dma_start3A_288 = arith.constant 0 : i32
      %dma_start3A_289 = arith.constant 0 : i32
      %dma_start3A_290 = tpu.memref_slice %dma_start3A_287[%dma_start3A_288, %dma_start3A_289] : memref<10000x64xf32, #tpu.memory_space<hbm>> -> memref<10000x64xf32, #tpu.memory_space<hbm>>
      tpu.enqueue_indirect_dma source(%dma_start3A_290 : memref<10000x64xf32, #tpu.memory_space<hbm>>) target(%arg8 : memref<128x64xf32, #tpu.memory_space<vmem>>) offsets(%dma_start3A_283 : memref<128xi32, #tpu.memory_space<vmem>>) semaphore(%arg14 : memref<!tpu.dma_semaphore, #tpu.memory_space<semaphore_mem>>)
      %mul3A_291 = arith.constant 4 : i32
      %mul3A_292 = arith.muli %mul3A_291, %scan3A_248 : i32
      %add3A_293 = arith.constant 1 : i32
      %add3A_294 = arith.addi %mul3A_292, %add3A_293 : i32
      %add3A_295 = arith.constant 1 : i32
      %add3A_296 = arith.addi %add3A_294, %add3A_295 : i32
      %dma_wait3A_297 = arith.constant 0 : i32
      %dma_wait3A_298 = arith.constant 0 : i32
      %dma_wait3A_299 = tpu.memref_slice %arg6[%dma_wait3A_297, %dma_wait3A_298] : memref<157x128xi32, #tpu.memory_space<vmem>> -> memref<1x128xi32, #tpu.memory_space<vmem>>
      %dma_wait3A_300 = tpu.memref_squeeze %dma_wait3A_299 : memref<1x128xi32, #tpu.memory_space<vmem>> -> memref<128xi32, #tpu.memory_space<vmem>>
      %dma_wait3A_301 = arith.constant 0 : i32
      %dma_wait3A_302 = arith.constant 0 : i32
      %dma_wait3A_303 = tpu.memref_slice %arg2[%arg0, %dma_wait3A_301, %dma_wait3A_302] : memref<2x10000x64xf32, #tpu.memory_space<hbm>> -> memref<1x10000x64xf32, #tpu.memory_space<hbm>>
      %dma_wait3A_304 = tpu.memref_squeeze %dma_wait3A_303 : memref<1x10000x64xf32, #tpu.memory_space<hbm>> -> memref<10000x64xf32, #tpu.memory_space<hbm>>
      %dma_wait3A_305 = arith.constant 0 : i32
      %dma_wait3A_306 = arith.constant 0 : i32
      %dma_wait3A_307 = tpu.memref_slice %dma_wait3A_304[%dma_wait3A_305, %dma_wait3A_306] : memref<10000x64xf32, #tpu.memory_space<hbm>> -> memref<10000x64xf32, #tpu.memory_space<hbm>>
      tpu.wait_indirect_dma semaphore(%arg16 : memref<!tpu.dma_semaphore, #tpu.memory_space<semaphore_mem>>) src(%dma_wait3A_307 : memref<10000x64xf32, #tpu.memory_space<hbm>>) dst(%arg10 : memref<128x64xf32, #tpu.memory_space<vmem>>)
      %dma_start3A_308 = arith.constant 0 : i32
      %dma_start3A_309 = tpu.memref_slice %arg7[%add3A_296, %dma_start3A_308] : memref<157x128xi32, #tpu.memory_space<vmem>> -> memref<1x128xi32, #tpu.memory_space<vmem>>
      %dma_start3A_310 = tpu.memref_squeeze %dma_start3A_309 : memref<1x128xi32, #tpu.memory_space<vmem>> -> memref<128xi32, #tpu.memory_space<vmem>>
      %dma_start3A_311 = arith.constant 0 : i32
      %dma_start3A_312 = arith.constant 0 : i32
      %dma_start3A_313 = tpu.memref_slice %arg13[%dma_start3A_311, %dma_start3A_312] : memref<10240x64xf32, #tpu.memory_space<vmem_shared>> -> memref<10240x64xf32, #tpu.memory_space<vmem_shared>>
      tpu.enqueue_indirect_dma source(%arg10 : memref<128x64xf32, #tpu.memory_space<vmem>>) target(%dma_start3A_313 : memref<10240x64xf32, #tpu.memory_space<vmem_shared>>) offsets(%dma_start3A_310 : memref<128xi32, #tpu.memory_space<vmem>>) semaphore(%arg20 : memref<!tpu.dma_semaphore, #tpu.memory_space<semaphore_mem>>) {add = true}
      %dma_wait3A_314 = arith.constant 0 : i32
      %dma_wait3A_315 = arith.constant 0 : i32
      %dma_wait3A_316 = tpu.memref_slice %arg7[%dma_wait3A_314, %dma_wait3A_315] : memref<157x128xi32, #tpu.memory_space<vmem>> -> memref<1x128xi32, #tpu.memory_space<vmem>>
      %dma_wait3A_317 = tpu.memref_squeeze %dma_wait3A_316 : memref<1x128xi32, #tpu.memory_space<vmem>> -> memref<128xi32, #tpu.memory_space<vmem>>
      %dma_wait3A_318 = arith.constant 0 : i32
      %dma_wait3A_319 = arith.constant 0 : i32
      %dma_wait3A_320 = tpu.memref_slice %arg13[%dma_wait3A_318, %dma_wait3A_319] : memref<10240x64xf32, #tpu.memory_space<vmem_shared>> -> memref<10240x64xf32, #tpu.memory_space<vmem_shared>>
      tpu.wait_indirect_dma semaphore(%arg19 : memref<!tpu.dma_semaphore, #tpu.memory_space<semaphore_mem>>) src(%arg9 : memref<128x64xf32, #tpu.memory_space<vmem>>) dst(%dma_wait3A_320 : memref<10240x64xf32, #tpu.memory_space<vmem_shared>>)
      %add3A_321 = arith.constant 3 : i32
      %add3A_322 = arith.addi %add3A_296, %add3A_321 : i32
      %dma_start3A_323 = arith.constant 0 : i32
      %dma_start3A_324 = tpu.memref_slice %arg6[%add3A_322, %dma_start3A_323] : memref<157x128xi32, #tpu.memory_space<vmem>> -> memref<1x128xi32, #tpu.memory_space<vmem>>
      %dma_start3A_325 = tpu.memref_squeeze %dma_start3A_324 : memref<1x128xi32, #tpu.memory_space<vmem>> -> memref<128xi32, #tpu.memory_space<vmem>>
      %dma_start3A_326 = arith.constant 0 : i32
      %dma_start3A_327 = arith.constant 0 : i32
      %dma_start3A_328 = tpu.memref_slice %arg2[%arg0, %dma_start3A_326, %dma_start3A_327] : memref<2x10000x64xf32, #tpu.memory_space<hbm>> -> memref<1x10000x64xf32, #tpu.memory_space<hbm>>
      %dma_start3A_329 = tpu.memref_squeeze %dma_start3A_328 : memref<1x10000x64xf32, #tpu.memory_space<hbm>> -> memref<10000x64xf32, #tpu.memory_space<hbm>>
      %dma_start3A_330 = arith.constant 0 : i32
      %dma_start3A_331 = arith.constant 0 : i32
      %dma_start3A_332 = tpu.memref_slice %dma_start3A_329[%dma_start3A_330, %dma_start3A_331] : memref<10000x64xf32, #tpu.memory_space<hbm>> -> memref<10000x64xf32, #tpu.memory_space<hbm>>
      tpu.enqueue_indirect_dma source(%dma_start3A_332 : memref<10000x64xf32, #tpu.memory_space<hbm>>) target(%arg9 : memref<128x64xf32, #tpu.memory_space<vmem>>) offsets(%dma_start3A_325 : memref<128xi32, #tpu.memory_space<vmem>>) semaphore(%arg15 : memref<!tpu.dma_semaphore, #tpu.memory_space<semaphore_mem>>)
      %mul3A_333 = arith.constant 4 : i32
      %mul3A_334 = arith.muli %mul3A_333, %scan3A_248 : i32
      %add3A_335 = arith.constant 1 : i32
      %add3A_336 = arith.addi %mul3A_334, %add3A_335 : i32
      %add3A_337 = arith.constant 2 : i32
      %add3A_338 = arith.addi %add3A_336, %add3A_337 : i32
      %dma_wait3A_339 = arith.constant 0 : i32
      %dma_wait3A_340 = arith.constant 0 : i32
      %dma_wait3A_341 = tpu.memref_slice %arg6[%dma_wait3A_339, %dma_wait3A_340] : memref<157x128xi32, #tpu.memory_space<vmem>> -> memref<1x128xi32, #tpu.memory_space<vmem>>
      %dma_wait3A_342 = tpu.memref_squeeze %dma_wait3A_341 : memref<1x128xi32, #tpu.memory_space<vmem>> -> memref<128xi32, #tpu.memory_space<vmem>>
      %dma_wait3A_343 = arith.constant 0 : i32
      %dma_wait3A_344 = arith.constant 0 : i32
      %dma_wait3A_345 = tpu.memref_slice %arg2[%arg0, %dma_wait3A_343, %dma_wait3A_344] : memref<2x10000x64xf32, #tpu.memory_space<hbm>> -> memref<1x10000x64xf32, #tpu.memory_space<hbm>>
      %dma_wait3A_346 = tpu.memref_squeeze %dma_wait3A_345 : memref<1x10000x64xf32, #tpu.memory_space<hbm>> -> memref<10000x64xf32, #tpu.memory_space<hbm>>
      %dma_wait3A_347 = arith.constant 0 : i32
      %dma_wait3A_348 = arith.constant 0 : i32
      %dma_wait3A_349 = tpu.memref_slice %dma_wait3A_346[%dma_wait3A_347, %dma_wait3A_348] : memref<10000x64xf32, #tpu.memory_space<hbm>> -> memref<10000x64xf32, #tpu.memory_space<hbm>>
      tpu.wait_indirect_dma semaphore(%arg17 : memref<!tpu.dma_semaphore, #tpu.memory_space<semaphore_mem>>) src(%dma_wait3A_349 : memref<10000x64xf32, #tpu.memory_space<hbm>>) dst(%arg11 : memref<128x64xf32, #tpu.memory_space<vmem>>)
      %dma_start3A_350 = arith.constant 0 : i32
      %dma_start3A_351 = tpu.memref_slice %arg7[%add3A_338, %dma_start3A_350] : memref<157x128xi32, #tpu.memory_space<vmem>> -> memref<1x128xi32, #tpu.memory_space<vmem>>
      %dma_start3A_352 = tpu.memref_squeeze %dma_start3A_351 : memref<1x128xi32, #tpu.memory_space<vmem>> -> memref<128xi32, #tpu.memory_space<vmem>>
      %dma_start3A_353 = arith.constant 0 : i32
      %dma_start3A_354 = arith.constant 0 : i32
      %dma_start3A_355 = tpu.memref_slice %arg13[%dma_start3A_353, %dma_start3A_354] : memref<10240x64xf32, #tpu.memory_space<vmem_shared>> -> memref<10240x64xf32, #tpu.memory_space<vmem_shared>>
      tpu.enqueue_indirect_dma source(%arg11 : memref<128x64xf32, #tpu.memory_space<vmem>>) target(%dma_start3A_355 : memref<10240x64xf32, #tpu.memory_space<vmem_shared>>) offsets(%dma_start3A_352 : memref<128xi32, #tpu.memory_space<vmem>>) semaphore(%arg21 : memref<!tpu.dma_semaphore, #tpu.memory_space<semaphore_mem>>) {add = true}
      %dma_wait3A_356 = arith.constant 0 : i32
      %dma_wait3A_357 = arith.constant 0 : i32
      %dma_wait3A_358 = tpu.memref_slice %arg7[%dma_wait3A_356, %dma_wait3A_357] : memref<157x128xi32, #tpu.memory_space<vmem>> -> memref<1x128xi32, #tpu.memory_space<vmem>>
      %dma_wait3A_359 = tpu.memref_squeeze %dma_wait3A_358 : memref<1x128xi32, #tpu.memory_space<vmem>> -> memref<128xi32, #tpu.memory_space<vmem>>
      %dma_wait3A_360 = arith.constant 0 : i32
      %dma_wait3A_361 = arith.constant 0 : i32
      %dma_wait3A_362 = tpu.memref_slice %arg13[%dma_wait3A_360, %dma_wait3A_361] : memref<10240x64xf32, #tpu.memory_space<vmem_shared>> -> memref<10240x64xf32, #tpu.memory_space<vmem_shared>>
      tpu.wait_indirect_dma semaphore(%arg20 : memref<!tpu.dma_semaphore, #tpu.memory_space<semaphore_mem>>) src(%arg10 : memref<128x64xf32, #tpu.memory_space<vmem>>) dst(%dma_wait3A_362 : memref<10240x64xf32, #tpu.memory_space<vmem_shared>>)
      %add3A_363 = arith.constant 3 : i32
      %add3A_364 = arith.addi %add3A_338, %add3A_363 : i32
      %dma_start3A_365 = arith.constant 0 : i32
      %dma_start3A_366 = tpu.memref_slice %arg6[%add3A_364, %dma_start3A_365] : memref<157x128xi32, #tpu.memory_space<vmem>> -> memref<1x128xi32, #tpu.memory_space<vmem>>
      %dma_start3A_367 = tpu.memref_squeeze %dma_start3A_366 : memref<1x128xi32, #tpu.memory_space<vmem>> -> memref<128xi32, #tpu.memory_space<vmem>>
      %dma_start3A_368 = arith.constant 0 : i32
      %dma_start3A_369 = arith.constant 0 : i32
      %dma_start3A_370 = tpu.memref_slice %arg2[%arg0, %dma_start3A_368, %dma_start3A_369] : memref<2x10000x64xf32, #tpu.memory_space<hbm>> -> memref<1x10000x64xf32, #tpu.memory_space<hbm>>
      %dma_start3A_371 = tpu.memref_squeeze %dma_start3A_370 : memref<1x10000x64xf32, #tpu.memory_space<hbm>> -> memref<10000x64xf32, #tpu.memory_space<hbm>>
      %dma_start3A_372 = arith.constant 0 : i32
      %dma_start3A_373 = arith.constant 0 : i32
      %dma_start3A_374 = tpu.memref_slice %dma_start3A_371[%dma_start3A_372, %dma_start3A_373] : memref<10000x64xf32, #tpu.memory_space<hbm>> -> memref<10000x64xf32, #tpu.memory_space<hbm>>
      tpu.enqueue_indirect_dma source(%dma_start3A_374 : memref<10000x64xf32, #tpu.memory_space<hbm>>) target(%arg10 : memref<128x64xf32, #tpu.memory_space<vmem>>) offsets(%dma_start3A_367 : memref<128xi32, #tpu.memory_space<vmem>>) semaphore(%arg16 : memref<!tpu.dma_semaphore, #tpu.memory_space<semaphore_mem>>)
      %mul3A_375 = arith.constant 4 : i32
      %mul3A_376 = arith.muli %mul3A_375, %scan3A_248 : i32
      %add3A_377 = arith.constant 1 : i32
      %add3A_378 = arith.addi %mul3A_376, %add3A_377 : i32
      %add3A_379 = arith.constant 3 : i32
      %add3A_380 = arith.addi %add3A_378, %add3A_379 : i32
      %dma_wait3A_381 = arith.constant 0 : i32
      %dma_wait3A_382 = arith.constant 0 : i32
      %dma_wait3A_383 = tpu.memref_slice %arg6[%dma_wait3A_381, %dma_wait3A_382] : memref<157x128xi32, #tpu.memory_space<vmem>> -> memref<1x128xi32, #tpu.memory_space<vmem>>
      %dma_wait3A_384 = tpu.memref_squeeze %dma_wait3A_383 : memref<1x128xi32, #tpu.memory_space<vmem>> -> memref<128xi32, #tpu.memory_space<vmem>>
      %dma_wait3A_385 = arith.constant 0 : i32
      %dma_wait3A_386 = arith.constant 0 : i32
      %dma_wait3A_387 = tpu.memref_slice %arg2[%arg0, %dma_wait3A_385, %dma_wait3A_386] : memref<2x10000x64xf32, #tpu.memory_space<hbm>> -> memref<1x10000x64xf32, #tpu.memory_space<hbm>>
      %dma_wait3A_388 = tpu.memref_squeeze %dma_wait3A_387 : memref<1x10000x64xf32, #tpu.memory_space<hbm>> -> memref<10000x64xf32, #tpu.memory_space<hbm>>
      %dma_wait3A_389 = arith.constant 0 : i32
      %dma_wait3A_390 = arith.constant 0 : i32
      %dma_wait3A_391 = tpu.memref_slice %dma_wait3A_388[%dma_wait3A_389, %dma_wait3A_390] : memref<10000x64xf32, #tpu.memory_space<hbm>> -> memref<10000x64xf32, #tpu.memory_space<hbm>>
      tpu.wait_indirect_dma semaphore(%arg14 : memref<!tpu.dma_semaphore, #tpu.memory_space<semaphore_mem>>) src(%dma_wait3A_391 : memref<10000x64xf32, #tpu.memory_space<hbm>>) dst(%arg8 : memref<128x64xf32, #tpu.memory_space<vmem>>)
      %dma_start3A_392 = arith.constant 0 : i32
      %dma_start3A_393 = tpu.memref_slice %arg7[%add3A_380, %dma_start3A_392] : memref<157x128xi32, #tpu.memory_space<vmem>> -> memref<1x128xi32, #tpu.memory_space<vmem>>
      %dma_start3A_394 = tpu.memref_squeeze %dma_start3A_393 : memref<1x128xi32, #tpu.memory_space<vmem>> -> memref<128xi32, #tpu.memory_space<vmem>>
      %dma_start3A_395 = arith.constant 0 : i32
      %dma_start3A_396 = arith.constant 0 : i32
      %dma_start3A_397 = tpu.memref_slice %arg13[%dma_start3A_395, %dma_start3A_396] : memref<10240x64xf32, #tpu.memory_space<vmem_shared>> -> memref<10240x64xf32, #tpu.memory_space<vmem_shared>>
      tpu.enqueue_indirect_dma source(%arg8 : memref<128x64xf32, #tpu.memory_space<vmem>>) target(%dma_start3A_397 : memref<10240x64xf32, #tpu.memory_space<vmem_shared>>) offsets(%dma_start3A_394 : memref<128xi32, #tpu.memory_space<vmem>>) semaphore(%arg18 : memref<!tpu.dma_semaphore, #tpu.memory_space<semaphore_mem>>) {add = true}
      %dma_wait3A_398 = arith.constant 0 : i32
      %dma_wait3A_399 = arith.constant 0 : i32
      %dma_wait3A_400 = tpu.memref_slice %arg7[%dma_wait3A_398, %dma_wait3A_399] : memref<157x128xi32, #tpu.memory_space<vmem>> -> memref<1x128xi32, #tpu.memory_space<vmem>>
      %dma_wait3A_401 = tpu.memref_squeeze %dma_wait3A_400 : memref<1x128xi32, #tpu.memory_space<vmem>> -> memref<128xi32, #tpu.memory_space<vmem>>
      %dma_wait3A_402 = arith.constant 0 : i32
      %dma_wait3A_403 = arith.constant 0 : i32
      %dma_wait3A_404 = tpu.memref_slice %arg13[%dma_wait3A_402, %dma_wait3A_403] : memref<10240x64xf32, #tpu.memory_space<vmem_shared>> -> memref<10240x64xf32, #tpu.memory_space<vmem_shared>>
      tpu.wait_indirect_dma semaphore(%arg21 : memref<!tpu.dma_semaphore, #tpu.memory_space<semaphore_mem>>) src(%arg11 : memref<128x64xf32, #tpu.memory_space<vmem>>) dst(%dma_wait3A_404 : memref<10240x64xf32, #tpu.memory_space<vmem_shared>>)
      %add3A_405 = arith.constant 3 : i32
      %add3A_406 = arith.addi %add3A_380, %add3A_405 : i32
      %dma_start3A_407 = arith.constant 0 : i32
      %dma_start3A_408 = tpu.memref_slice %arg6[%add3A_406, %dma_start3A_407] : memref<157x128xi32, #tpu.memory_space<vmem>> -> memref<1x128xi32, #tpu.memory_space<vmem>>
      %dma_start3A_409 = tpu.memref_squeeze %dma_start3A_408 : memref<1x128xi32, #tpu.memory_space<vmem>> -> memref<128xi32, #tpu.memory_space<vmem>>
      %dma_start3A_410 = arith.constant 0 : i32
      %dma_start3A_411 = arith.constant 0 : i32
      %dma_start3A_412 = tpu.memref_slice %arg2[%arg0, %dma_start3A_410, %dma_start3A_411] : memref<2x10000x64xf32, #tpu.memory_space<hbm>> -> memref<1x10000x64xf32, #tpu.memory_space<hbm>>
      %dma_start3A_413 = tpu.memref_squeeze %dma_start3A_412 : memref<1x10000x64xf32, #tpu.memory_space<hbm>> -> memref<10000x64xf32, #tpu.memory_space<hbm>>
      %dma_start3A_414 = arith.constant 0 : i32
      %dma_start3A_415 = arith.constant 0 : i32
      %dma_start3A_416 = tpu.memref_slice %dma_start3A_413[%dma_start3A_414, %dma_start3A_415] : memref<10000x64xf32, #tpu.memory_space<hbm>> -> memref<10000x64xf32, #tpu.memory_space<hbm>>
      tpu.enqueue_indirect_dma source(%dma_start3A_416 : memref<10000x64xf32, #tpu.memory_space<hbm>>) target(%arg11 : memref<128x64xf32, #tpu.memory_space<vmem>>) offsets(%dma_start3A_409 : memref<128xi32, #tpu.memory_space<vmem>>) semaphore(%arg17 : memref<!tpu.dma_semaphore, #tpu.memory_space<semaphore_mem>>)
    }
    %scan3A_88 = arith.constant 38 : i32
    %dma_wait3A_89 = arith.constant 0 : i32
    %dma_wait3A_90 = arith.constant 0 : i32
    %dma_wait3A_91 = tpu.memref_slice %arg6[%dma_wait3A_89, %dma_wait3A_90] : memref<157x128xi32, #tpu.memory_space<vmem>> -> memref<1x128xi32, #tpu.memory_space<vmem>>
    %dma_wait3A_92 = tpu.memref_squeeze %dma_wait3A_91 : memref<1x128xi32, #tpu.memory_space<vmem>> -> memref<128xi32, #tpu.memory_space<vmem>>
    %dma_wait3A_93 = arith.constant 0 : i32
    %dma_wait3A_94 = arith.constant 0 : i32
    %dma_wait3A_95 = tpu.memref_slice %arg2[%arg0, %dma_wait3A_93, %dma_wait3A_94] : memref<2x10000x64xf32, #tpu.memory_space<hbm>> -> memref<1x10000x64xf32, #tpu.memory_space<hbm>>
    %dma_wait3A_96 = tpu.memref_squeeze %dma_wait3A_95 : memref<1x10000x64xf32, #tpu.memory_space<hbm>> -> memref<10000x64xf32, #tpu.memory_space<hbm>>
    %dma_wait3A_97 = arith.constant 0 : i32
    %dma_wait3A_98 = arith.constant 0 : i32
    %dma_wait3A_99 = tpu.memref_slice %dma_wait3A_96[%dma_wait3A_97, %dma_wait3A_98] : memref<10000x64xf32, #tpu.memory_space<hbm>> -> memref<10000x64xf32, #tpu.memory_space<hbm>>
    tpu.wait_indirect_dma semaphore(%arg15 : memref<!tpu.dma_semaphore, #tpu.memory_space<semaphore_mem>>) src(%dma_wait3A_99 : memref<10000x64xf32, #tpu.memory_space<hbm>>) dst(%arg9 : memref<128x64xf32, #tpu.memory_space<vmem>>)
    %dma_start3A_100 = arith.constant 153 : i32
    %dma_start3A_101 = arith.constant 0 : i32
    %dma_start3A_102 = tpu.memref_slice %arg7[%dma_start3A_100, %dma_start3A_101] : memref<157x128xi32, #tpu.memory_space<vmem>> -> memref<1x128xi32, #tpu.memory_space<vmem>>
    %dma_start3A_103 = tpu.memref_squeeze %dma_start3A_102 : memref<1x128xi32, #tpu.memory_space<vmem>> -> memref<128xi32, #tpu.memory_space<vmem>>
    %dma_start3A_104 = arith.constant 0 : i32
    %dma_start3A_105 = arith.constant 0 : i32
    %dma_start3A_106 = tpu.memref_slice %arg13[%dma_start3A_104, %dma_start3A_105] : memref<10240x64xf32, #tpu.memory_space<vmem_shared>> -> memref<10240x64xf32, #tpu.memory_space<vmem_shared>>
    tpu.enqueue_indirect_dma source(%arg9 : memref<128x64xf32, #tpu.memory_space<vmem>>) target(%dma_start3A_106 : memref<10240x64xf32, #tpu.memory_space<vmem_shared>>) offsets(%dma_start3A_103 : memref<128xi32, #tpu.memory_space<vmem>>) semaphore(%arg19 : memref<!tpu.dma_semaphore, #tpu.memory_space<semaphore_mem>>) {add = true}
    %dma_wait3A_107 = arith.constant 0 : i32
    %dma_wait3A_108 = arith.constant 0 : i32
    %dma_wait3A_109 = tpu.memref_slice %arg7[%dma_wait3A_107, %dma_wait3A_108] : memref<157x128xi32, #tpu.memory_space<vmem>> -> memref<1x128xi32, #tpu.memory_space<vmem>>
    %dma_wait3A_110 = tpu.memref_squeeze %dma_wait3A_109 : memref<1x128xi32, #tpu.memory_space<vmem>> -> memref<128xi32, #tpu.memory_space<vmem>>
    %dma_wait3A_111 = arith.constant 0 : i32
    %dma_wait3A_112 = arith.constant 0 : i32
    %dma_wait3A_113 = tpu.memref_slice %arg13[%dma_wait3A_111, %dma_wait3A_112] : memref<10240x64xf32, #tpu.memory_space<vmem_shared>> -> memref<10240x64xf32, #tpu.memory_space<vmem_shared>>
    tpu.wait_indirect_dma semaphore(%arg18 : memref<!tpu.dma_semaphore, #tpu.memory_space<semaphore_mem>>) src(%arg8 : memref<128x64xf32, #tpu.memory_space<vmem>>) dst(%dma_wait3A_113 : memref<10240x64xf32, #tpu.memory_space<vmem_shared>>)
    %dma_start3A_114 = arith.constant 156 : i32
    %dma_start3A_115 = arith.constant 0 : i32
    %dma_start3A_116 = tpu.memref_slice %arg6[%dma_start3A_114, %dma_start3A_115] : memref<157x128xi32, #tpu.memory_space<vmem>> -> memref<1x128xi32, #tpu.memory_space<vmem>>
    %dma_start3A_117 = tpu.memref_squeeze %dma_start3A_116 : memref<1x128xi32, #tpu.memory_space<vmem>> -> memref<128xi32, #tpu.memory_space<vmem>>
    %dma_start3A_118 = arith.constant 0 : i32
    %dma_start3A_119 = arith.constant 0 : i32
    %dma_start3A_120 = tpu.memref_slice %arg2[%arg0, %dma_start3A_118, %dma_start3A_119] : memref<2x10000x64xf32, #tpu.memory_space<hbm>> -> memref<1x10000x64xf32, #tpu.memory_space<hbm>>
    %dma_start3A_121 = tpu.memref_squeeze %dma_start3A_120 : memref<1x10000x64xf32, #tpu.memory_space<hbm>> -> memref<10000x64xf32, #tpu.memory_space<hbm>>
    %dma_start3A_122 = arith.constant 0 : i32
    %dma_start3A_123 = arith.constant 0 : i32
    %dma_start3A_124 = tpu.memref_slice %dma_start3A_121[%dma_start3A_122, %dma_start3A_123] : memref<10000x64xf32, #tpu.memory_space<hbm>> -> memref<10000x64xf32, #tpu.memory_space<hbm>>
    tpu.enqueue_indirect_dma source(%dma_start3A_124 : memref<10000x64xf32, #tpu.memory_space<hbm>>) target(%arg8 : memref<128x64xf32, #tpu.memory_space<vmem>>) offsets(%dma_start3A_117 : memref<128xi32, #tpu.memory_space<vmem>>) semaphore(%arg14 : memref<!tpu.dma_semaphore, #tpu.memory_space<semaphore_mem>>)
    %dma_wait3A_125 = arith.constant 0 : i32
    %dma_wait3A_126 = arith.constant 0 : i32
    %dma_wait3A_127 = tpu.memref_slice %arg6[%dma_wait3A_125, %dma_wait3A_126] : memref<157x128xi32, #tpu.memory_space<vmem>> -> memref<1x128xi32, #tpu.memory_space<vmem>>
    %dma_wait3A_128 = tpu.memref_squeeze %dma_wait3A_127 : memref<1x128xi32, #tpu.memory_space<vmem>> -> memref<128xi32, #tpu.memory_space<vmem>>
    %dma_wait3A_129 = arith.constant 0 : i32
    %dma_wait3A_130 = arith.constant 0 : i32
    %dma_wait3A_131 = tpu.memref_slice %arg2[%arg0, %dma_wait3A_129, %dma_wait3A_130] : memref<2x10000x64xf32, #tpu.memory_space<hbm>> -> memref<1x10000x64xf32, #tpu.memory_space<hbm>>
    %dma_wait3A_132 = tpu.memref_squeeze %dma_wait3A_131 : memref<1x10000x64xf32, #tpu.memory_space<hbm>> -> memref<10000x64xf32, #tpu.memory_space<hbm>>
    %dma_wait3A_133 = arith.constant 0 : i32
    %dma_wait3A_134 = arith.constant 0 : i32
    %dma_wait3A_135 = tpu.memref_slice %dma_wait3A_132[%dma_wait3A_133, %dma_wait3A_134] : memref<10000x64xf32, #tpu.memory_space<hbm>> -> memref<10000x64xf32, #tpu.memory_space<hbm>>
    tpu.wait_indirect_dma semaphore(%arg16 : memref<!tpu.dma_semaphore, #tpu.memory_space<semaphore_mem>>) src(%dma_wait3A_135 : memref<10000x64xf32, #tpu.memory_space<hbm>>) dst(%arg10 : memref<128x64xf32, #tpu.memory_space<vmem>>)
    %dma_start3A_136 = arith.constant 154 : i32
    %dma_start3A_137 = arith.constant 0 : i32
    %dma_start3A_138 = tpu.memref_slice %arg7[%dma_start3A_136, %dma_start3A_137] : memref<157x128xi32, #tpu.memory_space<vmem>> -> memref<1x128xi32, #tpu.memory_space<vmem>>
    %dma_start3A_139 = tpu.memref_squeeze %dma_start3A_138 : memref<1x128xi32, #tpu.memory_space<vmem>> -> memref<128xi32, #tpu.memory_space<vmem>>
    %dma_start3A_140 = arith.constant 0 : i32
    %dma_start3A_141 = arith.constant 0 : i32
    %dma_start3A_142 = tpu.memref_slice %arg13[%dma_start3A_140, %dma_start3A_141] : memref<10240x64xf32, #tpu.memory_space<vmem_shared>> -> memref<10240x64xf32, #tpu.memory_space<vmem_shared>>
    tpu.enqueue_indirect_dma source(%arg10 : memref<128x64xf32, #tpu.memory_space<vmem>>) target(%dma_start3A_142 : memref<10240x64xf32, #tpu.memory_space<vmem_shared>>) offsets(%dma_start3A_139 : memref<128xi32, #tpu.memory_space<vmem>>) semaphore(%arg20 : memref<!tpu.dma_semaphore, #tpu.memory_space<semaphore_mem>>) {add = true}
    %dma_wait3A_143 = arith.constant 0 : i32
    %dma_wait3A_144 = arith.constant 0 : i32
    %dma_wait3A_145 = tpu.memref_slice %arg6[%dma_wait3A_143, %dma_wait3A_144] : memref<157x128xi32, #tpu.memory_space<vmem>> -> memref<1x128xi32, #tpu.memory_space<vmem>>
    %dma_wait3A_146 = tpu.memref_squeeze %dma_wait3A_145 : memref<1x128xi32, #tpu.memory_space<vmem>> -> memref<128xi32, #tpu.memory_space<vmem>>
    %dma_wait3A_147 = arith.constant 0 : i32
    %dma_wait3A_148 = arith.constant 0 : i32
    %dma_wait3A_149 = tpu.memref_slice %arg2[%arg0, %dma_wait3A_147, %dma_wait3A_148] : memref<2x10000x64xf32, #tpu.memory_space<hbm>> -> memref<1x10000x64xf32, #tpu.memory_space<hbm>>
    %dma_wait3A_150 = tpu.memref_squeeze %dma_wait3A_149 : memref<1x10000x64xf32, #tpu.memory_space<hbm>> -> memref<10000x64xf32, #tpu.memory_space<hbm>>
    %dma_wait3A_151 = arith.constant 0 : i32
    %dma_wait3A_152 = arith.constant 0 : i32
    %dma_wait3A_153 = tpu.memref_slice %dma_wait3A_150[%dma_wait3A_151, %dma_wait3A_152] : memref<10000x64xf32, #tpu.memory_space<hbm>> -> memref<10000x64xf32, #tpu.memory_space<hbm>>
    tpu.wait_indirect_dma semaphore(%arg17 : memref<!tpu.dma_semaphore, #tpu.memory_space<semaphore_mem>>) src(%dma_wait3A_153 : memref<10000x64xf32, #tpu.memory_space<hbm>>) dst(%arg11 : memref<128x64xf32, #tpu.memory_space<vmem>>)
    %dma_start3A_154 = arith.constant 155 : i32
    %dma_start3A_155 = arith.constant 0 : i32
    %dma_start3A_156 = tpu.memref_slice %arg7[%dma_start3A_154, %dma_start3A_155] : memref<157x128xi32, #tpu.memory_space<vmem>> -> memref<1x128xi32, #tpu.memory_space<vmem>>
    %dma_start3A_157 = tpu.memref_squeeze %dma_start3A_156 : memref<1x128xi32, #tpu.memory_space<vmem>> -> memref<128xi32, #tpu.memory_space<vmem>>
    %dma_start3A_158 = arith.constant 0 : i32
    %dma_start3A_159 = arith.constant 0 : i32
    %dma_start3A_160 = tpu.memref_slice %arg13[%dma_start3A_158, %dma_start3A_159] : memref<10240x64xf32, #tpu.memory_space<vmem_shared>> -> memref<10240x64xf32, #tpu.memory_space<vmem_shared>>
    tpu.enqueue_indirect_dma source(%arg11 : memref<128x64xf32, #tpu.memory_space<vmem>>) target(%dma_start3A_160 : memref<10240x64xf32, #tpu.memory_space<vmem_shared>>) offsets(%dma_start3A_157 : memref<128xi32, #tpu.memory_space<vmem>>) semaphore(%arg21 : memref<!tpu.dma_semaphore, #tpu.memory_space<semaphore_mem>>) {add = true}
    %dma_wait3A_161 = arith.constant 0 : i32
    %dma_wait3A_162 = arith.constant 0 : i32
    %dma_wait3A_163 = tpu.memref_slice %arg6[%dma_wait3A_161, %dma_wait3A_162] : memref<157x128xi32, #tpu.memory_space<vmem>> -> memref<1x128xi32, #tpu.memory_space<vmem>>
    %dma_wait3A_164 = tpu.memref_squeeze %dma_wait3A_163 : memref<1x128xi32, #tpu.memory_space<vmem>> -> memref<128xi32, #tpu.memory_space<vmem>>
    %dma_wait3A_165 = arith.constant 0 : i32
    %dma_wait3A_166 = arith.constant 0 : i32
    %dma_wait3A_167 = tpu.memref_slice %arg2[%arg0, %dma_wait3A_165, %dma_wait3A_166] : memref<2x10000x64xf32, #tpu.memory_space<hbm>> -> memref<1x10000x64xf32, #tpu.memory_space<hbm>>
    %dma_wait3A_168 = tpu.memref_squeeze %dma_wait3A_167 : memref<1x10000x64xf32, #tpu.memory_space<hbm>> -> memref<10000x64xf32, #tpu.memory_space<hbm>>
    %dma_wait3A_169 = arith.constant 0 : i32
    %dma_wait3A_170 = arith.constant 0 : i32
    %dma_wait3A_171 = tpu.memref_slice %dma_wait3A_168[%dma_wait3A_169, %dma_wait3A_170] : memref<10000x64xf32, #tpu.memory_space<hbm>> -> memref<10000x64xf32, #tpu.memory_space<hbm>>
    tpu.wait_indirect_dma semaphore(%arg14 : memref<!tpu.dma_semaphore, #tpu.memory_space<semaphore_mem>>) src(%dma_wait3A_171 : memref<10000x64xf32, #tpu.memory_space<hbm>>) dst(%arg8 : memref<128x64xf32, #tpu.memory_space<vmem>>)
    %dma_start3A_172 = arith.constant 156 : i32
    %dma_start3A_173 = arith.constant 0 : i32
    %dma_start3A_174 = tpu.memref_slice %arg7[%dma_start3A_172, %dma_start3A_173] : memref<157x128xi32, #tpu.memory_space<vmem>> -> memref<1x128xi32, #tpu.memory_space<vmem>>
    %dma_start3A_175 = tpu.memref_squeeze %dma_start3A_174 : memref<1x128xi32, #tpu.memory_space<vmem>> -> memref<128xi32, #tpu.memory_space<vmem>>
    %dma_start3A_176 = arith.constant 0 : i32
    %dma_start3A_177 = arith.constant 0 : i32
    %dma_start3A_178 = tpu.memref_slice %arg13[%dma_start3A_176, %dma_start3A_177] : memref<10240x64xf32, #tpu.memory_space<vmem_shared>> -> memref<10240x64xf32, #tpu.memory_space<vmem_shared>>
    tpu.enqueue_indirect_dma source(%arg8 : memref<128x64xf32, #tpu.memory_space<vmem>>) target(%dma_start3A_178 : memref<10240x64xf32, #tpu.memory_space<vmem_shared>>) offsets(%dma_start3A_175 : memref<128xi32, #tpu.memory_space<vmem>>) semaphore(%arg18 : memref<!tpu.dma_semaphore, #tpu.memory_space<semaphore_mem>>) {add = true}
    %dma_wait3A_179 = arith.constant 0 : i32
    %dma_wait3A_180 = arith.constant 0 : i32
    %dma_wait3A_181 = tpu.memref_slice %arg7[%dma_wait3A_179, %dma_wait3A_180] : memref<157x128xi32, #tpu.memory_space<vmem>> -> memref<1x128xi32, #tpu.memory_space<vmem>>
    %dma_wait3A_182 = tpu.memref_squeeze %dma_wait3A_181 : memref<1x128xi32, #tpu.memory_space<vmem>> -> memref<128xi32, #tpu.memory_space<vmem>>
    %dma_wait3A_183 = arith.constant 0 : i32
    %dma_wait3A_184 = arith.constant 0 : i32
    %dma_wait3A_185 = tpu.memref_slice %arg13[%dma_wait3A_183, %dma_wait3A_184] : memref<10240x64xf32, #tpu.memory_space<vmem_shared>> -> memref<10240x64xf32, #tpu.memory_space<vmem_shared>>
    tpu.wait_indirect_dma semaphore(%arg18 : memref<!tpu.dma_semaphore, #tpu.memory_space<semaphore_mem>>) src(%arg8 : memref<128x64xf32, #tpu.memory_space<vmem>>) dst(%dma_wait3A_185 : memref<10240x64xf32, #tpu.memory_space<vmem_shared>>)
    %dma_wait3A_186 = arith.constant 0 : i32
    %dma_wait3A_187 = arith.constant 0 : i32
    %dma_wait3A_188 = tpu.memref_slice %arg7[%dma_wait3A_186, %dma_wait3A_187] : memref<157x128xi32, #tpu.memory_space<vmem>> -> memref<1x128xi32, #tpu.memory_space<vmem>>
    %dma_wait3A_189 = tpu.memref_squeeze %dma_wait3A_188 : memref<1x128xi32, #tpu.memory_space<vmem>> -> memref<128xi32, #tpu.memory_space<vmem>>
    %dma_wait3A_190 = arith.constant 0 : i32
    %dma_wait3A_191 = arith.constant 0 : i32
    %dma_wait3A_192 = tpu.memref_slice %arg13[%dma_wait3A_190, %dma_wait3A_191] : memref<10240x64xf32, #tpu.memory_space<vmem_shared>> -> memref<10240x64xf32, #tpu.memory_space<vmem_shared>>
    tpu.wait_indirect_dma semaphore(%arg19 : memref<!tpu.dma_semaphore, #tpu.memory_space<semaphore_mem>>) src(%arg9 : memref<128x64xf32, #tpu.memory_space<vmem>>) dst(%dma_wait3A_192 : memref<10240x64xf32, #tpu.memory_space<vmem_shared>>)
    %dma_wait3A_193 = arith.constant 0 : i32
    %dma_wait3A_194 = arith.constant 0 : i32
    %dma_wait3A_195 = tpu.memref_slice %arg7[%dma_wait3A_193, %dma_wait3A_194] : memref<157x128xi32, #tpu.memory_space<vmem>> -> memref<1x128xi32, #tpu.memory_space<vmem>>
    %dma_wait3A_196 = tpu.memref_squeeze %dma_wait3A_195 : memref<1x128xi32, #tpu.memory_space<vmem>> -> memref<128xi32, #tpu.memory_space<vmem>>
    %dma_wait3A_197 = arith.constant 0 : i32
    %dma_wait3A_198 = arith.constant 0 : i32
    %dma_wait3A_199 = tpu.memref_slice %arg13[%dma_wait3A_197, %dma_wait3A_198] : memref<10240x64xf32, #tpu.memory_space<vmem_shared>> -> memref<10240x64xf32, #tpu.memory_space<vmem_shared>>
    tpu.wait_indirect_dma semaphore(%arg20 : memref<!tpu.dma_semaphore, #tpu.memory_space<semaphore_mem>>) src(%arg10 : memref<128x64xf32, #tpu.memory_space<vmem>>) dst(%dma_wait3A_199 : memref<10240x64xf32, #tpu.memory_space<vmem_shared>>)
    %dma_wait3A_200 = arith.constant 0 : i32
    %dma_wait3A_201 = arith.constant 0 : i32
    %dma_wait3A_202 = tpu.memref_slice %arg7[%dma_wait3A_200, %dma_wait3A_201] : memref<157x128xi32, #tpu.memory_space<vmem>> -> memref<1x128xi32, #tpu.memory_space<vmem>>
    %dma_wait3A_203 = tpu.memref_squeeze %dma_wait3A_202 : memref<1x128xi32, #tpu.memory_space<vmem>> -> memref<128xi32, #tpu.memory_space<vmem>>
    %dma_wait3A_204 = arith.constant 0 : i32
    %dma_wait3A_205 = arith.constant 0 : i32
    %dma_wait3A_206 = tpu.memref_slice %arg13[%dma_wait3A_204, %dma_wait3A_205] : memref<10240x64xf32, #tpu.memory_space<vmem_shared>> -> memref<10240x64xf32, #tpu.memory_space<vmem_shared>>
    tpu.wait_indirect_dma semaphore(%arg21 : memref<!tpu.dma_semaphore, #tpu.memory_space<semaphore_mem>>) src(%arg11 : memref<128x64xf32, #tpu.memory_space<vmem>>) dst(%dma_wait3A_206 : memref<10240x64xf32, #tpu.memory_space<vmem_shared>>)
    %barrier3A_207 = arith.constant 0 : index
    tpu.barrier barrier_id(%barrier3A_207)
    %mul3A_208 = arith.constant 640 : i32
    %mul3A_209 = arith.muli %arg1, %mul3A_208 : i32
    %add3A_210 = arith.constant 0 : i32
    %add3A_211 = arith.addi %mul3A_209, %add3A_210 : i32
    %mul3A_212 = arith.constant 640 : i32
    %mul3A_213 = arith.muli %arg1, %mul3A_212 : i32
    %add3A_214 = arith.constant 0 : i32
    %add3A_215 = arith.addi %mul3A_213, %add3A_214 : i32
    "tpu.region"() ({
      %run_scoped3A = tpu.sem_alloc : memref<!tpu.dma_semaphore, #tpu.memory_space<semaphore_mem>>
      %dma_start3A_248 = arith.constant 0 : i32
      %dma_start3A_249 = tpu.memref_slice %arg5[%arg0, %add3A_215, %dma_start3A_248] : memref<2x10240x64xf32, #tpu.memory_space<hbm>> -> memref<1x128x64xf32, #tpu.memory_space<hbm>>
      %dma_start3A_250 = tpu.memref_squeeze %dma_start3A_249 : memref<1x128x64xf32, #tpu.memory_space<hbm>> -> memref<128x64xf32, #tpu.memory_space<hbm>>
      %dma_start3A_251 = arith.constant 0 : i32
      %dma_start3A_252 = tpu.memref_slice %arg13[%add3A_211, %dma_start3A_251] : memref<10240x64xf32, #tpu.memory_space<vmem_shared>> -> memref<128x64xf32, #tpu.memory_space<vmem_shared>>
      tpu.enqueue_dma source(%dma_start3A_252 : memref<128x64xf32, #tpu.memory_space<vmem_shared>>) target(%dma_start3A_250 : memref<128x64xf32, #tpu.memory_space<hbm>>) target_semaphore(%run_scoped3A : memref<!tpu.dma_semaphore, #tpu.memory_space<semaphore_mem>>)
      %dma_wait3A_253 = arith.constant 0 : i32
      %dma_wait3A_254 = tpu.memref_slice %arg5[%arg0, %add3A_215, %dma_wait3A_253] : memref<2x10240x64xf32, #tpu.memory_space<hbm>> -> memref<1x128x64xf32, #tpu.memory_space<hbm>>
      %dma_wait3A_255 = tpu.memref_squeeze %dma_wait3A_254 : memref<1x128x64xf32, #tpu.memory_space<hbm>> -> memref<128x64xf32, #tpu.memory_space<hbm>>
      %dma_wait3A_256 = arith.constant 0 : i32
      %dma_wait3A_257 = tpu.memref_slice %arg13[%add3A_211, %dma_wait3A_256] : memref<10240x64xf32, #tpu.memory_space<vmem_shared>> -> memref<128x64xf32, #tpu.memory_space<vmem_shared>>
      tpu.wait_dma2 semaphore(%run_scoped3A : memref<!tpu.dma_semaphore, #tpu.memory_space<semaphore_mem>>) src(%dma_wait3A_257 : memref<128x64xf32, #tpu.memory_space<vmem_shared>>) dst(%dma_wait3A_255 : memref<128x64xf32, #tpu.memory_space<hbm>>)
      tpu.yield
    }) : () -> ()
    %mul3A_216 = arith.constant 640 : i32
    %mul3A_217 = arith.muli %arg1, %mul3A_216 : i32
    %add3A_218 = arith.constant 128 : i32
    %add3A_219 = arith.addi %mul3A_217, %add3A_218 : i32
    %mul3A_220 = arith.constant 640 : i32
    %mul3A_221 = arith.muli %arg1, %mul3A_220 : i32
    %add3A_222 = arith.constant 128 : i32
    %add3A_223 = arith.addi %mul3A_221, %add3A_222 : i32
    "tpu.region"() ({
      %run_scoped3A = tpu.sem_alloc : memref<!tpu.dma_semaphore, #tpu.memory_space<semaphore_mem>>
      %dma_start3A_248 = arith.constant 0 : i32
      %dma_start3A_249 = tpu.memref_slice %arg5[%arg0, %add3A_223, %dma_start3A_248] : memref<2x10240x64xf32, #tpu.memory_space<hbm>> -> memref<1x128x64xf32, #tpu.memory_space<hbm>>
      %dma_start3A_250 = tpu.memref_squeeze %dma_start3A_249 : memref<1x128x64xf32, #tpu.memory_space<hbm>> -> memref<128x64xf32, #tpu.memory_space<hbm>>
      %dma_start3A_251 = arith.constant 0 : i32
      %dma_start3A_252 = tpu.memref_slice %arg13[%add3A_219, %dma_start3A_251] : memref<10240x64xf32, #tpu.memory_space<vmem_shared>> -> memref<128x64xf32, #tpu.memory_space<vmem_shared>>
      tpu.enqueue_dma source(%dma_start3A_252 : memref<128x64xf32, #tpu.memory_space<vmem_shared>>) target(%dma_start3A_250 : memref<128x64xf32, #tpu.memory_space<hbm>>) target_semaphore(%run_scoped3A : memref<!tpu.dma_semaphore, #tpu.memory_space<semaphore_mem>>)
      %dma_wait3A_253 = arith.constant 0 : i32
      %dma_wait3A_254 = tpu.memref_slice %arg5[%arg0, %add3A_223, %dma_wait3A_253] : memref<2x10240x64xf32, #tpu.memory_space<hbm>> -> memref<1x128x64xf32, #tpu.memory_space<hbm>>
      %dma_wait3A_255 = tpu.memref_squeeze %dma_wait3A_254 : memref<1x128x64xf32, #tpu.memory_space<hbm>> -> memref<128x64xf32, #tpu.memory_space<hbm>>
      %dma_wait3A_256 = arith.constant 0 : i32
      %dma_wait3A_257 = tpu.memref_slice %arg13[%add3A_219, %dma_wait3A_256] : memref<10240x64xf32, #tpu.memory_space<vmem_shared>> -> memref<128x64xf32, #tpu.memory_space<vmem_shared>>
      tpu.wait_dma2 semaphore(%run_scoped3A : memref<!tpu.dma_semaphore, #tpu.memory_space<semaphore_mem>>) src(%dma_wait3A_257 : memref<128x64xf32, #tpu.memory_space<vmem_shared>>) dst(%dma_wait3A_255 : memref<128x64xf32, #tpu.memory_space<hbm>>)
      tpu.yield
    }) : () -> ()
    %mul3A_224 = arith.constant 640 : i32
    %mul3A_225 = arith.muli %arg1, %mul3A_224 : i32
    %add3A_226 = arith.constant 256 : i32
    %add3A_227 = arith.addi %mul3A_225, %add3A_226 : i32
    %mul3A_228 = arith.constant 640 : i32
    %mul3A_229 = arith.muli %arg1, %mul3A_228 : i32
    %add3A_230 = arith.constant 256 : i32
    %add3A_231 = arith.addi %mul3A_229, %add3A_230 : i32
    "tpu.region"() ({
      %run_scoped3A = tpu.sem_alloc : memref<!tpu.dma_semaphore, #tpu.memory_space<semaphore_mem>>
      %dma_start3A_248 = arith.constant 0 : i32
      %dma_start3A_249 = tpu.memref_slice %arg5[%arg0, %add3A_231, %dma_start3A_248] : memref<2x10240x64xf32, #tpu.memory_space<hbm>> -> memref<1x128x64xf32, #tpu.memory_space<hbm>>
      %dma_start3A_250 = tpu.memref_squeeze %dma_start3A_249 : memref<1x128x64xf32, #tpu.memory_space<hbm>> -> memref<128x64xf32, #tpu.memory_space<hbm>>
      %dma_start3A_251 = arith.constant 0 : i32
      %dma_start3A_252 = tpu.memref_slice %arg13[%add3A_227, %dma_start3A_251] : memref<10240x64xf32, #tpu.memory_space<vmem_shared>> -> memref<128x64xf32, #tpu.memory_space<vmem_shared>>
      tpu.enqueue_dma source(%dma_start3A_252 : memref<128x64xf32, #tpu.memory_space<vmem_shared>>) target(%dma_start3A_250 : memref<128x64xf32, #tpu.memory_space<hbm>>) target_semaphore(%run_scoped3A : memref<!tpu.dma_semaphore, #tpu.memory_space<semaphore_mem>>)
      %dma_wait3A_253 = arith.constant 0 : i32
      %dma_wait3A_254 = tpu.memref_slice %arg5[%arg0, %add3A_231, %dma_wait3A_253] : memref<2x10240x64xf32, #tpu.memory_space<hbm>> -> memref<1x128x64xf32, #tpu.memory_space<hbm>>
      %dma_wait3A_255 = tpu.memref_squeeze %dma_wait3A_254 : memref<1x128x64xf32, #tpu.memory_space<hbm>> -> memref<128x64xf32, #tpu.memory_space<hbm>>
      %dma_wait3A_256 = arith.constant 0 : i32
      %dma_wait3A_257 = tpu.memref_slice %arg13[%add3A_227, %dma_wait3A_256] : memref<10240x64xf32, #tpu.memory_space<vmem_shared>> -> memref<128x64xf32, #tpu.memory_space<vmem_shared>>
      tpu.wait_dma2 semaphore(%run_scoped3A : memref<!tpu.dma_semaphore, #tpu.memory_space<semaphore_mem>>) src(%dma_wait3A_257 : memref<128x64xf32, #tpu.memory_space<vmem_shared>>) dst(%dma_wait3A_255 : memref<128x64xf32, #tpu.memory_space<hbm>>)
      tpu.yield
    }) : () -> ()
    %mul3A_232 = arith.constant 640 : i32
    %mul3A_233 = arith.muli %arg1, %mul3A_232 : i32
    %add3A_234 = arith.constant 384 : i32
    %add3A_235 = arith.addi %mul3A_233, %add3A_234 : i32
    %mul3A_236 = arith.constant 640 : i32
    %mul3A_237 = arith.muli %arg1, %mul3A_236 : i32
    %add3A_238 = arith.constant 384 : i32
    %add3A_239 = arith.addi %mul3A_237, %add3A_238 : i32
    "tpu.region"() ({
      %run_scoped3A = tpu.sem_alloc : memref<!tpu.dma_semaphore, #tpu.memory_space<semaphore_mem>>
      %dma_start3A_248 = arith.constant 0 : i32
      %dma_start3A_249 = tpu.memref_slice %arg5[%arg0, %add3A_239, %dma_start3A_248] : memref<2x10240x64xf32, #tpu.memory_space<hbm>> -> memref<1x128x64xf32, #tpu.memory_space<hbm>>
      %dma_start3A_250 = tpu.memref_squeeze %dma_start3A_249 : memref<1x128x64xf32, #tpu.memory_space<hbm>> -> memref<128x64xf32, #tpu.memory_space<hbm>>
      %dma_start3A_251 = arith.constant 0 : i32
      %dma_start3A_252 = tpu.memref_slice %arg13[%add3A_235, %dma_start3A_251] : memref<10240x64xf32, #tpu.memory_space<vmem_shared>> -> memref<128x64xf32, #tpu.memory_space<vmem_shared>>
      tpu.enqueue_dma source(%dma_start3A_252 : memref<128x64xf32, #tpu.memory_space<vmem_shared>>) target(%dma_start3A_250 : memref<128x64xf32, #tpu.memory_space<hbm>>) target_semaphore(%run_scoped3A : memref<!tpu.dma_semaphore, #tpu.memory_space<semaphore_mem>>)
      %dma_wait3A_253 = arith.constant 0 : i32
      %dma_wait3A_254 = tpu.memref_slice %arg5[%arg0, %add3A_239, %dma_wait3A_253] : memref<2x10240x64xf32, #tpu.memory_space<hbm>> -> memref<1x128x64xf32, #tpu.memory_space<hbm>>
      %dma_wait3A_255 = tpu.memref_squeeze %dma_wait3A_254 : memref<1x128x64xf32, #tpu.memory_space<hbm>> -> memref<128x64xf32, #tpu.memory_space<hbm>>
      %dma_wait3A_256 = arith.constant 0 : i32
      %dma_wait3A_257 = tpu.memref_slice %arg13[%add3A_235, %dma_wait3A_256] : memref<10240x64xf32, #tpu.memory_space<vmem_shared>> -> memref<128x64xf32, #tpu.memory_space<vmem_shared>>
      tpu.wait_dma2 semaphore(%run_scoped3A : memref<!tpu.dma_semaphore, #tpu.memory_space<semaphore_mem>>) src(%dma_wait3A_257 : memref<128x64xf32, #tpu.memory_space<vmem_shared>>) dst(%dma_wait3A_255 : memref<128x64xf32, #tpu.memory_space<hbm>>)
      tpu.yield
    }) : () -> ()
    %mul3A_240 = arith.constant 640 : i32
    %mul3A_241 = arith.muli %arg1, %mul3A_240 : i32
    %add3A_242 = arith.constant 512 : i32
    %add3A_243 = arith.addi %mul3A_241, %add3A_242 : i32
    %mul3A_244 = arith.constant 640 : i32
    %mul3A_245 = arith.muli %arg1, %mul3A_244 : i32
    %add3A_246 = arith.constant 512 : i32
    %add3A_247 = arith.addi %mul3A_245, %add3A_246 : i32
    "tpu.region"() ({
      %run_scoped3A = tpu.sem_alloc : memref<!tpu.dma_semaphore, #tpu.memory_space<semaphore_mem>>
      %dma_start3A_248 = arith.constant 0 : i32
      %dma_start3A_249 = tpu.memref_slice %arg5[%arg0, %add3A_247, %dma_start3A_248] : memref<2x10240x64xf32, #tpu.memory_space<hbm>> -> memref<1x128x64xf32, #tpu.memory_space<hbm>>
      %dma_start3A_250 = tpu.memref_squeeze %dma_start3A_249 : memref<1x128x64xf32, #tpu.memory_space<hbm>> -> memref<128x64xf32, #tpu.memory_space<hbm>>
      %dma_start3A_251 = arith.constant 0 : i32
      %dma_start3A_252 = tpu.memref_slice %arg13[%add3A_243, %dma_start3A_251] : memref<10240x64xf32, #tpu.memory_space<vmem_shared>> -> memref<128x64xf32, #tpu.memory_space<vmem_shared>>
      tpu.enqueue_dma source(%dma_start3A_252 : memref<128x64xf32, #tpu.memory_space<vmem_shared>>) target(%dma_start3A_250 : memref<128x64xf32, #tpu.memory_space<hbm>>) target_semaphore(%run_scoped3A : memref<!tpu.dma_semaphore, #tpu.memory_space<semaphore_mem>>)
      %dma_wait3A_253 = arith.constant 0 : i32
      %dma_wait3A_254 = tpu.memref_slice %arg5[%arg0, %add3A_247, %dma_wait3A_253] : memref<2x10240x64xf32, #tpu.memory_space<hbm>> -> memref<1x128x64xf32, #tpu.memory_space<hbm>>
      %dma_wait3A_255 = tpu.memref_squeeze %dma_wait3A_254 : memref<1x128x64xf32, #tpu.memory_space<hbm>> -> memref<128x64xf32, #tpu.memory_space<hbm>>
      %dma_wait3A_256 = arith.constant 0 : i32
      %dma_wait3A_257 = tpu.memref_slice %arg13[%add3A_243, %dma_wait3A_256] : memref<10240x64xf32, #tpu.memory_space<vmem_shared>> -> memref<128x64xf32, #tpu.memory_space<vmem_shared>>
      tpu.wait_dma2 semaphore(%run_scoped3A : memref<!tpu.dma_semaphore, #tpu.memory_space<semaphore_mem>>) src(%dma_wait3A_257 : memref<128x64xf32, #tpu.memory_space<vmem_shared>>) dst(%dma_wait3A_255 : memref<128x64xf32, #tpu.memory_space<hbm>>)
      tpu.yield
    }) : () -> ()
    return
  }
}

module attributes {stable_mosaic.version = 14 : i64} {
  func.func @_l1_body(%arg0: i32, %arg1: memref<2x1000x16xf32, #tpu.memory_space<vmem>>, %arg2: memref<1000x128xf32, #tpu.memory_space<vmem>>, %arg3: memref<128x128xf32, #tpu.memory_space<vmem>>, %arg4: memref<2x1000x64xf32, #tpu.memory_space<vmem>>) attributes {dimension_semantics = [#tpu.dimension_semantics<arbitrary>], iteration_bounds = array<i64: 10>, scalar_prefetch = 0 : i64, scratch_operands = 0 : i64, tpu.core_type = #tpu.core_type<tc>, window_params = [{transform_indices = @transform_0, window_bounds = array<i64: 2, 1000, 16>}, {transform_indices = @transform_1, window_bounds = array<i64: 1000, 128>}, {pipeline_mode = #tpu.pipeline_mode<synchronous>, transform_indices = @transform_2, window_bounds = array<i64: 128, 128>}, {transform_indices = @transform_3, window_bounds = array<i64: 2, 1000, 64>}]} {
    %get3A = arith.constant 0 : index
    %get3A_0 = arith.constant 0 : index
    %get3A_1 = arith.constant 0 : index
    %get3A_2 = vector.load %arg1[%get3A, %get3A_0, %get3A_1] : memref<2x1000x16xf32, #tpu.memory_space<vmem>>, vector<1x1000x1xf32>
    %get3A_3 = vector.shape_cast %get3A_2 : vector<1x1000x1xf32> to vector<1000x1xf32>
    %get3A_4 = arith.constant 1 : index
    %get3A_5 = arith.constant 0 : index
    %get3A_6 = arith.constant 0 : index
    %get3A_7 = vector.load %arg1[%get3A_4, %get3A_5, %get3A_6] : memref<2x1000x16xf32, #tpu.memory_space<vmem>>, vector<1x1000x1xf32>
    %get3A_8 = vector.shape_cast %get3A_7 : vector<1x1000x1xf32> to vector<1000x1xf32>
    %add3A = arith.addf %get3A_3, %get3A_8 : vector<1000x1xf32>
    %add3A_9 = arith.constant 1.000000e+00 : f32
    %add3A_10 = vector.broadcast %add3A_9 : f32 to vector<1000x1xf32>
    %add3A_11 = arith.addf %add3A, %add3A_10 : vector<1000x1xf32>
    %rsqrt3A = math.rsqrt %add3A_11 : vector<1000x1xf32>
    %get3A_12 = arith.constant 0 : index
    %get3A_13 = arith.constant 0 : index
    %get3A_14 = vector.load %arg2[%get3A_12, %get3A_13] : memref<1000x128xf32, #tpu.memory_space<vmem>>, vector<1000x128xf32>
    %get3A_15 = arith.constant 0 : index
    %get3A_16 = arith.constant 0 : index
    %get3A_17 = vector.load %arg3[%get3A_15, %get3A_16] : memref<128x128xf32, #tpu.memory_space<vmem>>, vector<128x128xf32>
    %dot_general3A = arith.constant dense<0.000000e+00> : vector<1000x128xf32>
    %dot_general3A_18 = tpu.matmul %get3A_14, %get3A_17, %dot_general3A {dimension_numbers = #tpu.dot_dimension_numbers<[1], [0], [0], [1], [0, 0, 1, 1], [], []>, transpose_lhs_hint = false} : vector<1000x128xf32>, vector<128x128xf32>, vector<1000x128xf32> -> vector<1000x128xf32>
    %mul3A = vector.broadcast %rsqrt3A : vector<1000x1xf32> to vector<1000x128xf32>
    %mul3A_19 = arith.mulf %dot_general3A_18, %mul3A : vector<1000x128xf32>
    %slice3A = vector.extract_strided_slice %mul3A_19 {offsets = [0, 0], sizes = [1000, 64], strides = [1, 1]} : vector<1000x128xf32> to vector<1000x64xf32>
    %swap3A = arith.constant 0 : index
    %swap3A_20 = arith.constant 0 : index
    %swap3A_21 = arith.constant 0 : index
    %swap3A_22 = vector.load %arg4[%swap3A, %swap3A_20, %swap3A_21] : memref<2x1000x64xf32, #tpu.memory_space<vmem>>, vector<1x1000x64xf32>
    %swap3A_23 = vector.shape_cast %swap3A_22 : vector<1x1000x64xf32> to vector<1000x64xf32>
    %swap3A_24 = vector.shape_cast %slice3A : vector<1000x64xf32> to vector<1x1000x64xf32>
    tpu.vector_store %arg4[%swap3A, %swap3A_20, %swap3A_21], %swap3A_24 {strides = array<i32>} : memref<2x1000x64xf32, #tpu.memory_space<vmem>>, vector<1x1000x64xf32>,
    %slice3A_25 = vector.extract_strided_slice %mul3A_19 {offsets = [0, 64], sizes = [1000, 64], strides = [1, 1]} : vector<1000x128xf32> to vector<1000x64xf32>
    %swap3A_26 = arith.constant 1 : index
    %swap3A_27 = arith.constant 0 : index
    %swap3A_28 = arith.constant 0 : index
    %swap3A_29 = vector.load %arg4[%swap3A_26, %swap3A_27, %swap3A_28] : memref<2x1000x64xf32, #tpu.memory_space<vmem>>, vector<1x1000x64xf32>
    %swap3A_30 = vector.shape_cast %swap3A_29 : vector<1x1000x64xf32> to vector<1000x64xf32>
    %swap3A_31 = vector.shape_cast %slice3A_25 : vector<1000x64xf32> to vector<1x1000x64xf32>
    tpu.vector_store %arg4[%swap3A_26, %swap3A_27, %swap3A_28], %swap3A_31 {strides = array<i32>} : memref<2x1000x64xf32, #tpu.memory_space<vmem>>, vector<1x1000x64xf32>,
    return
  }
  func.func @transform_0(%arg0: i32) -> (i32, i32, i32) {
    %c0_i32 = arith.constant 0 : i32
    %c0_i32_0 = arith.constant 0 : i32
    %c0_i32_1 = arith.constant 0 : i32
    return %c0_i32, %arg0, %c0_i32_0 : i32, i32, i32
  }
  func.func @transform_1(%arg0: i32) -> (i32, i32) {
    %c0_i32 = arith.constant 0 : i32
    %c0_i32_0 = arith.constant 0 : i32
    return %arg0, %c0_i32 : i32, i32
  }
  func.func @transform_2(%arg0: i32) -> (i32, i32) {
    %c0_i32 = arith.constant 0 : i32
    %c0_i32_0 = arith.constant 0 : i32
    %c0_i32_1 = arith.constant 0 : i32
    return %c0_i32, %c0_i32_0 : i32, i32
  }
  func.func @transform_3(%arg0: i32) -> (i32, i32, i32) {
    %c0_i32 = arith.constant 0 : i32
    %c0_i32_0 = arith.constant 0 : i32
    %c0_i32_1 = arith.constant 0 : i32
    return %c0_i32, %arg0, %c0_i32_0 : i32, i32, i32
  }
}

module attributes {stable_mosaic.version = 14 : i64} {
  func.func @_l2_body(%arg0: i32, %arg1: memref<2x1000x16xf32, #tpu.memory_space<vmem>>, %arg2: memref<2x1000x64xf32, #tpu.memory_space<vmem>>, %arg3: memref<2x1000x64xf32, #tpu.memory_space<vmem>>, %arg4: memref<1x128xf32, #tpu.memory_space<vmem>>, %arg5: memref<128x128xf32, #tpu.memory_space<vmem>>, %arg6: memref<2x1000x64xf32, #tpu.memory_space<vmem>>) attributes {dimension_semantics = [#tpu.dimension_semantics<arbitrary>], iteration_bounds = array<i64: 10>, scalar_prefetch = 0 : i64, scratch_operands = 0 : i64, tpu.core_type = #tpu.core_type<tc>, window_params = [{transform_indices = @transform_0, window_bounds = array<i64: 2, 1000, 16>}, {transform_indices = @transform_1, window_bounds = array<i64: 2, 1000, 64>}, {transform_indices = @transform_2, window_bounds = array<i64: 2, 1000, 64>}, {pipeline_mode = #tpu.pipeline_mode<synchronous>, transform_indices = @transform_3, window_bounds = array<i64: 1, 128>}, {pipeline_mode = #tpu.pipeline_mode<synchronous>, transform_indices = @transform_4, window_bounds = array<i64: 128, 128>}, {transform_indices = @transform_5, window_bounds = array<i64: 2, 1000, 64>}]} {
    %get3A = arith.constant 0 : index
    %get3A_0 = arith.constant 0 : index
    %get3A_1 = arith.constant 0 : index
    %get3A_2 = vector.load %arg1[%get3A, %get3A_0, %get3A_1] : memref<2x1000x16xf32, #tpu.memory_space<vmem>>, vector<1x1000x1xf32>
    %get3A_3 = vector.shape_cast %get3A_2 : vector<1x1000x1xf32> to vector<1000x1xf32>
    %get3A_4 = arith.constant 1 : index
    %get3A_5 = arith.constant 0 : index
    %get3A_6 = arith.constant 0 : index
    %get3A_7 = vector.load %arg1[%get3A_4, %get3A_5, %get3A_6] : memref<2x1000x16xf32, #tpu.memory_space<vmem>>, vector<1x1000x1xf32>
    %get3A_8 = vector.shape_cast %get3A_7 : vector<1x1000x1xf32> to vector<1000x1xf32>
    %add3A = arith.addf %get3A_3, %get3A_8 : vector<1000x1xf32>
    %add3A_9 = arith.constant 1.000000e+00 : f32
    %add3A_10 = vector.broadcast %add3A_9 : f32 to vector<1000x1xf32>
    %add3A_11 = arith.addf %add3A, %add3A_10 : vector<1000x1xf32>
    %rsqrt3A = math.rsqrt %add3A_11 : vector<1000x1xf32>
    %get3A_12 = arith.constant 0 : index
    %get3A_13 = arith.constant 0 : index
    %get3A_14 = arith.constant 0 : index
    %get3A_15 = vector.load %arg2[%get3A_12, %get3A_13, %get3A_14] : memref<2x1000x64xf32, #tpu.memory_space<vmem>>, vector<1x1000x64xf32>
    %get3A_16 = vector.shape_cast %get3A_15 : vector<1x1000x64xf32> to vector<1000x64xf32>
    %get3A_17 = arith.constant 0 : index
    %get3A_18 = arith.constant 0 : index
    %get3A_19 = arith.constant 0 : index
    %get3A_20 = vector.load %arg3[%get3A_17, %get3A_18, %get3A_19] : memref<2x1000x64xf32, #tpu.memory_space<vmem>>, vector<1x1000x64xf32>
    %get3A_21 = vector.shape_cast %get3A_20 : vector<1x1000x64xf32> to vector<1000x64xf32>
    %add3A_22 = arith.addf %get3A_16, %get3A_21 : vector<1000x64xf32>
    %get3A_23 = arith.constant 1 : index
    %get3A_24 = arith.constant 0 : index
    %get3A_25 = arith.constant 0 : index
    %get3A_26 = vector.load %arg2[%get3A_23, %get3A_24, %get3A_25] : memref<2x1000x64xf32, #tpu.memory_space<vmem>>, vector<1x1000x64xf32>
    %get3A_27 = vector.shape_cast %get3A_26 : vector<1x1000x64xf32> to vector<1000x64xf32>
    %get3A_28 = arith.constant 1 : index
    %get3A_29 = arith.constant 0 : index
    %get3A_30 = arith.constant 0 : index
    %get3A_31 = vector.load %arg3[%get3A_28, %get3A_29, %get3A_30] : memref<2x1000x64xf32, #tpu.memory_space<vmem>>, vector<1x1000x64xf32>
    %get3A_32 = vector.shape_cast %get3A_31 : vector<1x1000x64xf32> to vector<1000x64xf32>
    %add3A_33 = arith.addf %get3A_27, %get3A_32 : vector<1000x64xf32>
    %concatenate3A = tpu.concatenate %add3A_22, %add3A_33 in 1 : vector<1000x64xf32>, vector<1000x64xf32> -> vector<1000x128xf32>
    %mul3A = vector.broadcast %rsqrt3A : vector<1000x1xf32> to vector<1000x128xf32>
    %mul3A_34 = arith.mulf %concatenate3A, %mul3A : vector<1000x128xf32>
    %get3A_35 = arith.constant 0 : index
    %get3A_36 = arith.constant 0 : index
    %get3A_37 = vector.load %arg4[%get3A_35, %get3A_36] : memref<1x128xf32, #tpu.memory_space<vmem>>, vector<1x128xf32>
    %add3A_38 = vector.broadcast %get3A_37 : vector<1x128xf32> to vector<1000x128xf32>
    %add3A_39 = arith.addf %mul3A_34, %add3A_38 : vector<1000x128xf32>
    %max3A = arith.constant 0.000000e+00 : f32
    %max3A_40 = vector.broadcast %max3A : f32 to vector<1000x128xf32>
    %max3A_41 = arith.maximumf %add3A_39, %max3A_40 : vector<1000x128xf32>
    %get3A_42 = arith.constant 0 : index
    %get3A_43 = arith.constant 0 : index
    %get3A_44 = vector.load %arg5[%get3A_42, %get3A_43] : memref<128x128xf32, #tpu.memory_space<vmem>>, vector<128x128xf32>
    %dot_general3A = arith.constant dense<0.000000e+00> : vector<1000x128xf32>
    %dot_general3A_45 = tpu.matmul %max3A_41, %get3A_44, %dot_general3A {dimension_numbers = #tpu.dot_dimension_numbers<[1], [0], [0], [1], [0, 0, 1, 1], [], []>, transpose_lhs_hint = false} : vector<1000x128xf32>, vector<128x128xf32>, vector<1000x128xf32> -> vector<1000x128xf32>
    %mul3A_46 = vector.broadcast %rsqrt3A : vector<1000x1xf32> to vector<1000x128xf32>
    %mul3A_47 = arith.mulf %dot_general3A_45, %mul3A_46 : vector<1000x128xf32>
    %slice3A = vector.extract_strided_slice %mul3A_47 {offsets = [0, 0], sizes = [1000, 64], strides = [1, 1]} : vector<1000x128xf32> to vector<1000x64xf32>
    %swap3A = arith.constant 0 : index
    %swap3A_48 = arith.constant 0 : index
    %swap3A_49 = arith.constant 0 : index
    %swap3A_50 = vector.load %arg6[%swap3A, %swap3A_48, %swap3A_49] : memref<2x1000x64xf32, #tpu.memory_space<vmem>>, vector<1x1000x64xf32>
    %swap3A_51 = vector.shape_cast %swap3A_50 : vector<1x1000x64xf32> to vector<1000x64xf32>
    %swap3A_52 = vector.shape_cast %slice3A : vector<1000x64xf32> to vector<1x1000x64xf32>
    tpu.vector_store %arg6[%swap3A, %swap3A_48, %swap3A_49], %swap3A_52 {strides = array<i32>} : memref<2x1000x64xf32, #tpu.memory_space<vmem>>, vector<1x1000x64xf32>,
    %slice3A_53 = vector.extract_strided_slice %mul3A_47 {offsets = [0, 64], sizes = [1000, 64], strides = [1, 1]} : vector<1000x128xf32> to vector<1000x64xf32>
    %swap3A_54 = arith.constant 1 : index
    %swap3A_55 = arith.constant 0 : index
    %swap3A_56 = arith.constant 0 : index
    %swap3A_57 = vector.load %arg6[%swap3A_54, %swap3A_55, %swap3A_56] : memref<2x1000x64xf32, #tpu.memory_space<vmem>>, vector<1x1000x64xf32>
    %swap3A_58 = vector.shape_cast %swap3A_57 : vector<1x1000x64xf32> to vector<1000x64xf32>
    %swap3A_59 = vector.shape_cast %slice3A_53 : vector<1000x64xf32> to vector<1x1000x64xf32>
    tpu.vector_store %arg6[%swap3A_54, %swap3A_55, %swap3A_56], %swap3A_59 {strides = array<i32>} : memref<2x1000x64xf32, #tpu.memory_space<vmem>>, vector<1x1000x64xf32>,
    return
  }
  func.func @transform_0(%arg0: i32) -> (i32, i32, i32) {
    %c0_i32 = arith.constant 0 : i32
    %c0_i32_0 = arith.constant 0 : i32
    %c0_i32_1 = arith.constant 0 : i32
    return %c0_i32, %arg0, %c0_i32_0 : i32, i32, i32
  }
  func.func @transform_1(%arg0: i32) -> (i32, i32, i32) {
    %c0_i32 = arith.constant 0 : i32
    %c0_i32_0 = arith.constant 0 : i32
    %c0_i32_1 = arith.constant 0 : i32
    return %c0_i32, %arg0, %c0_i32_0 : i32, i32, i32
  }
  func.func @transform_2(%arg0: i32) -> (i32, i32, i32) {
    %c0_i32 = arith.constant 0 : i32
    %c0_i32_0 = arith.constant 0 : i32
    %c0_i32_1 = arith.constant 0 : i32
    return %c0_i32, %arg0, %c0_i32_0 : i32, i32, i32
  }
  func.func @transform_3(%arg0: i32) -> (i32, i32) {
    %c0_i32 = arith.constant 0 : i32
    %c0_i32_0 = arith.constant 0 : i32
    %c0_i32_1 = arith.constant 0 : i32
    return %c0_i32, %c0_i32_0 : i32, i32
  }
  func.func @transform_4(%arg0: i32) -> (i32, i32) {
    %c0_i32 = arith.constant 0 : i32
    %c0_i32_0 = arith.constant 0 : i32
    %c0_i32_1 = arith.constant 0 : i32
    return %c0_i32, %c0_i32_0 : i32, i32
  }
  func.func @transform_5(%arg0: i32) -> (i32, i32, i32) {
    %c0_i32 = arith.constant 0 : i32
    %c0_i32_0 = arith.constant 0 : i32
    %c0_i32_1 = arith.constant 0 : i32
    return %c0_i32, %arg0, %c0_i32_0 : i32, i32, i32
  }
}

module attributes {stable_mosaic.version = 14 : i64} {
  func.func @_out_body(%arg0: i32, %arg1: memref<2x1000x16xf32, #tpu.memory_space<vmem>>, %arg2: memref<2x1000x64xf32, #tpu.memory_space<vmem>>, %arg3: memref<2x1000x64xf32, #tpu.memory_space<vmem>>, %arg4: memref<1x128xf32, #tpu.memory_space<vmem>>, %arg5: memref<128x128xf32, #tpu.memory_space<vmem>>, %arg6: memref<1x128xf32, #tpu.memory_space<vmem>>, %arg7: memref<1000x11xf32, #tpu.memory_space<vmem>>) attributes {dimension_semantics = [#tpu.dimension_semantics<arbitrary>], iteration_bounds = array<i64: 10>, scalar_prefetch = 0 : i64, scratch_operands = 0 : i64, tpu.core_type = #tpu.core_type<tc>, window_params = [{transform_indices = @transform_0, window_bounds = array<i64: 2, 1000, 16>}, {transform_indices = @transform_1, window_bounds = array<i64: 2, 1000, 64>}, {transform_indices = @transform_2, window_bounds = array<i64: 2, 1000, 64>}, {pipeline_mode = #tpu.pipeline_mode<synchronous>, transform_indices = @transform_3, window_bounds = array<i64: 1, 128>}, {pipeline_mode = #tpu.pipeline_mode<synchronous>, transform_indices = @transform_4, window_bounds = array<i64: 128, 128>}, {pipeline_mode = #tpu.pipeline_mode<synchronous>, transform_indices = @transform_5, window_bounds = array<i64: 1, 128>}, {transform_indices = @transform_6, window_bounds = array<i64: 1000, 11>}]} {
    %get3A = arith.constant 0 : index
    %get3A_0 = arith.constant 0 : index
    %get3A_1 = arith.constant 0 : index
    %get3A_2 = vector.load %arg1[%get3A, %get3A_0, %get3A_1] : memref<2x1000x16xf32, #tpu.memory_space<vmem>>, vector<1x1000x1xf32>
    %get3A_3 = vector.shape_cast %get3A_2 : vector<1x1000x1xf32> to vector<1000x1xf32>
    %get3A_4 = arith.constant 1 : index
    %get3A_5 = arith.constant 0 : index
    %get3A_6 = arith.constant 0 : index
    %get3A_7 = vector.load %arg1[%get3A_4, %get3A_5, %get3A_6] : memref<2x1000x16xf32, #tpu.memory_space<vmem>>, vector<1x1000x1xf32>
    %get3A_8 = vector.shape_cast %get3A_7 : vector<1x1000x1xf32> to vector<1000x1xf32>
    %add3A = arith.addf %get3A_3, %get3A_8 : vector<1000x1xf32>
    %add3A_9 = arith.constant 1.000000e+00 : f32
    %add3A_10 = vector.broadcast %add3A_9 : f32 to vector<1000x1xf32>
    %add3A_11 = arith.addf %add3A, %add3A_10 : vector<1000x1xf32>
    %rsqrt3A = math.rsqrt %add3A_11 : vector<1000x1xf32>
    %get3A_12 = arith.constant 0 : index
    %get3A_13 = arith.constant 0 : index
    %get3A_14 = arith.constant 0 : index
    %get3A_15 = vector.load %arg2[%get3A_12, %get3A_13, %get3A_14] : memref<2x1000x64xf32, #tpu.memory_space<vmem>>, vector<1x1000x64xf32>
    %get3A_16 = vector.shape_cast %get3A_15 : vector<1x1000x64xf32> to vector<1000x64xf32>
    %get3A_17 = arith.constant 0 : index
    %get3A_18 = arith.constant 0 : index
    %get3A_19 = arith.constant 0 : index
    %get3A_20 = vector.load %arg3[%get3A_17, %get3A_18, %get3A_19] : memref<2x1000x64xf32, #tpu.memory_space<vmem>>, vector<1x1000x64xf32>
    %get3A_21 = vector.shape_cast %get3A_20 : vector<1x1000x64xf32> to vector<1000x64xf32>
    %add3A_22 = arith.addf %get3A_16, %get3A_21 : vector<1000x64xf32>
    %get3A_23 = arith.constant 1 : index
    %get3A_24 = arith.constant 0 : index
    %get3A_25 = arith.constant 0 : index
    %get3A_26 = vector.load %arg2[%get3A_23, %get3A_24, %get3A_25] : memref<2x1000x64xf32, #tpu.memory_space<vmem>>, vector<1x1000x64xf32>
    %get3A_27 = vector.shape_cast %get3A_26 : vector<1x1000x64xf32> to vector<1000x64xf32>
    %get3A_28 = arith.constant 1 : index
    %get3A_29 = arith.constant 0 : index
    %get3A_30 = arith.constant 0 : index
    %get3A_31 = vector.load %arg3[%get3A_28, %get3A_29, %get3A_30] : memref<2x1000x64xf32, #tpu.memory_space<vmem>>, vector<1x1000x64xf32>
    %get3A_32 = vector.shape_cast %get3A_31 : vector<1x1000x64xf32> to vector<1000x64xf32>
    %add3A_33 = arith.addf %get3A_27, %get3A_32 : vector<1000x64xf32>
    %concatenate3A = tpu.concatenate %add3A_22, %add3A_33 in 1 : vector<1000x64xf32>, vector<1000x64xf32> -> vector<1000x128xf32>
    %mul3A = vector.broadcast %rsqrt3A : vector<1000x1xf32> to vector<1000x128xf32>
    %mul3A_34 = arith.mulf %concatenate3A, %mul3A : vector<1000x128xf32>
    %get3A_35 = arith.constant 0 : index
    %get3A_36 = arith.constant 0 : index
    %get3A_37 = vector.load %arg4[%get3A_35, %get3A_36] : memref<1x128xf32, #tpu.memory_space<vmem>>, vector<1x128xf32>
    %add3A_38 = vector.broadcast %get3A_37 : vector<1x128xf32> to vector<1000x128xf32>
    %add3A_39 = arith.addf %mul3A_34, %add3A_38 : vector<1000x128xf32>
    %max3A = arith.constant 0.000000e+00 : f32
    %max3A_40 = vector.broadcast %max3A : f32 to vector<1000x128xf32>
    %max3A_41 = arith.maximumf %add3A_39, %max3A_40 : vector<1000x128xf32>
    %get3A_42 = arith.constant 0 : index
    %get3A_43 = arith.constant 0 : index
    %get3A_44 = vector.load %arg5[%get3A_42, %get3A_43] : memref<128x128xf32, #tpu.memory_space<vmem>>, vector<128x128xf32>
    %dot_general3A = arith.constant dense<0.000000e+00> : vector<1000x128xf32>
    %dot_general3A_45 = tpu.matmul %max3A_41, %get3A_44, %dot_general3A {dimension_numbers = #tpu.dot_dimension_numbers<[1], [0], [0], [1], [0, 0, 1, 1], [], []>, transpose_lhs_hint = false} : vector<1000x128xf32>, vector<128x128xf32>, vector<1000x128xf32> -> vector<1000x128xf32>
    %get3A_46 = arith.constant 0 : index
    %get3A_47 = arith.constant 0 : index
    %get3A_48 = vector.load %arg6[%get3A_46, %get3A_47] : memref<1x128xf32, #tpu.memory_space<vmem>>, vector<1x128xf32>
    %add3A_49 = vector.broadcast %get3A_48 : vector<1x128xf32> to vector<1000x128xf32>
    %add3A_50 = arith.addf %dot_general3A_45, %add3A_49 : vector<1000x128xf32>
    %slice3A = vector.extract_strided_slice %add3A_50 {offsets = [0, 0], sizes = [1000, 11], strides = [1, 1]} : vector<1000x128xf32> to vector<1000x11xf32>
    %swap3A = arith.constant 0 : index
    %swap3A_51 = arith.constant 0 : index
    %swap3A_52 = vector.load %arg7[%swap3A, %swap3A_51] : memref<1000x11xf32, #tpu.memory_space<vmem>>, vector<1000x11xf32>
    tpu.vector_store %arg7[%swap3A, %swap3A_51], %slice3A {strides = array<i32>} : memref<1000x11xf32, #tpu.memory_space<vmem>>, vector<1000x11xf32>,
    return
  }
  func.func @transform_0(%arg0: i32) -> (i32, i32, i32) {
    %c0_i32 = arith.constant 0 : i32
    %c0_i32_0 = arith.constant 0 : i32
    %c0_i32_1 = arith.constant 0 : i32
    return %c0_i32, %arg0, %c0_i32_0 : i32, i32, i32
  }
  func.func @transform_1(%arg0: i32) -> (i32, i32, i32) {
    %c0_i32 = arith.constant 0 : i32
    %c0_i32_0 = arith.constant 0 : i32
    %c0_i32_1 = arith.constant 0 : i32
    return %c0_i32, %arg0, %c0_i32_0 : i32, i32, i32
  }
  func.func @transform_2(%arg0: i32) -> (i32, i32, i32) {
    %c0_i32 = arith.constant 0 : i32
    %c0_i32_0 = arith.constant 0 : i32
    %c0_i32_1 = arith.constant 0 : i32
    return %c0_i32, %arg0, %c0_i32_0 : i32, i32, i32
  }
  func.func @transform_3(%arg0: i32) -> (i32, i32) {
    %c0_i32 = arith.constant 0 : i32
    %c0_i32_0 = arith.constant 0 : i32
    %c0_i32_1 = arith.constant 0 : i32
    return %c0_i32, %c0_i32_0 : i32, i32
  }
  func.func @transform_4(%arg0: i32) -> (i32, i32) {
    %c0_i32 = arith.constant 0 : i32
    %c0_i32_0 = arith.constant 0 : i32
    %c0_i32_1 = arith.constant 0 : i32
    return %c0_i32, %c0_i32_0 : i32, i32
  }
  func.func @transform_5(%arg0: i32) -> (i32, i32) {
    %c0_i32 = arith.constant 0 : i32
    %c0_i32_0 = arith.constant 0 : i32
    %c0_i32_1 = arith.constant 0 : i32
    return %c0_i32, %c0_i32_0 : i32, i32
  }
  func.func @transform_6(%arg0: i32) -> (i32, i32) {
    %c0_i32 = arith.constant 0 : i32
    %c0_i32_0 = arith.constant 0 : i32
    return %arg0, %c0_i32 : i32, i32
  }
}

</mosaic_0001>

<sc_bundles>
// kernel: kernel.11.cloned.1.call-start
scs
__scs_entry_jumppad:
0x0: {  	(pc) =	sbr.rel $0x88, $3  }
0x1: {  	(tag) =	ssettag $0x0;
	lr =	simm.s32 $0x1  }
0x2: {  	[smem:$0x3F99] =	sst lr;
	_ =	strace $0xD0000000  }
0x3: {  	_ = 	snop  }
0x4: {  	_ = 	snop  }
0x5: {  	_ = 	snop  }
0x6: {  	_ = 	snop  }
0x7: {  	_ = 	snop  }
__scs_overlays_trampoline_lowered:
0x8: {  	[smem:$0x3FA8] =	sst s0  }
0x9: {  	[smem:$0x3FA9] =	sst s1  }
0xa: {  	[smem:$0x3FAA] =	sst s2  }
0xb: {  	[smem:$0x3FAB] =	sst s3  }
0xc: {  	[smem:$0x3FAC] =	sst s4  }
0xd: {  	[smem:$0x3FAD] =	sst s5  }
0xe: {  	[smem:$0x3FAE] =	sst s6  }
0xf: {  	[smem:$0x3FAF] =	sst s7  }
0x10: {  	[smem:$0x3FB0] =	sst s8  }
0x11: {  	[smem:$0x3FB1] =	sst s9;
	s0 =	simm.s32 @!p0 $0x0  }
0x12: {  	s1 =	sld [smem:$0x3F97];
	s0 =	simm.s32 @p0 $0x1  }
0x13: {  	[smem:$0x3FB2] =	sst s0;
	s0 =	simm.s32 @!p1 $0x0  }
0x14: {  	s2 =	sld [smem:$0x3F96];
	s0 =	simm.s32 @p1 $0x1  }
0x15: {  	[smem:$0x3FB3] =	sst s0;
	s0 =	simm.s32 @!p2 $0x0  }
0x16: {  	s3 =	sld [smem:$0x3FDB];
	s0 =	simm.s32 @p2 $0x1  }
0x17: {  	s4 =	simm.s32 $0x1BF5;
	[smem:$0x3FB5] =	sst s0  }
0x18: {  	s0 =	sld [smem:$0x3F98];
	_ =	swait.ge [sflag:s4], $0x0  }
0x19: {  	s7 =	sld [smem:$0x3F99]  }
0x1a: {  	s8 =	sadd.s32 $0xFFFFE003, lr  }
0x1b: {  	s9 =	sadd.s32 $0xFFFFFEF7, lr;
	s5 =	simm.s32 $0xFFFFFFFF;
	p2 =	slt.u32 s8, $0xFFFFF086  }
0x1c: {  	p1 =	slt.u32 s9, $0xF7A;
	s5 =	simm.s32 @!p2 $0x0  }
0x1d: {  	s5 =	simm.s32 @p1 $0x1;
	p0 =	seq.s32 s7, s2  }
0x1e: {  	s7 =	smul.u32 @!p0 $0xF7A, s2;
	p2 =	seq.s32 @!p0 s5, $0x0  }
0x1f: {  	s9 =	smul.u32 $0xF7A, s1;
	s8 =	simm.s32 @!p0 $0x1BF5;
	p2 =	por !p2, p0  }
0x20: {  	[sflag:s8] =	ssyncset.s32 @!p0 $0xFFFFF086;
	s6 =	sadd.s32 @!p0 s3, s7;
	s7 =	simm.s32 @!p0 $0x108  }
0x21: {  	s3 =	sadd.s32 s3, s9;
	s6 =	sadd.s32 @!p0 $0x88, s6;
	s7 =	simm.s32 @p2 $0x1082  }
0x22: {  	[simem:s7], [sflag:s8] =	dma.local @!p0 [hbm:s6], $0xF7A  }
0x23: {  	s9 =	sor.u32 $0xD0000000, s2;
	s6 =	simm.s32 $0x108;
	_ =	swait.ge @!p0 [sflag:s8], $0x0  }
0x24: {  	s3 =	sadd.s32 $0x88, s3;
	s6 =	simm.s32 @!p1 $0x1082;
	[sflag:s4] =	ssyncset.s32 $0xFFFFF086  }
0x25: {  	[simem:s6], [sflag:s4] =	dma.local [hbm:s3], $0xF7A  }
0x26: {  	[smem:$0x3F99] =	sst s1;
	(tag) =	ssettag s2;
	_ =	strace s9  }
0x27: {  	s1 =	sld [smem:$0x3FA9]  }
0x28: {  	s2 =	sld [smem:$0x3FAA]  }
0x29: {  	s4 =	sld [smem:$0x3FAC]  }
0x2a: {  	p0 =	seq.s32 s5, $0x0;
	s5 =	sld [smem:$0x3FAD]  }
0x2b: {  	s6 =	sld [smem:$0x3FAE]  }
0x2c: {  	s7 =	sld [smem:$0x3FAF]  }
0x2d: {  	s3 =	simm.s32 $0x108;
	s8 =	sld [smem:$0x3FB0]  }
0x2e: {  	s3 =	simm.s32 @!p0 $0x1082;
	s9 =	sld [smem:$0x3FB1]  }
0x2f: {  	lr =	sadd.s32 s0, s3;
	s0 =	sld [smem:$0x3FA8]  }
0x30: {  	s3 =	sld [smem:$0x3FAB]  }
0x31: {  	[smem:$0x3FB4] =	sst s10  }
0x32: {  	s10 =	sld [smem:$0x3FB2];
	_ =	sdelay $0x3  }
0x33: {  	p0 =	seq.s32 s10, $0x1;
	s10 =	sld [smem:$0x3FB4];
	_ =	sdelay $0x3  }
0x34: {  	[smem:$0x3FB4] =	sst s10  }
0x35: {  	s10 =	sld [smem:$0x3FB3];
	_ =	sdelay $0x3  }
0x36: {  	p1 =	seq.s32 s10, $0x1;
	s10 =	sld [smem:$0x3FB4];
	_ =	sdelay $0x3  }
0x37: {  	[smem:$0x3FB4] =	sst s10  }
0x38: {  	s10 =	sld [smem:$0x3FB5]  }
0x39: {  	_ = 	snop;
	(pc) =	sbr.ind lr, $3  }
0x3a: {  	_ = 	snop  }
0x3b: {  	_ = 	snop  }
0x3c: {  	p2 =	seq.s32 s10, $0x1;
	s10 =	sld [smem:$0x3FB4]  }
0x3d: {  	_ =	shalt  }
0x3e: {  	_ =	shalt  }
0x3f: {  	_ =	shalt  }
0x40: {  	_ =	shalt  }
0x41: {  	_ =	shalt  }
0x42: {  	_ =	shalt  }
0x43: {  	_ =	shalt  }
0x44: {  	_ =	shalt  }
0x45: {  	_ =	shalt  }
0x46: {  	_ =	shalt  }
0x47: {  	_ =	shalt  }
0x48: {  	_ =	shalt  }
0x49: {  	_ =	shalt  }
0x4a: {  	_ =	shalt  }
0x4b: {  	_ =	shalt  }
0x4c: {  	_ =	shalt  }
0x4d: {  	_ =	shalt  }
0x4e: {  	_ =	shalt  }
0x4f: {  	_ =	shalt  }
0x50: {  	_ =	shalt  }
0x51: {  	_ =	shalt  }
0x52: {  	_ =	shalt  }
0x53: {  	_ =	shalt  }
0x54: {  	_ =	shalt  }
0x55: {  	_ =	shalt  }
0x56: {  	_ =	shalt  }
0x57: {  	_ =	shalt  }
0x58: {  	_ =	shalt  }
0x59: {  	_ =	shalt  }
0x5a: {  	_ =	shalt  }
0x5b: {  	_ =	shalt  }
0x5c: {  	_ =	shalt  }
0x5d: {  	_ =	shalt  }
0x5e: {  	_ =	shalt  }
0x5f: {  	_ =	shalt  }
0x60: {  	_ =	shalt  }
0x61: {  	_ =	shalt  }
0x62: {  	_ =	shalt  }
0x63: {  	_ =	shalt  }
0x64: {  	_ =	shalt  }
0x65: {  	_ =	shalt  }
0x66: {  	_ =	shalt  }
0x67: {  	_ =	shalt  }
0x68: {  	_ =	shalt  }
0x69: {  	_ =	shalt  }
0x6a: {  	_ =	shalt  }
0x6b: {  	_ =	shalt  }
0x6c: {  	_ =	shalt  }
0x6d: {  	_ =	shalt  }
0x6e: {  	_ =	shalt  }
0x6f: {  	_ =	shalt  }
0x70: {  	_ =	shalt  }
0x71: {  	_ =	shalt  }
0x72: {  	_ =	shalt  }
0x73: {  	_ =	shalt  }
0x74: {  	_ =	shalt  }
0x75: {  	_ =	shalt  }
0x76: {  	_ =	shalt  }
0x77: {  	_ =	shalt  }
0x78: {  	_ =	shalt  }
0x79: {  	_ =	shalt  }
0x7a: {  	_ =	shalt  }
0x7b: {  	_ =	shalt  }
0x7c: {  	_ =	shalt  }
0x7d: {  	_ =	shalt  }
0x7e: {  	_ =	shalt  }
0x7f: {  	_ =	shalt  }
0x80: {  	_ =	shalt  }
0x81: {  	_ =	shalt  }
0x82: {  	_ =	shalt  }
0x83: {  	_ =	shalt  }
0x84: {  	_ =	shalt  }
0x85: {  	_ =	shalt  }
0x86: {  	_ =	shalt  }
0x87: {  	_ =	shalt  }
.Lfunc_end0:
.L_simem_size_0:
called_computation.1_lowered:
.L_overlay_start_0:
0x88: {  	s2 =	sld [smem:$0x3FD9]  }
0x89: {  	s3 =	sld [smem:$0x3FFE];
	_ =	sdelay $0x1  }
0x8a: {  	s1 =	srdreg.scid  }
0x8b: {  	s0 =	sand.u32 $0x1, s1  }
0x8c: {  	s16 =	sshll.u32 s0, $0xA;
	s2 =	sadd.s32 s3, s2  }
0x8d: {  	s2 =	sadd.s32 s2, s16  }
0x8e: {  	[smem:$0x3FC0] =	sst s2  }
0x8f: {  	_ = 	snop  }
0x90: {  	(tm) =	ssettm $0x1  }
0x91: {  	s17 =	sld [smem:$0x3FFB];
	_ =	sdelay $0x3  }
0x92: {  	_ =	strace s17  }
0x93: {  	s2 =	sld [smem:$0x3FFC];
	_ =	sdelay $0x3  }
0x94: {  	_ =	strace s2  }
0x95: {  	s2 =	sld [smem:$0x3FFD];
	_ =	sdelay $0x3  }
0x96: {  	_ =	strace s2  }
0x97: {  	_ =	strace $0x8FFFFFFF  }
0x98: {  	s18 =	sld [smem:$0x3FDB];
	_ =	sdelay $0x1  }
0x99: {  	s19 =	simm.s32 $_scs_section_size  }
0x9a: {  	s4 =	simm.s32 $_size__tile_overlayer_lowered;
	s5 =	simm.s32 $_tile_overlayer_lowered  }
0x9b: {  	s22 =	simm.s32 $0x1BFF;
	s21 =	sshll.u32 s5, $0x1;
	s2 =	sadd.s32 s19, s18  }
0x9c: {  	s6 =	simm.s32 $0x0;
	s20 =	sshll.u32 s4, $0x1;
	s4 =	sadd.s32 s21, s2  }
0x9d: {  	[timem:s6], [sflag:s22] =	dma.local [hbm:s4], s20  }
0x9e: {  	_ =	swait.ge [sflag:s22], s20  }
0x9f: {  	s3 =	ssub.s32 $0x0, s20;
	[sflag:s22] =	ssyncset.done $0x0  }
0xa0: {  	[sflag:s22] =	ssyncadd.s32 s3;
	_ =	sdelay $0x1  }
0xa1: {  	s23 =	simm.s32 $0x1B8B  }
0xa2: {  	_ =	swait.ge [sflag:s23], $0x1  }
0xa3: {  	[sflag:s23] =	ssyncset.done $0x0  }
0xa4: {  	s25 =	simm.s32 $0x1B8E;
	s24 =	sld [smem:$0x3FFE];
	[sflag:s23] =	ssyncadd.s32 $0xFFFFFFFF  }
0xa5: {  	s26 =	simm.s32 $execute0_lowered;
	[smem:$0x3FD2] =	sst s25  }
0xa6: {  	s4 =	sshll.u32 s26, $0x1;
	_ =	strace $0x80000049;
	[dreg:$0x1] =	wrdreg $0xFFFFFFFF  }
0xa7: {  	s28 =	simm.s32 $_size_execute0_lowered;
	s2 =	sadd.s32 s2, s4;
	[dreg:$0x0] =	wrdreg $0x0  }
0xa8: {  	s4 =	sshll.u32 s28, $0x1;
	[dreg:$0x2] =	wrdreg s2  }
0xa9: {  	[dreg:$0x3] =	wrdreg s4  }
0xaa: {  	[dreg:$0x4] =	wrdreg $0xC0  }
0xab: {  	_ =	task [dreg:s6], $0x5FFFF  }
0xac: {  	[dreg:$0x1] =	wrdreg $0xFFFFFFFF  }
0xad: {  	[dreg:$0x0] =	wrdreg $0x60  }
0xae: {  	[dreg:$0x2] =	wrdreg s24  }
0xaf: {  	[dreg:$0x3] =	wrdreg $0x13D000  }
0xb0: {  	[dreg:$0x4] =	wrdreg $0x9  }
0xb1: {  	_ =	task.clear_ibuf [dreg:s6], $0x5FFFF;
	_ =	strace $0x90000049  }
0xb2: {  	s29 =	simm.s32 $0x9;
	_ =	strace $0x8000004B  }
0xb3: {  	_ =	swait.ge [sflag:s29], $0x1  }
0xb4: {  	[sflag:s29] =	ssyncadd.s32 $0xFFFFFFFF  }
0xb5: {  	_ =	strace $0x9000004B  }
0xb6: {  	_ =	sfence  }
0xb7: {  	s30 =	sld [smem:$0x0];
	_ =	sdelay $0x2  }
0xb8: {  	s31 =	sshll.u32 s1, $0xD;
	s1 =	sshrl.u32 s1, $0x2  }
0xb9: {  	s3 =	sand.u32 $0x4000, s31;
	s1 =	sadd.s32 s1, s30  }
0xba: {  	s0 =	sor.u32 s3, s0;
	s1 =	sshll.u32 s1, $0x11  }
0xbb: {  	s0 =	sor.u32 s1, s0  }
0xbc: {  	s0 =	sadd.s32 $0x8F2B, s0  }
0xbd: {  	[sflag:s0] =	ssyncadd.remote.s32 $0x1  }
0xbe: {  	_ =	sfence.sel $0xFFFF  }
0xbf: {  	[dreg:$0x0] =	wrdreg $0xFFFFFFFF;
	(pc) =	sbr.abs _section_cstart, $3  }
0xc0: {  	[dreg:$0x1] =	wrdreg $0xFFFFFFFF  }
0xc1: {  	_ =	task.clear_ibuf [dreg:s6], $0x2FFFF;
	_ =	strace $0x9FFFFFFF  }
0xc2: {  	(tm) =	ssettm $0x7FFFFFFF  }
0xc3: {  	_ =	shalt  }
tec
execute0_lowered:
.L_overlay_start_1:
0x0: {  	(tag) =	ssettag $0x1  }
0x1: {  	s0 =	rddreg [dreg:$0x0]  }
0x2: {  	s1 =	rddreg [dreg:$0x1];
	s2 =	srdreg.scid  }
0x3: {  	s3 =	simm.s32 $0x0;
	s7 =	stileid.u32;
	s18 =	simm.s32 $0x11D00  }
0x4: {  	s19 =	simm.s32 $0x9;
	s20 =	simm.s32 $0x4E80;
	s21 =	simm.s32 $0x80  }
0x5: {  	s22 =	simm.s32 $0x9D00;
	s29 =	simm.s32 $0xFD00;
	s30 =	simm.s32 $0x2  }
0x6: {  	s31 =	simm.s32 $0x5;
	s28 =	simm.s32 $0x7;
	s5 =	smul.u32 $0x9D0, s7  }
0x7: {  	s2 =	sand.u32 $0x1, s2;
	[smem:$0x7FF] =	sst s3;
	s9 =	smul.u32 $0xA000, s7  }
0x8: {  	s4 =	smul.u32 $0x13880, s2;
	_ =	strace $0x8000004A;
	s6 =	ssub.s32 $0x2, s2  }
0x9: {  	s2 =	smul.u32 $0xA0000, s2;
	s11 =	sadd.s32 s5, s0;
	s23 =	sshrl.u32 s6, $0x1  }
0xa: {  	s13 =	sadd.s32 $0x2000, s9;
	s14 =	sadd.s32 $0x4000, s9;
	s15 =	sadd.s32 $0x6000, s9  }
0xb: {  	s16 =	sadd.s32 $0x8000, s9;
	s10 =	sadd.s32 s4, s0;
	s0 =	sadd.s32 $0x96800, s0  }
0xc: {  	s12 =	ssub.s32 s6, s23;
	s4 =	sadd.s32 s9, s1;
	s5 =	sadd.s32 s13, s1  }
0xd: {  	s6 =	sadd.s32 s14, s1;
	s7 =	sadd.s32 s15, s1;
	s8 =	sadd.s32 s16, s1  }
0xe: {  	s17 =	sadd.s32 $0xB800, s11;
	s9 =	sadd.s32 s9, s2;
	s13 =	sadd.s32 s2, s13  }
0xf: {  	s11 =	sadd.s32 $0x1A00, s11;
	s25 =	sadd.s32 s2, s14;
	s26 =	sadd.s32 s2, s15  }
0x10: {  	s2 =	sadd.s32 s2, s16;
	s23 =	simm.s32 $0xBD00;
	[dreg:$0x3] =	wrdreg s17  }
0x11: {  	[dreg:$0x4] =	wrdreg s11;
	s9 =	sshrl.u32 s9, $0x3;
	s13 =	sshrl.u32 s13, $0x3  }
0x12: {  	s11 =	sadd.s32 $0x6F600, s10;
	s10 =	sshrl.u32 s26, $0x3;
	s2 =	sshrl.u32 s2, $0x3  }
0x13: {  	s17 =	smax.u32 s12, $0x1;
	s26 =	simm.s32 $0x1;
	s9 =	sadd.s32 s0, s9  }
0x14: {  	s24 =	sadd.s32 s0, s13;
	s15 =	sadd.s32 s0, s10;
	[dreg:$0x5] =	wrdreg s9  }
0x15: {  	s16 =	sadd.s32 s0, s2;
	s2 =	simm.s32 $0x6;
	[dreg:$0x6] =	wrdreg s24  }
0x16: {  	s9 =	sshrl.u32 s25, $0x3;
	s25 =	simm.s32 $0xDD00;
	s24 =	simm.s32 $0x4  }
0x17: {  	v0 =	vimm.f32 $0.0e+00;
	s14 =	sadd.s32 s0, s9;
	s0 =	simm.s32 $0x3;
	s9 =	simm.s32 $0x8  }
.LBB2_1:
0x18: {  	s12 =	simm.s32 $0x100;
	s10 =	simm.s32 $0x0  }
.LBB2_2:
0x19: {  	p0 =	sne.s32 s12, $0x7F00;
	[tilespmem:s10+$0x11D30] =	vst v0;
	s13 =	smov.u32 s12;
	s12 =	sadd.s32 $0x100, s12  }
.Ltmp0:
0x1a: {  	[tilespmem:s10+$0x11D20] =	vst v0;
	(pc) =	sbr.rel @p0 .LBB2_2-.Ltmp0, $3  }
0x1b: {  	[tilespmem:s10+$0x11D00] =	vst v0  }
0x1c: {  	[tilespmem:s10+$0x11D10] =	vst v0;
	_ =	sdelay $0x1  }
0x1d: {  	s10 =	sshra.s32 s13, $0x2  }
0x1e: {  	[tilespmem:s10+$0x11D30] =	vst v0  }
0x1f: {  	[tilespmem:s10+$0x11D20] =	vst v0  }
0x20: {  	[tilespmem:s10+$0x11D00] =	vst v0  }
0x21: {  	[tilespmem:s10+$0x11D10] =	vst v0  }
0x22: {  	[spmem:s4] =	stream.linear.scatter [tilespmem:s18], [sflag:$0x9], $0x2000, $0x38;
	[tilespmem:$0x1DD00] =	vst v63  }
0x23: {  	_ =	swait.ge [sflag:s19], $0x2000  }
0x24: {  	[sflag:s19] =	ssyncset.done $0x0  }
0x25: {  	[sflag:s19] =	ssyncadd.s32 $0xFFFFE000  }
0x26: {  	[spmem:s5] =	stream.linear.scatter [tilespmem:s18], [sflag:$0x9], $0x2000, $0x38;
	[tilespmem:$0x1DD00] =	vst v63  }
0x27: {  	_ =	swait.ge [sflag:s19], $0x2000  }
0x28: {  	[sflag:s19] =	ssyncset.done $0x0  }
0x29: {  	[sflag:s19] =	ssyncadd.s32 $0xFFFFE000  }
0x2a: {  	[spmem:s6] =	stream.linear.scatter [tilespmem:s18], [sflag:$0x9], $0x2000, $0x38;
	[tilespmem:$0x1DD00] =	vst v63  }
0x2b: {  	_ =	swait.ge [sflag:s19], $0x2000  }
0x2c: {  	[sflag:s19] =	ssyncset.done $0x0  }
0x2d: {  	[sflag:s19] =	ssyncadd.s32 $0xFFFFE000  }
0x2e: {  	[spmem:s7] =	stream.linear.scatter [tilespmem:s18], [sflag:$0x9], $0x2000, $0x38;
	[tilespmem:$0x1DD00] =	vst v63  }
0x2f: {  	_ =	swait.ge [sflag:s19], $0x2000  }
0x30: {  	[sflag:s19] =	ssyncset.done $0x0  }
0x31: {  	[sflag:s19] =	ssyncadd.s32 $0xFFFFE000  }
0x32: {  	[spmem:s8] =	stream.linear.scatter [tilespmem:s18], [sflag:$0x9], $0x2000, $0x38;
	[tilespmem:$0x1DD00] =	vst v63  }
0x33: {  	_ =	swait.ge [sflag:s19], $0x2000  }
0x34: {  	[sflag:s19] =	ssyncset.done $0x0  }
0x35: {  	s10 =	simm.s32 $0x0;
	s12 =	rddreg [dreg:$0x3];
	[sflag:s19] =	ssyncadd.s32 $0xFFFFE000  }
0x36: {  	[tilespmem:s10], [sflag:$0x9] =	stream.linear.gather [hbm4b:s12+s10], $0x4E80, $0x38;
	[tilespmem:$0x1DD00] =	vst v63  }
0x37: {  	_ =	swait.ge [sflag:s19], $0x4E80  }
0x38: {  	[sflag:s19] =	ssyncset.done $0x0  }
0x39: {  	s13 =	rddreg [dreg:$0x4];
	[sflag:s19] =	ssyncadd.s32 $0xFFFFB180  }
0x3a: {  	[tilespmem:s20], [sflag:$0x9] =	stream.linear.gather [hbm4b:s13+s10], $0x4E80, $0x38;
	[tilespmem:$0x1DD00] =	vst v63  }
0x3b: {  	_ =	swait.ge [sflag:s19], $0x4E80  }
0x3c: {  	[sflag:s19] =	ssyncset.done $0x0  }
0x3d: {  	[sflag:s19] =	ssyncadd.s32 $0xFFFFB180  }
0x3e: {  	[bflag:$0x0] =	sbarrier.arrive $0xFFFF  }
0x3f: {  	[tilespmem:s22], [sflag:$0x1] =	stream.indirect.gather [hbm4b:s11+s21], $0x40, s10, s21, $0xb8;
	[tilespmem:$0x1DD00] =	vst v63  }
0x40: {  	_ = 	snop  }
0x41: {  	[tilespmem:s23], [sflag:$0x2] =	stream.indirect.gather [hbm4b:s11+s21], $0x40, s21, s21, $0xb8;
	[tilespmem:$0x1DD00] =	vst v63  }
0x42: {  	s13 =	simm.s32 $0x100  }
0x43: {  	[tilespmem:s25], [sflag:$0x3] =	stream.indirect.gather [hbm4b:s11+s21], $0x40, s13, s21, $0xb8;
	[tilespmem:$0x1DD00] =	vst v63  }
0x44: {  	_ =	swait.ge [sflag:s26], $0x2000  }
0x45: {  	[sflag:s26] =	ssyncset.done $0x0  }
0x46: {  	[sflag:s26] =	ssyncadd.s32 $0xFFFFE000  }
0x47: {  	[spmem:s1] =	stream.indirect.scatter.add.f32 [tilespmem:s22], [sflag:$0x5], $0x40, s20, s21, $0xb8;
	[tilespmem:$0x1DD00] =	vst v63  }
0x48: {  	s12 =	simm.s32 $0x180  }
0x49: {  	[tilespmem:s29], [sflag:$0x4] =	stream.indirect.gather [hbm4b:s11+s21], $0x40, s12, s21, $0xb8;
	[tilespmem:$0x1DD00] =	vst v63  }
0x4a: {  	_ =	swait.ge [sflag:s30], $0x2000  }
0x4b: {  	[sflag:s30] =	ssyncset.done $0x0  }
0x4c: {  	s13 =	simm.s32 $0x4F00;
	[sflag:s30] =	ssyncadd.s32 $0xFFFFE000  }
0x4d: {  	[spmem:s1] =	stream.indirect.scatter.add.f32 [tilespmem:s23], [sflag:$0x6], $0x40, s13, s21, $0xb8;
	[tilespmem:$0x1DD00] =	vst v63  }
0x4e: {  	_ =	swait.ge [sflag:s31], $0x2000  }
0x4f: {  	[sflag:s31] =	ssyncset.done $0x0  }
0x50: {  	s12 =	simm.s32 $0x200;
	[sflag:s31] =	ssyncadd.s32 $0xFFFFE000  }
0x51: {  	[tilespmem:s22], [sflag:$0x1] =	stream.indirect.gather [hbm4b:s11+s21], $0x40, s12, s21, $0xb8;
	[tilespmem:$0x1DD00] =	vst v63  }
0x52: {  	_ =	swait.ge [sflag:s0], $0x2000  }
0x53: {  	[sflag:s0] =	ssyncset.done $0x0  }
0x54: {  	s13 =	simm.s32 $0x4F80;
	[sflag:s0] =	ssyncadd.s32 $0xFFFFE000  }
0x55: {  	[spmem:s1] =	stream.indirect.scatter.add.f32 [tilespmem:s25], [sflag:$0x7], $0x40, s13, s21, $0xb8;
	[tilespmem:$0x1DD00] =	vst v63  }
0x56: {  	_ =	swait.ge [sflag:s2], $0x2000  }
0x57: {  	[sflag:s2] =	ssyncset.done $0x0  }
0x58: {  	s12 =	simm.s32 $0x280;
	[sflag:s2] =	ssyncadd.s32 $0xFFFFE000  }
0x59: {  	[tilespmem:s23], [sflag:$0x2] =	stream.indirect.gather [hbm4b:s11+s21], $0x40, s12, s21, $0xb8;
	[tilespmem:$0x1DD00] =	vst v63  }
0x5a: {  	_ =	swait.ge [sflag:s24], $0x2000  }
0x5b: {  	[sflag:s24] =	ssyncset.done $0x0  }
0x5c: {  	s13 =	simm.s32 $0x5000;
	[sflag:s24] =	ssyncadd.s32 $0xFFFFE000  }
0x5d: {  	[spmem:s1] =	stream.indirect.scatter.add.f32 [tilespmem:s29], [sflag:$0x8], $0x40, s13, s21, $0xb8;
	[tilespmem:$0x1DD00] =	vst v63  }
0x5e: {  	_ =	swait.ge [sflag:s28], $0x2000  }
0x5f: {  	[sflag:s28] =	ssyncset.done $0x0  }
0x60: {  	s12 =	simm.s32 $0x300;
	[sflag:s28] =	ssyncadd.s32 $0xFFFFE000  }
0x61: {  	[tilespmem:s25], [sflag:$0x3] =	stream.indirect.gather [hbm4b:s11+s21], $0x40, s12, s21, $0xb8;
	[tilespmem:$0x1DD00] =	vst v63  }
0x62: {  	_ =	swait.ge [sflag:s26], $0x2000  }
0x63: {  	[sflag:s26] =	ssyncset.done $0x0  }
0x64: {  	s13 =	simm.s32 $0x5080;
	[sflag:s26] =	ssyncadd.s32 $0xFFFFE000  }
0x65: {  	[spmem:s1] =	stream.indirect.scatter.add.f32 [tilespmem:s22], [sflag:$0x5], $0x40, s13, s21, $0xb8;
	[tilespmem:$0x1DD00] =	vst v63  }
0x66: {  	_ =	swait.ge [sflag:s9], $0x2000  }
0x67: {  	[sflag:s9] =	ssyncset.done $0x0  }
0x68: {  	s10 =	simm.s32 $0x800;
	s12 =	simm.s32 $0x380;
	[sflag:s9] =	ssyncadd.s32 $0xFFFFE000  }
.LBB2_4:
0x69: {  	[tilespmem:s29], [sflag:$0x4] =	stream.indirect.gather [hbm4b:s11+s21], $0x40, s12, s21, $0xb8;
	[tilespmem:$0x1DD00] =	vst v63  }
0x6a: {  	s12 =	smov.u32 s10  }
0x6b: {  	p0 =	sne.s32 s10, $0x12800;
	s10 =	sadd.s32 $0x800, s10;
	_ =	swait.ge [sflag:s30], $0x2000  }
0x6c: {  	s12 =	sshra.s32 s12, $0x2;
	[sflag:s30] =	ssyncset.done $0x0  }
0x6d: {  	s13 =	sadd.s32 $0x4F00, s12;
	[sflag:s30] =	ssyncadd.s32 $0xFFFFE000  }
0x6e: {  	[spmem:s1] =	stream.indirect.scatter.add.f32 [tilespmem:s23], [sflag:$0x6], $0x40, s13, s21, $0xb8;
	[tilespmem:$0x1DD00] =	vst v63  }
0x6f: {  	_ =	swait.ge [sflag:s31], $0x2000  }
0x70: {  	[sflag:s31] =	ssyncset.done $0x0  }
0x71: {  	s13 =	sadd.s32 $0x200, s12;
	[sflag:s31] =	ssyncadd.s32 $0xFFFFE000  }
0x72: {  	[tilespmem:s22], [sflag:$0x1] =	stream.indirect.gather [hbm4b:s11+s21], $0x40, s13, s21, $0xb8;
	[tilespmem:$0x1DD00] =	vst v63  }
0x73: {  	_ =	swait.ge [sflag:s0], $0x2000  }
0x74: {  	[sflag:s0] =	ssyncset.done $0x0  }
0x75: {  	s13 =	sadd.s32 $0x4F80, s12;
	[sflag:s0] =	ssyncadd.s32 $0xFFFFE000  }
0x76: {  	[spmem:s1] =	stream.indirect.scatter.add.f32 [tilespmem:s25], [sflag:$0x7], $0x40, s13, s21, $0xb8;
	[tilespmem:$0x1DD00] =	vst v63  }
0x77: {  	_ =	swait.ge [sflag:s2], $0x2000  }
0x78: {  	[sflag:s2] =	ssyncset.done $0x0  }
0x79: {  	s13 =	sadd.s32 $0x280, s12;
	[sflag:s2] =	ssyncadd.s32 $0xFFFFE000  }
0x7a: {  	[tilespmem:s23], [sflag:$0x2] =	stream.indirect.gather [hbm4b:s11+s21], $0x40, s13, s21, $0xb8;
	[tilespmem:$0x1DD00] =	vst v63  }
0x7b: {  	_ =	swait.ge [sflag:s24], $0x2000  }
0x7c: {  	[sflag:s24] =	ssyncset.done $0x0  }
0x7d: {  	s13 =	sadd.s32 $0x5000, s12;
	[sflag:s24] =	ssyncadd.s32 $0xFFFFE000  }
0x7e: {  	[spmem:s1] =	stream.indirect.scatter.add.f32 [tilespmem:s29], [sflag:$0x8], $0x40, s13, s21, $0xb8;
	[tilespmem:$0x1DD00] =	vst v63  }
0x7f: {  	_ =	swait.ge [sflag:s28], $0x2000  }
0x80: {  	[sflag:s28] =	ssyncset.done $0x0  }
0x81: {  	s13 =	sadd.s32 $0x300, s12;
	[sflag:s28] =	ssyncadd.s32 $0xFFFFE000  }
0x82: {  	[tilespmem:s25], [sflag:$0x3] =	stream.indirect.gather [hbm4b:s11+s21], $0x40, s13, s21, $0xb8;
	[tilespmem:$0x1DD00] =	vst v63  }
0x83: {  	_ =	swait.ge [sflag:s26], $0x2000  }
0x84: {  	[sflag:s26] =	ssyncset.done $0x0  }
.Ltmp1:
0x85: {  	s13 =	sadd.s32 $0x5080, s12;
	[sflag:s26] =	ssyncadd.s32 $0xFFFFE000;
	(pc) =	sbr.rel @p0 .LBB2_4-.Ltmp1, $4  }
0x86: {  	[spmem:s1] =	stream.indirect.scatter.add.f32 [tilespmem:s22], [sflag:$0x5], $0x40, s13, s21, $0xb8;
	[tilespmem:$0x1DD00] =	vst v63  }
0x87: {  	_ =	swait.ge [sflag:s9], $0x2000  }
0x88: {  	[sflag:s9] =	ssyncset.done $0x0  }
0x89: {  	s12 =	sadd.s32 $0x380, s12;
	[sflag:s9] =	ssyncadd.s32 $0xFFFFE000  }
0x8a: {  	[tilespmem:s29], [sflag:$0x4] =	stream.indirect.gather [hbm4b:s11+s21], $0x40, s12, s21, $0xb8;
	[tilespmem:$0x1DD00] =	vst v63  }
0x8b: {  	_ =	swait.ge [sflag:s30], $0x2000  }
0x8c: {  	[sflag:s30] =	ssyncset.done $0x0  }
0x8d: {  	s10 =	simm.s32 $0x9B00;
	[sflag:s30] =	ssyncadd.s32 $0xFFFFE000  }
0x8e: {  	[spmem:s1] =	stream.indirect.scatter.add.f32 [tilespmem:s23], [sflag:$0x6], $0x40, s10, s21, $0xb8;
	[tilespmem:$0x1DD00] =	vst v63  }
0x8f: {  	_ =	swait.ge [sflag:s31], $0x2000  }
0x90: {  	[sflag:s31] =	ssyncset.done $0x0  }
0x91: {  	s12 =	simm.s32 $0x4E00;
	[sflag:s31] =	ssyncadd.s32 $0xFFFFE000  }
0x92: {  	[tilespmem:s22], [sflag:$0x1] =	stream.indirect.gather [hbm4b:s11+s21], $0x40, s12, s21, $0xb8;
	[tilespmem:$0x1DD00] =	vst v63  }
0x93: {  	_ =	swait.ge [sflag:s0], $0x2000  }
0x94: {  	[sflag:s0] =	ssyncset.done $0x0  }
0x95: {  	s13 =	simm.s32 $0x9B80;
	[sflag:s0] =	ssyncadd.s32 $0xFFFFE000  }
0x96: {  	[spmem:s1] =	stream.indirect.scatter.add.f32 [tilespmem:s25], [sflag:$0x7], $0x40, s13, s21, $0xb8;
	[tilespmem:$0x1DD00] =	vst v63  }
0x97: {  	_ =	swait.ge [sflag:s24], $0x2000  }
0x98: {  	[sflag:s24] =	ssyncset.done $0x0  }
0x99: {  	s12 =	simm.s32 $0x9C00;
	[sflag:s24] =	ssyncadd.s32 $0xFFFFE000  }
0x9a: {  	[spmem:s1] =	stream.indirect.scatter.add.f32 [tilespmem:s29], [sflag:$0x8], $0x40, s12, s21, $0xb8;
	[tilespmem:$0x1DD00] =	vst v63  }
0x9b: {  	_ =	swait.ge [sflag:s26], $0x2000  }
0x9c: {  	[sflag:s26] =	ssyncset.done $0x0  }
0x9d: {  	s13 =	simm.s32 $0x9C80;
	[sflag:s26] =	ssyncadd.s32 $0xFFFFE000  }
0x9e: {  	[spmem:s1] =	stream.indirect.scatter.add.f32 [tilespmem:s22], [sflag:$0x5], $0x40, s13, s21, $0xb8;
	[tilespmem:$0x1DD00] =	vst v63  }
0x9f: {  	_ =	swait.ge [sflag:s31], $0x2000  }
0xa0: {  	[sflag:s31] =	ssyncset.done $0x0  }
0xa1: {  	[sflag:s31] =	ssyncadd.s32 $0xFFFFE000  }
0xa2: {  	_ =	swait.ge [sflag:s2], $0x2000  }
0xa3: {  	[sflag:s2] =	ssyncset.done $0x0  }
0xa4: {  	[sflag:s2] =	ssyncadd.s32 $0xFFFFE000  }
0xa5: {  	_ =	swait.ge [sflag:s28], $0x2000  }
0xa6: {  	[sflag:s28] =	ssyncset.done $0x0  }
0xa7: {  	[sflag:s28] =	ssyncadd.s32 $0xFFFFE000  }
0xa8: {  	_ =	swait.ge [sflag:s9], $0x2000  }
0xa9: {  	[sflag:s9] =	ssyncset.done $0x0  }
0xaa: {  	s12 =	stileid.u32;
	[sflag:s9] =	ssyncadd.s32 $0xFFFFE000  }
0xab: {  	s10 =	sshll.u32 s12, $0x6;
	[bflag:$0x0] =	sbarrier.arrive $0xFFFF  }
0xac: {  	s12 =	sshrl.u32 s4, $0x3;
	s10 =	sor.u32 $0x1C09, s10;
	s13 =	rddreg [dreg:$0x5]  }
0xad: {  	[hbm:s13], [sflag:s10] =	dma.local [spmem:s12], $0x400  }
0xae: {  	_ =	swait.ge [sflag:s19], $0x400  }
0xaf: {  	[sflag:s19] =	ssyncset.done $0x0  }
0xb0: {  	s12 =	sshrl.u32 s5, $0x3;
	s13 =	rddreg [dreg:$0x6];
	[sflag:s19] =	ssyncadd.s32 $0xFFFFFC00  }
0xb1: {  	[hbm:s13], [sflag:s10] =	dma.local [spmem:s12], $0x400  }
0xb2: {  	_ =	swait.ge [sflag:s19], $0x400  }
0xb3: {  	[sflag:s19] =	ssyncset.done $0x0  }
0xb4: {  	s13 =	sshrl.u32 s6, $0x3;
	[sflag:s19] =	ssyncadd.s32 $0xFFFFFC00  }
0xb5: {  	[hbm:s14], [sflag:s10] =	dma.local [spmem:s13], $0x400  }
0xb6: {  	_ =	swait.ge [sflag:s19], $0x400  }
0xb7: {  	[sflag:s19] =	ssyncset.done $0x0  }
0xb8: {  	s13 =	sshrl.u32 s7, $0x3;
	[sflag:s19] =	ssyncadd.s32 $0xFFFFFC00  }
0xb9: {  	[hbm:s15], [sflag:s10] =	dma.local [spmem:s13], $0x400  }
0xba: {  	s3 =	sadd.s32 $0x1, s3;
	_ =	swait.ge [sflag:s19], $0x400  }
0xbb: {  	p0 =	sne.s32 s3, s17;
	[sflag:s19] =	ssyncset.done $0x0  }
.Ltmp2:
0xbc: {  	s13 =	sshrl.u32 s8, $0x3;
	[sflag:s19] =	ssyncadd.s32 $0xFFFFFC00;
	(pc) =	sbr.rel @p0 .LBB2_1-.Ltmp2, $4  }
0xbd: {  	[hbm:s16], [sflag:s10] =	dma.local [spmem:s13], $0x400  }
0xbe: {  	_ =	swait.ge [sflag:s19], $0x400  }
0xbf: {  	[sflag:s19] =	ssyncset.done $0x0  }
0xc0: {  	[sflag:s19] =	ssyncadd.s32 $0xFFFFFC00  }
0xc1: {  	_ =	sfence.sel $0x180000  }
0xc2: {  	[bflag:$0x0] =	sbarrier.arrive $0xFFFF  }
0xc3: {  	_ =	strace $0x9000004A  }
0xc4: {  	s0 =	stileid.u32;
	[bflag:$0x2] =	sbarrier.arrive $0xFFFF  }
0xc5: {  	p0 =	sne.s32 s0, $0x0;
	s0 =	rddreg [dreg:$0x2]  }
0xc6: {  	s0 =	sadd.s32 @!p0 $0x100000, s0  }
0xc7: {  	[sflag:s0] =	ssyncadd.tile.s32 @!p0 $0x1;
	_ =	shalt  }
.Lfunc_end2:
_tile_overlayer_lowered:
.L_overlay_start_2:
0xc8: {  	(tag) =	ssettag $0x2  }
0xc9: {  	s0 =	rddreg [dreg:$0x0];
	s2 =	stileid.u32  }
0xca: {  	s1 =	rddreg [dreg:$0x1];
	p0 =	sne.s32 s2, $0x0  }
0xcb: {  	s3 =	rddreg [dreg:$0x2];
	[bflag:$0x3] =	sbarrier.arrive $0xFFFF;
	s2 =	simm.s32 @!p0 $0x1C09  }
0xcc: {  	[timem:s3], [sflag:s2] =	dma.local @!p0 [hbm:s0], s1  }
0xcd: {  	s0 =	simm.s32 @!p0 $0x9  }
0xce: {  	_ =	swait.ge @!p0 [sflag:s0], s1  }
0xcf: {  	s1 =	ssub.s32 @!p0 $0x0, s1;
	[sflag:s0] =	ssyncset.done @!p0 $0x0  }
0xd0: {  	[sflag:s0] =	ssyncadd.s32 @!p0 s1  }
0xd1: {  	[bflag:$0x3] =	sbarrier.arrive $0xFFFF  }
0xd2: {  	_ =	shalt  }

// kernel: kernel.14.cloned.1.call-start
scs
__scs_entry_jumppad:
0x0: {  	(pc) =	sbr.rel $0x88, $3  }
0x1: {  	(tag) =	ssettag $0x0;
	lr =	simm.s32 $0x1  }
0x2: {  	[smem:$0x3F99] =	sst lr;
	_ =	strace $0xD0000000  }
0x3: {  	_ = 	snop  }
0x4: {  	_ = 	snop  }
0x5: {  	_ = 	snop  }
0x6: {  	_ = 	snop  }
0x7: {  	_ = 	snop  }
__scs_overlays_trampoline_lowered:
0x8: {  	[smem:$0x3FA8] =	sst s0  }
0x9: {  	[smem:$0x3FA9] =	sst s1  }
0xa: {  	[smem:$0x3FAA] =	sst s2  }
0xb: {  	[smem:$0x3FAB] =	sst s3  }
0xc: {  	[smem:$0x3FAC] =	sst s4  }
0xd: {  	[smem:$0x3FAD] =	sst s5  }
0xe: {  	[smem:$0x3FAE] =	sst s6  }
0xf: {  	[smem:$0x3FAF] =	sst s7  }
0x10: {  	[smem:$0x3FB0] =	sst s8  }
0x11: {  	[smem:$0x3FB1] =	sst s9;
	s0 =	simm.s32 @!p0 $0x0  }
0x12: {  	s1 =	sld [smem:$0x3F97];
	s0 =	simm.s32 @p0 $0x1  }
0x13: {  	[smem:$0x3FB2] =	sst s0;
	s0 =	simm.s32 @!p1 $0x0  }
0x14: {  	s2 =	sld [smem:$0x3F96];
	s0 =	simm.s32 @p1 $0x1  }
0x15: {  	[smem:$0x3FB3] =	sst s0;
	s0 =	simm.s32 @!p2 $0x0  }
0x16: {  	s3 =	sld [smem:$0x3FDB];
	s0 =	simm.s32 @p2 $0x1  }
0x17: {  	s4 =	simm.s32 $0x1BF5;
	[smem:$0x3FB5] =	sst s0  }
0x18: {  	s0 =	sld [smem:$0x3F98];
	_ =	swait.ge [sflag:s4], $0x0  }
0x19: {  	s7 =	sld [smem:$0x3F99]  }
0x1a: {  	s8 =	sadd.s32 $0xFFFFE003, lr  }
0x1b: {  	s9 =	sadd.s32 $0xFFFFFEF7, lr;
	s5 =	simm.s32 $0xFFFFFFFF;
	p2 =	slt.u32 s8, $0xFFFFF086  }
0x1c: {  	p1 =	slt.u32 s9, $0xF7A;
	s5 =	simm.s32 @!p2 $0x0  }
0x1d: {  	s5 =	simm.s32 @p1 $0x1;
	p0 =	seq.s32 s7, s2  }
0x1e: {  	s7 =	smul.u32 @!p0 $0xF7A, s2;
	p2 =	seq.s32 @!p0 s5, $0x0  }
0x1f: {  	s9 =	smul.u32 $0xF7A, s1;
	s8 =	simm.s32 @!p0 $0x1BF5;
	p2 =	por !p2, p0  }
0x20: {  	[sflag:s8] =	ssyncset.s32 @!p0 $0xFFFFF086;
	s6 =	sadd.s32 @!p0 s3, s7;
	s7 =	simm.s32 @!p0 $0x108  }
0x21: {  	s3 =	sadd.s32 s3, s9;
	s6 =	sadd.s32 @!p0 $0x88, s6;
	s7 =	simm.s32 @p2 $0x1082  }
0x22: {  	[simem:s7], [sflag:s8] =	dma.local @!p0 [hbm:s6], $0xF7A  }
0x23: {  	s9 =	sor.u32 $0xD0000000, s2;
	s6 =	simm.s32 $0x108;
	_ =	swait.ge @!p0 [sflag:s8], $0x0  }
0x24: {  	s3 =	sadd.s32 $0x88, s3;
	s6 =	simm.s32 @!p1 $0x1082;
	[sflag:s4] =	ssyncset.s32 $0xFFFFF086  }
0x25: {  	[simem:s6], [sflag:s4] =	dma.local [hbm:s3], $0xF7A  }
0x26: {  	[smem:$0x3F99] =	sst s1;
	(tag) =	ssettag s2;
	_ =	strace s9  }
0x27: {  	s1 =	sld [smem:$0x3FA9]  }
0x28: {  	s2 =	sld [smem:$0x3FAA]  }
0x29: {  	s4 =	sld [smem:$0x3FAC]  }
0x2a: {  	p0 =	seq.s32 s5, $0x0;
	s5 =	sld [smem:$0x3FAD]  }
0x2b: {  	s6 =	sld [smem:$0x3FAE]  }
0x2c: {  	s7 =	sld [smem:$0x3FAF]  }
0x2d: {  	s3 =	simm.s32 $0x108;
	s8 =	sld [smem:$0x3FB0]  }
0x2e: {  	s3 =	simm.s32 @!p0 $0x1082;
	s9 =	sld [smem:$0x3FB1]  }
0x2f: {  	lr =	sadd.s32 s0, s3;
	s0 =	sld [smem:$0x3FA8]  }
0x30: {  	s3 =	sld [smem:$0x3FAB]  }
0x31: {  	[smem:$0x3FB4] =	sst s10  }
0x32: {  	s10 =	sld [smem:$0x3FB2];
	_ =	sdelay $0x3  }
0x33: {  	p0 =	seq.s32 s10, $0x1;
	s10 =	sld [smem:$0x3FB4];
	_ =	sdelay $0x3  }
0x34: {  	[smem:$0x3FB4] =	sst s10  }
0x35: {  	s10 =	sld [smem:$0x3FB3];
	_ =	sdelay $0x3  }
0x36: {  	p1 =	seq.s32 s10, $0x1;
	s10 =	sld [smem:$0x3FB4];
	_ =	sdelay $0x3  }
0x37: {  	[smem:$0x3FB4] =	sst s10  }
0x38: {  	s10 =	sld [smem:$0x3FB5]  }
0x39: {  	_ = 	snop;
	(pc) =	sbr.ind lr, $3  }
0x3a: {  	_ = 	snop  }
0x3b: {  	_ = 	snop  }
0x3c: {  	p2 =	seq.s32 s10, $0x1;
	s10 =	sld [smem:$0x3FB4]  }
0x3d: {  	_ =	shalt  }
0x3e: {  	_ =	shalt  }
0x3f: {  	_ =	shalt  }
0x40: {  	_ =	shalt  }
0x41: {  	_ =	shalt  }
0x42: {  	_ =	shalt  }
0x43: {  	_ =	shalt  }
0x44: {  	_ =	shalt  }
0x45: {  	_ =	shalt  }
0x46: {  	_ =	shalt  }
0x47: {  	_ =	shalt  }
0x48: {  	_ =	shalt  }
0x49: {  	_ =	shalt  }
0x4a: {  	_ =	shalt  }
0x4b: {  	_ =	shalt  }
0x4c: {  	_ =	shalt  }
0x4d: {  	_ =	shalt  }
0x4e: {  	_ =	shalt  }
0x4f: {  	_ =	shalt  }
0x50: {  	_ =	shalt  }
0x51: {  	_ =	shalt  }
0x52: {  	_ =	shalt  }
0x53: {  	_ =	shalt  }
0x54: {  	_ =	shalt  }
0x55: {  	_ =	shalt  }
0x56: {  	_ =	shalt  }
0x57: {  	_ =	shalt  }
0x58: {  	_ =	shalt  }
0x59: {  	_ =	shalt  }
0x5a: {  	_ =	shalt  }
0x5b: {  	_ =	shalt  }
0x5c: {  	_ =	shalt  }
0x5d: {  	_ =	shalt  }
0x5e: {  	_ =	shalt  }
0x5f: {  	_ =	shalt  }
0x60: {  	_ =	shalt  }
0x61: {  	_ =	shalt  }
0x62: {  	_ =	shalt  }
0x63: {  	_ =	shalt  }
0x64: {  	_ =	shalt  }
0x65: {  	_ =	shalt  }
0x66: {  	_ =	shalt  }
0x67: {  	_ =	shalt  }
0x68: {  	_ =	shalt  }
0x69: {  	_ =	shalt  }
0x6a: {  	_ =	shalt  }
0x6b: {  	_ =	shalt  }
0x6c: {  	_ =	shalt  }
0x6d: {  	_ =	shalt  }
0x6e: {  	_ =	shalt  }
0x6f: {  	_ =	shalt  }
0x70: {  	_ =	shalt  }
0x71: {  	_ =	shalt  }
0x72: {  	_ =	shalt  }
0x73: {  	_ =	shalt  }
0x74: {  	_ =	shalt  }
0x75: {  	_ =	shalt  }
0x76: {  	_ =	shalt  }
0x77: {  	_ =	shalt  }
0x78: {  	_ =	shalt  }
0x79: {  	_ =	shalt  }
0x7a: {  	_ =	shalt  }
0x7b: {  	_ =	shalt  }
0x7c: {  	_ =	shalt  }
0x7d: {  	_ =	shalt  }
0x7e: {  	_ =	shalt  }
0x7f: {  	_ =	shalt  }
0x80: {  	_ =	shalt  }
0x81: {  	_ =	shalt  }
0x82: {  	_ =	shalt  }
0x83: {  	_ =	shalt  }
0x84: {  	_ =	shalt  }
0x85: {  	_ =	shalt  }
0x86: {  	_ =	shalt  }
0x87: {  	_ =	shalt  }
.Lfunc_end0:
.L_simem_size_0:
called_computation.2_lowered:
.L_overlay_start_0:
0x88: {  	s2 =	sld [smem:$0x3FD9]  }
0x89: {  	s3 =	sld [smem:$0x3FFE];
	_ =	sdelay $0x1  }
0x8a: {  	s1 =	srdreg.scid  }
0x8b: {  	s0 =	sand.u32 $0x1, s1  }
0x8c: {  	s16 =	sshll.u32 s0, $0xA;
	s2 =	sadd.s32 s3, s2  }
0x8d: {  	s2 =	sadd.s32 s2, s16  }
0x8e: {  	[smem:$0x3FC0] =	sst s2  }
0x8f: {  	_ = 	snop  }
0x90: {  	(tm) =	ssettm $0x1  }
0x91: {  	s17 =	sld [smem:$0x3FFB];
	_ =	sdelay $0x3  }
0x92: {  	_ =	strace s17  }
0x93: {  	s2 =	sld [smem:$0x3FFC];
	_ =	sdelay $0x3  }
0x94: {  	_ =	strace s2  }
0x95: {  	s2 =	sld [smem:$0x3FFD];
	_ =	sdelay $0x3  }
0x96: {  	_ =	strace s2  }
0x97: {  	_ =	strace $0x8FFFFFFF  }
0x98: {  	s18 =	sld [smem:$0x3FDB];
	_ =	sdelay $0x1  }
0x99: {  	s19 =	simm.s32 $_scs_section_size  }
0x9a: {  	s4 =	simm.s32 $_size__tile_overlayer_lowered;
	s5 =	simm.s32 $_tile_overlayer_lowered  }
0x9b: {  	s22 =	simm.s32 $0x1BFF;
	s21 =	sshll.u32 s5, $0x1;
	s2 =	sadd.s32 s19, s18  }
0x9c: {  	s6 =	simm.s32 $0x0;
	s20 =	sshll.u32 s4, $0x1;
	s4 =	sadd.s32 s21, s2  }
0x9d: {  	[timem:s6], [sflag:s22] =	dma.local [hbm:s4], s20  }
0x9e: {  	_ =	swait.ge [sflag:s22], s20  }
0x9f: {  	s3 =	ssub.s32 $0x0, s20;
	[sflag:s22] =	ssyncset.done $0x0  }
0xa0: {  	[sflag:s22] =	ssyncadd.s32 s3;
	_ =	sdelay $0x1  }
0xa1: {  	s23 =	simm.s32 $0x1B8B  }
0xa2: {  	_ =	swait.ge [sflag:s23], $0x1  }
0xa3: {  	[sflag:s23] =	ssyncset.done $0x0  }
0xa4: {  	s25 =	simm.s32 $0x1B8E;
	s24 =	sld [smem:$0x3FFE];
	[sflag:s23] =	ssyncadd.s32 $0xFFFFFFFF  }
0xa5: {  	s26 =	simm.s32 $execute0_lowered;
	[smem:$0x3FD2] =	sst s25  }
0xa6: {  	s4 =	sshll.u32 s26, $0x1;
	_ =	strace $0x8000004C;
	[dreg:$0x1] =	wrdreg $0xFFFFFFFF  }
0xa7: {  	s28 =	simm.s32 $_size_execute0_lowered;
	s2 =	sadd.s32 s2, s4;
	[dreg:$0x0] =	wrdreg $0x0  }
0xa8: {  	s4 =	sshll.u32 s28, $0x1;
	[dreg:$0x2] =	wrdreg s2  }
0xa9: {  	[dreg:$0x3] =	wrdreg s4  }
0xaa: {  	[dreg:$0x4] =	wrdreg $0xC0  }
0xab: {  	_ =	task [dreg:s6], $0x5FFFF  }
0xac: {  	[dreg:$0x1] =	wrdreg $0xFFFFFFFF  }
0xad: {  	[dreg:$0x0] =	wrdreg $0x60  }
0xae: {  	[dreg:$0x2] =	wrdreg s24  }
0xaf: {  	[dreg:$0x3] =	wrdreg $0x13D000  }
0xb0: {  	[dreg:$0x4] =	wrdreg $0x9  }
0xb1: {  	_ =	task.clear_ibuf [dreg:s6], $0x5FFFF;
	_ =	strace $0x9000004C  }
0xb2: {  	s29 =	simm.s32 $0x9;
	_ =	strace $0x8000004E  }
0xb3: {  	_ =	swait.ge [sflag:s29], $0x1  }
0xb4: {  	[sflag:s29] =	ssyncadd.s32 $0xFFFFFFFF  }
0xb5: {  	_ =	strace $0x9000004E  }
0xb6: {  	_ =	sfence  }
0xb7: {  	s30 =	sld [smem:$0x0];
	_ =	sdelay $0x2  }
0xb8: {  	s31 =	sshll.u32 s1, $0xD;
	s1 =	sshrl.u32 s1, $0x2  }
0xb9: {  	s3 =	sand.u32 $0x4000, s31;
	s1 =	sadd.s32 s1, s30  }
0xba: {  	s0 =	sor.u32 s3, s0;
	s1 =	sshll.u32 s1, $0x11  }
0xbb: {  	s0 =	sor.u32 s1, s0  }
0xbc: {  	s0 =	sadd.s32 $0x8F2B, s0  }
0xbd: {  	[sflag:s0] =	ssyncadd.remote.s32 $0x1  }
0xbe: {  	_ =	sfence.sel $0xFFFF  }
0xbf: {  	[dreg:$0x0] =	wrdreg $0xFFFFFFFF;
	(pc) =	sbr.abs _section_cstart, $3  }
0xc0: {  	[dreg:$0x1] =	wrdreg $0xFFFFFFFF  }
0xc1: {  	_ =	task.clear_ibuf [dreg:s6], $0x2FFFF;
	_ =	strace $0x9FFFFFFF  }
0xc2: {  	(tm) =	ssettm $0x7FFFFFFF  }
0xc3: {  	_ =	shalt  }
tec
execute0_lowered:
.L_overlay_start_1:
0x0: {  	(tag) =	ssettag $0x1  }
0x1: {  	s0 =	rddreg [dreg:$0x0]  }
0x2: {  	s1 =	rddreg [dreg:$0x1];
	s2 =	srdreg.scid  }
0x3: {  	s3 =	simm.s32 $0x0;
	s7 =	stileid.u32;
	s18 =	simm.s32 $0x11D00  }
0x4: {  	s19 =	simm.s32 $0x9;
	s20 =	simm.s32 $0x4E80;
	s21 =	simm.s32 $0x80  }
0x5: {  	s22 =	simm.s32 $0x9D00;
	s29 =	simm.s32 $0xFD00;
	s30 =	simm.s32 $0x2  }
0x6: {  	s31 =	simm.s32 $0x5;
	s28 =	simm.s32 $0x7;
	s5 =	smul.u32 $0x9D0, s7  }
0x7: {  	s2 =	sand.u32 $0x1, s2;
	[smem:$0x7FF] =	sst s3;
	s9 =	smul.u32 $0xA000, s7  }
0x8: {  	s4 =	smul.u32 $0x13880, s2;
	_ =	strace $0x8000004D;
	s6 =	ssub.s32 $0x2, s2  }
0x9: {  	s2 =	smul.u32 $0xA0000, s2;
	s11 =	sadd.s32 s5, s0;
	s23 =	sshrl.u32 s6, $0x1  }
0xa: {  	s13 =	sadd.s32 $0x2000, s9;
	s14 =	sadd.s32 $0x4000, s9;
	s15 =	sadd.s32 $0x6000, s9  }
0xb: {  	s16 =	sadd.s32 $0x8000, s9;
	s10 =	sadd.s32 s4, s0;
	s0 =	sadd.s32 $0x96800, s0  }
0xc: {  	s12 =	ssub.s32 s6, s23;
	s4 =	sadd.s32 s9, s1;
	s5 =	sadd.s32 s13, s1  }
0xd: {  	s6 =	sadd.s32 s14, s1;
	s7 =	sadd.s32 s15, s1;
	s8 =	sadd.s32 s16, s1  }
0xe: {  	s17 =	sadd.s32 $0xB800, s11;
	s9 =	sadd.s32 s9, s2;
	s13 =	sadd.s32 s2, s13  }
0xf: {  	s11 =	sadd.s32 $0x1A00, s11;
	s25 =	sadd.s32 s2, s14;
	s26 =	sadd.s32 s2, s15  }
0x10: {  	s2 =	sadd.s32 s2, s16;
	s23 =	simm.s32 $0xBD00;
	[dreg:$0x3] =	wrdreg s17  }
0x11: {  	[dreg:$0x4] =	wrdreg s11;
	s9 =	sshrl.u32 s9, $0x3;
	s13 =	sshrl.u32 s13, $0x3  }
0x12: {  	s11 =	sadd.s32 $0x6F600, s10;
	s10 =	sshrl.u32 s26, $0x3;
	s2 =	sshrl.u32 s2, $0x3  }
0x13: {  	s17 =	smax.u32 s12, $0x1;
	s26 =	simm.s32 $0x1;
	s9 =	sadd.s32 s0, s9  }
0x14: {  	s24 =	sadd.s32 s0, s13;
	s15 =	sadd.s32 s0, s10;
	[dreg:$0x5] =	wrdreg s9  }
0x15: {  	s16 =	sadd.s32 s0, s2;
	s2 =	simm.s32 $0x6;
	[dreg:$0x6] =	wrdreg s24  }
0x16: {  	s9 =	sshrl.u32 s25, $0x3;
	s25 =	simm.s32 $0xDD00;
	s24 =	simm.s32 $0x4  }
0x17: {  	v0 =	vimm.f32 $0.0e+00;
	s14 =	sadd.s32 s0, s9;
	s0 =	simm.s32 $0x3;
	s9 =	simm.s32 $0x8  }
.LBB2_1:
0x18: {  	s12 =	simm.s32 $0x100;
	s10 =	simm.s32 $0x0  }
.LBB2_2:
0x19: {  	p0 =	sne.s32 s12, $0x7F00;
	[tilespmem:s10+$0x11D30] =	vst v0;
	s13 =	smov.u32 s12;
	s12 =	sadd.s32 $0x100, s12  }
.Ltmp0:
0x1a: {  	[tilespmem:s10+$0x11D20] =	vst v0;
	(pc) =	sbr.rel @p0 .LBB2_2-.Ltmp0, $3  }
0x1b: {  	[tilespmem:s10+$0x11D00] =	vst v0  }
0x1c: {  	[tilespmem:s10+$0x11D10] =	vst v0;
	_ =	sdelay $0x1  }
0x1d: {  	s10 =	sshra.s32 s13, $0x2  }
0x1e: {  	[tilespmem:s10+$0x11D30] =	vst v0  }
0x1f: {  	[tilespmem:s10+$0x11D20] =	vst v0  }
0x20: {  	[tilespmem:s10+$0x11D00] =	vst v0  }
0x21: {  	[tilespmem:s10+$0x11D10] =	vst v0  }
0x22: {  	[spmem:s4] =	stream.linear.scatter [tilespmem:s18], [sflag:$0x9], $0x2000, $0x38;
	[tilespmem:$0x1DD00] =	vst v63  }
0x23: {  	_ =	swait.ge [sflag:s19], $0x2000  }
0x24: {  	[sflag:s19] =	ssyncset.done $0x0  }
0x25: {  	[sflag:s19] =	ssyncadd.s32 $0xFFFFE000  }
0x26: {  	[spmem:s5] =	stream.linear.scatter [tilespmem:s18], [sflag:$0x9], $0x2000, $0x38;
	[tilespmem:$0x1DD00] =	vst v63  }
0x27: {  	_ =	swait.ge [sflag:s19], $0x2000  }
0x28: {  	[sflag:s19] =	ssyncset.done $0x0  }
0x29: {  	[sflag:s19] =	ssyncadd.s32 $0xFFFFE000  }
0x2a: {  	[spmem:s6] =	stream.linear.scatter [tilespmem:s18], [sflag:$0x9], $0x2000, $0x38;
	[tilespmem:$0x1DD00] =	vst v63  }
0x2b: {  	_ =	swait.ge [sflag:s19], $0x2000  }
0x2c: {  	[sflag:s19] =	ssyncset.done $0x0  }
0x2d: {  	[sflag:s19] =	ssyncadd.s32 $0xFFFFE000  }
0x2e: {  	[spmem:s7] =	stream.linear.scatter [tilespmem:s18], [sflag:$0x9], $0x2000, $0x38;
	[tilespmem:$0x1DD00] =	vst v63  }
0x2f: {  	_ =	swait.ge [sflag:s19], $0x2000  }
0x30: {  	[sflag:s19] =	ssyncset.done $0x0  }
0x31: {  	[sflag:s19] =	ssyncadd.s32 $0xFFFFE000  }
0x32: {  	[spmem:s8] =	stream.linear.scatter [tilespmem:s18], [sflag:$0x9], $0x2000, $0x38;
	[tilespmem:$0x1DD00] =	vst v63  }
0x33: {  	_ =	swait.ge [sflag:s19], $0x2000  }
0x34: {  	[sflag:s19] =	ssyncset.done $0x0  }
0x35: {  	s10 =	simm.s32 $0x0;
	s12 =	rddreg [dreg:$0x3];
	[sflag:s19] =	ssyncadd.s32 $0xFFFFE000  }
0x36: {  	[tilespmem:s10], [sflag:$0x9] =	stream.linear.gather [hbm4b:s12+s10], $0x4E80, $0x38;
	[tilespmem:$0x1DD00] =	vst v63  }
0x37: {  	_ =	swait.ge [sflag:s19], $0x4E80  }
0x38: {  	[sflag:s19] =	ssyncset.done $0x0  }
0x39: {  	s13 =	rddreg [dreg:$0x4];
	[sflag:s19] =	ssyncadd.s32 $0xFFFFB180  }
0x3a: {  	[tilespmem:s20], [sflag:$0x9] =	stream.linear.gather [hbm4b:s13+s10], $0x4E80, $0x38;
	[tilespmem:$0x1DD00] =	vst v63  }
0x3b: {  	_ =	swait.ge [sflag:s19], $0x4E80  }
0x3c: {  	[sflag:s19] =	ssyncset.done $0x0  }
0x3d: {  	[sflag:s19] =	ssyncadd.s32 $0xFFFFB180  }
0x3e: {  	[bflag:$0x0] =	sbarrier.arrive $0xFFFF  }
0x3f: {  	[tilespmem:s22], [sflag:$0x1] =	stream.indirect.gather [hbm4b:s11+s21], $0x40, s10, s21, $0xb8;
	[tilespmem:$0x1DD00] =	vst v63  }
0x40: {  	_ = 	snop  }
0x41: {  	[tilespmem:s23], [sflag:$0x2] =	stream.indirect.gather [hbm4b:s11+s21], $0x40, s21, s21, $0xb8;
	[tilespmem:$0x1DD00] =	vst v63  }
0x42: {  	s13 =	simm.s32 $0x100  }
0x43: {  	[tilespmem:s25], [sflag:$0x3] =	stream.indirect.gather [hbm4b:s11+s21], $0x40, s13, s21, $0xb8;
	[tilespmem:$0x1DD00] =	vst v63  }
0x44: {  	_ =	swait.ge [sflag:s26], $0x2000  }
0x45: {  	[sflag:s26] =	ssyncset.done $0x0  }
0x46: {  	[sflag:s26] =	ssyncadd.s32 $0xFFFFE000  }
0x47: {  	[spmem:s1] =	stream.indirect.scatter.add.f32 [tilespmem:s22], [sflag:$0x5], $0x40, s20, s21, $0xb8;
	[tilespmem:$0x1DD00] =	vst v63  }
0x48: {  	s12 =	simm.s32 $0x180  }
0x49: {  	[tilespmem:s29], [sflag:$0x4] =	stream.indirect.gather [hbm4b:s11+s21], $0x40, s12, s21, $0xb8;
	[tilespmem:$0x1DD00] =	vst v63  }
0x4a: {  	_ =	swait.ge [sflag:s30], $0x2000  }
0x4b: {  	[sflag:s30] =	ssyncset.done $0x0  }
0x4c: {  	s13 =	simm.s32 $0x4F00;
	[sflag:s30] =	ssyncadd.s32 $0xFFFFE000  }
0x4d: {  	[spmem:s1] =	stream.indirect.scatter.add.f32 [tilespmem:s23], [sflag:$0x6], $0x40, s13, s21, $0xb8;
	[tilespmem:$0x1DD00] =	vst v63  }
0x4e: {  	_ =	swait.ge [sflag:s31], $0x2000  }
0x4f: {  	[sflag:s31] =	ssyncset.done $0x0  }
0x50: {  	s12 =	simm.s32 $0x200;
	[sflag:s31] =	ssyncadd.s32 $0xFFFFE000  }
0x51: {  	[tilespmem:s22], [sflag:$0x1] =	stream.indirect.gather [hbm4b:s11+s21], $0x40, s12, s21, $0xb8;
	[tilespmem:$0x1DD00] =	vst v63  }
0x52: {  	_ =	swait.ge [sflag:s0], $0x2000  }
0x53: {  	[sflag:s0] =	ssyncset.done $0x0  }
0x54: {  	s13 =	simm.s32 $0x4F80;
	[sflag:s0] =	ssyncadd.s32 $0xFFFFE000  }
0x55: {  	[spmem:s1] =	stream.indirect.scatter.add.f32 [tilespmem:s25], [sflag:$0x7], $0x40, s13, s21, $0xb8;
	[tilespmem:$0x1DD00] =	vst v63  }
0x56: {  	_ =	swait.ge [sflag:s2], $0x2000  }
0x57: {  	[sflag:s2] =	ssyncset.done $0x0  }
0x58: {  	s12 =	simm.s32 $0x280;
	[sflag:s2] =	ssyncadd.s32 $0xFFFFE000  }
0x59: {  	[tilespmem:s23], [sflag:$0x2] =	stream.indirect.gather [hbm4b:s11+s21], $0x40, s12, s21, $0xb8;
	[tilespmem:$0x1DD00] =	vst v63  }
0x5a: {  	_ =	swait.ge [sflag:s24], $0x2000  }
0x5b: {  	[sflag:s24] =	ssyncset.done $0x0  }
0x5c: {  	s13 =	simm.s32 $0x5000;
	[sflag:s24] =	ssyncadd.s32 $0xFFFFE000  }
0x5d: {  	[spmem:s1] =	stream.indirect.scatter.add.f32 [tilespmem:s29], [sflag:$0x8], $0x40, s13, s21, $0xb8;
	[tilespmem:$0x1DD00] =	vst v63  }
0x5e: {  	_ =	swait.ge [sflag:s28], $0x2000  }
0x5f: {  	[sflag:s28] =	ssyncset.done $0x0  }
0x60: {  	s12 =	simm.s32 $0x300;
	[sflag:s28] =	ssyncadd.s32 $0xFFFFE000  }
0x61: {  	[tilespmem:s25], [sflag:$0x3] =	stream.indirect.gather [hbm4b:s11+s21], $0x40, s12, s21, $0xb8;
	[tilespmem:$0x1DD00] =	vst v63  }
0x62: {  	_ =	swait.ge [sflag:s26], $0x2000  }
0x63: {  	[sflag:s26] =	ssyncset.done $0x0  }
0x64: {  	s13 =	simm.s32 $0x5080;
	[sflag:s26] =	ssyncadd.s32 $0xFFFFE000  }
0x65: {  	[spmem:s1] =	stream.indirect.scatter.add.f32 [tilespmem:s22], [sflag:$0x5], $0x40, s13, s21, $0xb8;
	[tilespmem:$0x1DD00] =	vst v63  }
0x66: {  	_ =	swait.ge [sflag:s9], $0x2000  }
0x67: {  	[sflag:s9] =	ssyncset.done $0x0  }
0x68: {  	s10 =	simm.s32 $0x800;
	s12 =	simm.s32 $0x380;
	[sflag:s9] =	ssyncadd.s32 $0xFFFFE000  }
.LBB2_4:
0x69: {  	[tilespmem:s29], [sflag:$0x4] =	stream.indirect.gather [hbm4b:s11+s21], $0x40, s12, s21, $0xb8;
	[tilespmem:$0x1DD00] =	vst v63  }
0x6a: {  	s12 =	smov.u32 s10  }
0x6b: {  	p0 =	sne.s32 s10, $0x12800;
	s10 =	sadd.s32 $0x800, s10;
	_ =	swait.ge [sflag:s30], $0x2000  }
0x6c: {  	s12 =	sshra.s32 s12, $0x2;
	[sflag:s30] =	ssyncset.done $0x0  }
0x6d: {  	s13 =	sadd.s32 $0x4F00, s12;
	[sflag:s30] =	ssyncadd.s32 $0xFFFFE000  }
0x6e: {  	[spmem:s1] =	stream.indirect.scatter.add.f32 [tilespmem:s23], [sflag:$0x6], $0x40, s13, s21, $0xb8;
	[tilespmem:$0x1DD00] =	vst v63  }
0x6f: {  	_ =	swait.ge [sflag:s31], $0x2000  }
0x70: {  	[sflag:s31] =	ssyncset.done $0x0  }
0x71: {  	s13 =	sadd.s32 $0x200, s12;
	[sflag:s31] =	ssyncadd.s32 $0xFFFFE000  }
0x72: {  	[tilespmem:s22], [sflag:$0x1] =	stream.indirect.gather [hbm4b:s11+s21], $0x40, s13, s21, $0xb8;
	[tilespmem:$0x1DD00] =	vst v63  }
0x73: {  	_ =	swait.ge [sflag:s0], $0x2000  }
0x74: {  	[sflag:s0] =	ssyncset.done $0x0  }
0x75: {  	s13 =	sadd.s32 $0x4F80, s12;
	[sflag:s0] =	ssyncadd.s32 $0xFFFFE000  }
0x76: {  	[spmem:s1] =	stream.indirect.scatter.add.f32 [tilespmem:s25], [sflag:$0x7], $0x40, s13, s21, $0xb8;
	[tilespmem:$0x1DD00] =	vst v63  }
0x77: {  	_ =	swait.ge [sflag:s2], $0x2000  }
0x78: {  	[sflag:s2] =	ssyncset.done $0x0  }
0x79: {  	s13 =	sadd.s32 $0x280, s12;
	[sflag:s2] =	ssyncadd.s32 $0xFFFFE000  }
0x7a: {  	[tilespmem:s23], [sflag:$0x2] =	stream.indirect.gather [hbm4b:s11+s21], $0x40, s13, s21, $0xb8;
	[tilespmem:$0x1DD00] =	vst v63  }
0x7b: {  	_ =	swait.ge [sflag:s24], $0x2000  }
0x7c: {  	[sflag:s24] =	ssyncset.done $0x0  }
0x7d: {  	s13 =	sadd.s32 $0x5000, s12;
	[sflag:s24] =	ssyncadd.s32 $0xFFFFE000  }
0x7e: {  	[spmem:s1] =	stream.indirect.scatter.add.f32 [tilespmem:s29], [sflag:$0x8], $0x40, s13, s21, $0xb8;
	[tilespmem:$0x1DD00] =	vst v63  }
0x7f: {  	_ =	swait.ge [sflag:s28], $0x2000  }
0x80: {  	[sflag:s28] =	ssyncset.done $0x0  }
0x81: {  	s13 =	sadd.s32 $0x300, s12;
	[sflag:s28] =	ssyncadd.s32 $0xFFFFE000  }
0x82: {  	[tilespmem:s25], [sflag:$0x3] =	stream.indirect.gather [hbm4b:s11+s21], $0x40, s13, s21, $0xb8;
	[tilespmem:$0x1DD00] =	vst v63  }
0x83: {  	_ =	swait.ge [sflag:s26], $0x2000  }
0x84: {  	[sflag:s26] =	ssyncset.done $0x0  }
.Ltmp1:
0x85: {  	s13 =	sadd.s32 $0x5080, s12;
	[sflag:s26] =	ssyncadd.s32 $0xFFFFE000;
	(pc) =	sbr.rel @p0 .LBB2_4-.Ltmp1, $4  }
0x86: {  	[spmem:s1] =	stream.indirect.scatter.add.f32 [tilespmem:s22], [sflag:$0x5], $0x40, s13, s21, $0xb8;
	[tilespmem:$0x1DD00] =	vst v63  }
0x87: {  	_ =	swait.ge [sflag:s9], $0x2000  }
0x88: {  	[sflag:s9] =	ssyncset.done $0x0  }
0x89: {  	s12 =	sadd.s32 $0x380, s12;
	[sflag:s9] =	ssyncadd.s32 $0xFFFFE000  }
0x8a: {  	[tilespmem:s29], [sflag:$0x4] =	stream.indirect.gather [hbm4b:s11+s21], $0x40, s12, s21, $0xb8;
	[tilespmem:$0x1DD00] =	vst v63  }
0x8b: {  	_ =	swait.ge [sflag:s30], $0x2000  }
0x8c: {  	[sflag:s30] =	ssyncset.done $0x0  }
0x8d: {  	s10 =	simm.s32 $0x9B00;
	[sflag:s30] =	ssyncadd.s32 $0xFFFFE000  }
0x8e: {  	[spmem:s1] =	stream.indirect.scatter.add.f32 [tilespmem:s23], [sflag:$0x6], $0x40, s10, s21, $0xb8;
	[tilespmem:$0x1DD00] =	vst v63  }
0x8f: {  	_ =	swait.ge [sflag:s31], $0x2000  }
0x90: {  	[sflag:s31] =	ssyncset.done $0x0  }
0x91: {  	s12 =	simm.s32 $0x4E00;
	[sflag:s31] =	ssyncadd.s32 $0xFFFFE000  }
0x92: {  	[tilespmem:s22], [sflag:$0x1] =	stream.indirect.gather [hbm4b:s11+s21], $0x40, s12, s21, $0xb8;
	[tilespmem:$0x1DD00] =	vst v63  }
0x93: {  	_ =	swait.ge [sflag:s0], $0x2000  }
0x94: {  	[sflag:s0] =	ssyncset.done $0x0  }
0x95: {  	s13 =	simm.s32 $0x9B80;
	[sflag:s0] =	ssyncadd.s32 $0xFFFFE000  }
0x96: {  	[spmem:s1] =	stream.indirect.scatter.add.f32 [tilespmem:s25], [sflag:$0x7], $0x40, s13, s21, $0xb8;
	[tilespmem:$0x1DD00] =	vst v63  }
0x97: {  	_ =	swait.ge [sflag:s24], $0x2000  }
0x98: {  	[sflag:s24] =	ssyncset.done $0x0  }
0x99: {  	s12 =	simm.s32 $0x9C00;
	[sflag:s24] =	ssyncadd.s32 $0xFFFFE000  }
0x9a: {  	[spmem:s1] =	stream.indirect.scatter.add.f32 [tilespmem:s29], [sflag:$0x8], $0x40, s12, s21, $0xb8;
	[tilespmem:$0x1DD00] =	vst v63  }
0x9b: {  	_ =	swait.ge [sflag:s26], $0x2000  }
0x9c: {  	[sflag:s26] =	ssyncset.done $0x0  }
0x9d: {  	s13 =	simm.s32 $0x9C80;
	[sflag:s26] =	ssyncadd.s32 $0xFFFFE000  }
0x9e: {  	[spmem:s1] =	stream.indirect.scatter.add.f32 [tilespmem:s22], [sflag:$0x5], $0x40, s13, s21, $0xb8;
	[tilespmem:$0x1DD00] =	vst v63  }
0x9f: {  	_ =	swait.ge [sflag:s31], $0x2000  }
0xa0: {  	[sflag:s31] =	ssyncset.done $0x0  }
0xa1: {  	[sflag:s31] =	ssyncadd.s32 $0xFFFFE000  }
0xa2: {  	_ =	swait.ge [sflag:s2], $0x2000  }
0xa3: {  	[sflag:s2] =	ssyncset.done $0x0  }
0xa4: {  	[sflag:s2] =	ssyncadd.s32 $0xFFFFE000  }
0xa5: {  	_ =	swait.ge [sflag:s28], $0x2000  }
0xa6: {  	[sflag:s28] =	ssyncset.done $0x0  }
0xa7: {  	[sflag:s28] =	ssyncadd.s32 $0xFFFFE000  }
0xa8: {  	_ =	swait.ge [sflag:s9], $0x2000  }
0xa9: {  	[sflag:s9] =	ssyncset.done $0x0  }
0xaa: {  	s12 =	stileid.u32;
	[sflag:s9] =	ssyncadd.s32 $0xFFFFE000  }
0xab: {  	s10 =	sshll.u32 s12, $0x6;
	[bflag:$0x0] =	sbarrier.arrive $0xFFFF  }
0xac: {  	s12 =	sshrl.u32 s4, $0x3;
	s10 =	sor.u32 $0x1C09, s10;
	s13 =	rddreg [dreg:$0x5]  }
0xad: {  	[hbm:s13], [sflag:s10] =	dma.local [spmem:s12], $0x400  }
0xae: {  	_ =	swait.ge [sflag:s19], $0x400  }
0xaf: {  	[sflag:s19] =	ssyncset.done $0x0  }
0xb0: {  	s12 =	sshrl.u32 s5, $0x3;
	s13 =	rddreg [dreg:$0x6];
	[sflag:s19] =	ssyncadd.s32 $0xFFFFFC00  }
0xb1: {  	[hbm:s13], [sflag:s10] =	dma.local [spmem:s12], $0x400  }
0xb2: {  	_ =	swait.ge [sflag:s19], $0x400  }
0xb3: {  	[sflag:s19] =	ssyncset.done $0x0  }
0xb4: {  	s13 =	sshrl.u32 s6, $0x3;
	[sflag:s19] =	ssyncadd.s32 $0xFFFFFC00  }
0xb5: {  	[hbm:s14], [sflag:s10] =	dma.local [spmem:s13], $0x400  }
0xb6: {  	_ =	swait.ge [sflag:s19], $0x400  }
0xb7: {  	[sflag:s19] =	ssyncset.done $0x0  }
0xb8: {  	s13 =	sshrl.u32 s7, $0x3;
	[sflag:s19] =	ssyncadd.s32 $0xFFFFFC00  }
0xb9: {  	[hbm:s15], [sflag:s10] =	dma.local [spmem:s13], $0x400  }
0xba: {  	s3 =	sadd.s32 $0x1, s3;
	_ =	swait.ge [sflag:s19], $0x400  }
0xbb: {  	p0 =	sne.s32 s3, s17;
	[sflag:s19] =	ssyncset.done $0x0  }
.Ltmp2:
0xbc: {  	s13 =	sshrl.u32 s8, $0x3;
	[sflag:s19] =	ssyncadd.s32 $0xFFFFFC00;
	(pc) =	sbr.rel @p0 .LBB2_1-.Ltmp2, $4  }
0xbd: {  	[hbm:s16], [sflag:s10] =	dma.local [spmem:s13], $0x400  }
0xbe: {  	_ =	swait.ge [sflag:s19], $0x400  }
0xbf: {  	[sflag:s19] =	ssyncset.done $0x0  }
0xc0: {  	[sflag:s19] =	ssyncadd.s32 $0xFFFFFC00  }
0xc1: {  	_ =	sfence.sel $0x180000  }
0xc2: {  	[bflag:$0x0] =	sbarrier.arrive $0xFFFF  }
0xc3: {  	_ =	strace $0x9000004D  }
0xc4: {  	s0 =	stileid.u32;
	[bflag:$0x2] =	sbarrier.arrive $0xFFFF  }
0xc5: {  	p0 =	sne.s32 s0, $0x0;
	s0 =	rddreg [dreg:$0x2]  }
0xc6: {  	s0 =	sadd.s32 @!p0 $0x100000, s0  }
0xc7: {  	[sflag:s0] =	ssyncadd.tile.s32 @!p0 $0x1;
	_ =	shalt  }
.Lfunc_end2:
_tile_overlayer_lowered:
.L_overlay_start_2:
0xc8: {  	(tag) =	ssettag $0x2  }
0xc9: {  	s0 =	rddreg [dreg:$0x0];
	s2 =	stileid.u32  }
0xca: {  	s1 =	rddreg [dreg:$0x1];
	p0 =	sne.s32 s2, $0x0  }
0xcb: {  	s3 =	rddreg [dreg:$0x2];
	[bflag:$0x3] =	sbarrier.arrive $0xFFFF;
	s2 =	simm.s32 @!p0 $0x1C09  }
0xcc: {  	[timem:s3], [sflag:s2] =	dma.local @!p0 [hbm:s0], s1  }
0xcd: {  	s0 =	simm.s32 @!p0 $0x9  }
0xce: {  	_ =	swait.ge @!p0 [sflag:s0], s1  }
0xcf: {  	s1 =	ssub.s32 @!p0 $0x0, s1;
	[sflag:s0] =	ssyncset.done @!p0 $0x0  }
0xd0: {  	[sflag:s0] =	ssyncadd.s32 @!p0 s1  }
0xd1: {  	[bflag:$0x3] =	sbarrier.arrive $0xFFFF  }
0xd2: {  	_ =	shalt  }

// kernel: kernel.8.cloned.1.call-start
scs
__scs_entry_jumppad:
0x0: {  	(pc) =	sbr.rel $0x88, $3  }
0x1: {  	(tag) =	ssettag $0x0;
	lr =	simm.s32 $0x1  }
0x2: {  	[smem:$0x3F99] =	sst lr;
	_ =	strace $0xD0000000  }
0x3: {  	_ = 	snop  }
0x4: {  	_ = 	snop  }
0x5: {  	_ = 	snop  }
0x6: {  	_ = 	snop  }
0x7: {  	_ = 	snop  }
__scs_overlays_trampoline_lowered:
0x8: {  	[smem:$0x3FA8] =	sst s0  }
0x9: {  	[smem:$0x3FA9] =	sst s1  }
0xa: {  	[smem:$0x3FAA] =	sst s2  }
0xb: {  	[smem:$0x3FAB] =	sst s3  }
0xc: {  	[smem:$0x3FAC] =	sst s4  }
0xd: {  	[smem:$0x3FAD] =	sst s5  }
0xe: {  	[smem:$0x3FAE] =	sst s6  }
0xf: {  	[smem:$0x3FAF] =	sst s7  }
0x10: {  	[smem:$0x3FB0] =	sst s8  }
0x11: {  	[smem:$0x3FB1] =	sst s9;
	s0 =	simm.s32 @!p0 $0x0  }
0x12: {  	s1 =	sld [smem:$0x3F97];
	s0 =	simm.s32 @p0 $0x1  }
0x13: {  	[smem:$0x3FB2] =	sst s0;
	s0 =	simm.s32 @!p1 $0x0  }
0x14: {  	s2 =	sld [smem:$0x3F96];
	s0 =	simm.s32 @p1 $0x1  }
0x15: {  	[smem:$0x3FB3] =	sst s0;
	s0 =	simm.s32 @!p2 $0x0  }
0x16: {  	s3 =	sld [smem:$0x3FDB];
	s0 =	simm.s32 @p2 $0x1  }
0x17: {  	s4 =	simm.s32 $0x1BF5;
	[smem:$0x3FB5] =	sst s0  }
0x18: {  	s0 =	sld [smem:$0x3F98];
	_ =	swait.ge [sflag:s4], $0x0  }
0x19: {  	s7 =	sld [smem:$0x3F99]  }
0x1a: {  	s8 =	sadd.s32 $0xFFFFE003, lr  }
0x1b: {  	s9 =	sadd.s32 $0xFFFFFEF7, lr;
	s5 =	simm.s32 $0xFFFFFFFF;
	p2 =	slt.u32 s8, $0xFFFFF086  }
0x1c: {  	p1 =	slt.u32 s9, $0xF7A;
	s5 =	simm.s32 @!p2 $0x0  }
0x1d: {  	s5 =	simm.s32 @p1 $0x1;
	p0 =	seq.s32 s7, s2  }
0x1e: {  	s7 =	smul.u32 @!p0 $0xF7A, s2;
	p2 =	seq.s32 @!p0 s5, $0x0  }
0x1f: {  	s9 =	smul.u32 $0xF7A, s1;
	s8 =	simm.s32 @!p0 $0x1BF5;
	p2 =	por !p2, p0  }
0x20: {  	[sflag:s8] =	ssyncset.s32 @!p0 $0xFFFFF086;
	s6 =	sadd.s32 @!p0 s3, s7;
	s7 =	simm.s32 @!p0 $0x108  }
0x21: {  	s3 =	sadd.s32 s3, s9;
	s6 =	sadd.s32 @!p0 $0x88, s6;
	s7 =	simm.s32 @p2 $0x1082  }
0x22: {  	[simem:s7], [sflag:s8] =	dma.local @!p0 [hbm:s6], $0xF7A  }
0x23: {  	s9 =	sor.u32 $0xD0000000, s2;
	s6 =	simm.s32 $0x108;
	_ =	swait.ge @!p0 [sflag:s8], $0x0  }
0x24: {  	s3 =	sadd.s32 $0x88, s3;
	s6 =	simm.s32 @!p1 $0x1082;
	[sflag:s4] =	ssyncset.s32 $0xFFFFF086  }
0x25: {  	[simem:s6], [sflag:s4] =	dma.local [hbm:s3], $0xF7A  }
0x26: {  	[smem:$0x3F99] =	sst s1;
	(tag) =	ssettag s2;
	_ =	strace s9  }
0x27: {  	s1 =	sld [smem:$0x3FA9]  }
0x28: {  	s2 =	sld [smem:$0x3FAA]  }
0x29: {  	s4 =	sld [smem:$0x3FAC]  }
0x2a: {  	p0 =	seq.s32 s5, $0x0;
	s5 =	sld [smem:$0x3FAD]  }
0x2b: {  	s6 =	sld [smem:$0x3FAE]  }
0x2c: {  	s7 =	sld [smem:$0x3FAF]  }
0x2d: {  	s3 =	simm.s32 $0x108;
	s8 =	sld [smem:$0x3FB0]  }
0x2e: {  	s3 =	simm.s32 @!p0 $0x1082;
	s9 =	sld [smem:$0x3FB1]  }
0x2f: {  	lr =	sadd.s32 s0, s3;
	s0 =	sld [smem:$0x3FA8]  }
0x30: {  	s3 =	sld [smem:$0x3FAB]  }
0x31: {  	[smem:$0x3FB4] =	sst s10  }
0x32: {  	s10 =	sld [smem:$0x3FB2];
	_ =	sdelay $0x3  }
0x33: {  	p0 =	seq.s32 s10, $0x1;
	s10 =	sld [smem:$0x3FB4];
	_ =	sdelay $0x3  }
0x34: {  	[smem:$0x3FB4] =	sst s10  }
0x35: {  	s10 =	sld [smem:$0x3FB3];
	_ =	sdelay $0x3  }
0x36: {  	p1 =	seq.s32 s10, $0x1;
	s10 =	sld [smem:$0x3FB4];
	_ =	sdelay $0x3  }
0x37: {  	[smem:$0x3FB4] =	sst s10  }
0x38: {  	s10 =	sld [smem:$0x3FB5]  }
0x39: {  	_ = 	snop;
	(pc) =	sbr.ind lr, $3  }
0x3a: {  	_ = 	snop  }
0x3b: {  	_ = 	snop  }
0x3c: {  	p2 =	seq.s32 s10, $0x1;
	s10 =	sld [smem:$0x3FB4]  }
0x3d: {  	_ =	shalt  }
0x3e: {  	_ =	shalt  }
0x3f: {  	_ =	shalt  }
0x40: {  	_ =	shalt  }
0x41: {  	_ =	shalt  }
0x42: {  	_ =	shalt  }
0x43: {  	_ =	shalt  }
0x44: {  	_ =	shalt  }
0x45: {  	_ =	shalt  }
0x46: {  	_ =	shalt  }
0x47: {  	_ =	shalt  }
0x48: {  	_ =	shalt  }
0x49: {  	_ =	shalt  }
0x4a: {  	_ =	shalt  }
0x4b: {  	_ =	shalt  }
0x4c: {  	_ =	shalt  }
0x4d: {  	_ =	shalt  }
0x4e: {  	_ =	shalt  }
0x4f: {  	_ =	shalt  }
0x50: {  	_ =	shalt  }
0x51: {  	_ =	shalt  }
0x52: {  	_ =	shalt  }
0x53: {  	_ =	shalt  }
0x54: {  	_ =	shalt  }
0x55: {  	_ =	shalt  }
0x56: {  	_ =	shalt  }
0x57: {  	_ =	shalt  }
0x58: {  	_ =	shalt  }
0x59: {  	_ =	shalt  }
0x5a: {  	_ =	shalt  }
0x5b: {  	_ =	shalt  }
0x5c: {  	_ =	shalt  }
0x5d: {  	_ =	shalt  }
0x5e: {  	_ =	shalt  }
0x5f: {  	_ =	shalt  }
0x60: {  	_ =	shalt  }
0x61: {  	_ =	shalt  }
0x62: {  	_ =	shalt  }
0x63: {  	_ =	shalt  }
0x64: {  	_ =	shalt  }
0x65: {  	_ =	shalt  }
0x66: {  	_ =	shalt  }
0x67: {  	_ =	shalt  }
0x68: {  	_ =	shalt  }
0x69: {  	_ =	shalt  }
0x6a: {  	_ =	shalt  }
0x6b: {  	_ =	shalt  }
0x6c: {  	_ =	shalt  }
0x6d: {  	_ =	shalt  }
0x6e: {  	_ =	shalt  }
0x6f: {  	_ =	shalt  }
0x70: {  	_ =	shalt  }
0x71: {  	_ =	shalt  }
0x72: {  	_ =	shalt  }
0x73: {  	_ =	shalt  }
0x74: {  	_ =	shalt  }
0x75: {  	_ =	shalt  }
0x76: {  	_ =	shalt  }
0x77: {  	_ =	shalt  }
0x78: {  	_ =	shalt  }
0x79: {  	_ =	shalt  }
0x7a: {  	_ =	shalt  }
0x7b: {  	_ =	shalt  }
0x7c: {  	_ =	shalt  }
0x7d: {  	_ =	shalt  }
0x7e: {  	_ =	shalt  }
0x7f: {  	_ =	shalt  }
0x80: {  	_ =	shalt  }
0x81: {  	_ =	shalt  }
0x82: {  	_ =	shalt  }
0x83: {  	_ =	shalt  }
0x84: {  	_ =	shalt  }
0x85: {  	_ =	shalt  }
0x86: {  	_ =	shalt  }
0x87: {  	_ =	shalt  }
.Lfunc_end0:
.L_simem_size_0:
called_computation_lowered:
.L_overlay_start_0:
0x88: {  	s2 =	sld [smem:$0x3FD9]  }
0x89: {  	s3 =	sld [smem:$0x3FFE];
	_ =	sdelay $0x1  }
0x8a: {  	s1 =	srdreg.scid  }
0x8b: {  	s0 =	sand.u32 $0x1, s1  }
0x8c: {  	s16 =	sshll.u32 s0, $0xA;
	s2 =	sadd.s32 s3, s2  }
0x8d: {  	s2 =	sadd.s32 s2, s16  }
0x8e: {  	[smem:$0x3FC0] =	sst s2  }
0x8f: {  	_ = 	snop  }
0x90: {  	(tm) =	ssettm $0x1  }
0x91: {  	s17 =	sld [smem:$0x3FFB];
	_ =	sdelay $0x3  }
0x92: {  	_ =	strace s17  }
0x93: {  	s2 =	sld [smem:$0x3FFC];
	_ =	sdelay $0x3  }
0x94: {  	_ =	strace s2  }
0x95: {  	s2 =	sld [smem:$0x3FFD];
	_ =	sdelay $0x3  }
0x96: {  	_ =	strace s2  }
0x97: {  	_ =	strace $0x8FFFFFFF  }
0x98: {  	s18 =	sld [smem:$0x3FDB];
	_ =	sdelay $0x1  }
0x99: {  	s19 =	simm.s32 $_scs_section_size  }
0x9a: {  	s4 =	simm.s32 $_size__tile_overlayer_lowered;
	s5 =	simm.s32 $_tile_overlayer_lowered  }
0x9b: {  	s22 =	simm.s32 $0x1BFF;
	s21 =	sshll.u32 s5, $0x1;
	s2 =	sadd.s32 s19, s18  }
0x9c: {  	s6 =	simm.s32 $0x0;
	s20 =	sshll.u32 s4, $0x1;
	s4 =	sadd.s32 s21, s2  }
0x9d: {  	[timem:s6], [sflag:s22] =	dma.local [hbm:s4], s20  }
0x9e: {  	_ =	swait.ge [sflag:s22], s20  }
0x9f: {  	s3 =	ssub.s32 $0x0, s20;
	[sflag:s22] =	ssyncset.done $0x0  }
0xa0: {  	[sflag:s22] =	ssyncadd.s32 s3;
	_ =	sdelay $0x1  }
0xa1: {  	s23 =	simm.s32 $0x1B8B  }
0xa2: {  	_ =	swait.ge [sflag:s23], $0x1  }
0xa3: {  	[sflag:s23] =	ssyncset.done $0x0  }
0xa4: {  	s25 =	simm.s32 $0x1B8E;
	s24 =	sld [smem:$0x3FFE];
	[sflag:s23] =	ssyncadd.s32 $0xFFFFFFFF  }
0xa5: {  	s26 =	simm.s32 $execute0_lowered;
	[smem:$0x3FD2] =	sst s25  }
0xa6: {  	s4 =	sshll.u32 s26, $0x1;
	_ =	strace $0x80000046;
	[dreg:$0x1] =	wrdreg $0xFFFFFFFF  }
0xa7: {  	s28 =	simm.s32 $_size_execute0_lowered;
	s2 =	sadd.s32 s2, s4;
	[dreg:$0x0] =	wrdreg $0x0  }
0xa8: {  	s4 =	sshll.u32 s28, $0x1;
	[dreg:$0x2] =	wrdreg s2  }
0xa9: {  	[dreg:$0x3] =	wrdreg s4  }
0xaa: {  	[dreg:$0x4] =	wrdreg $0xC0  }
0xab: {  	_ =	task [dreg:s6], $0x5FFFF  }
0xac: {  	[dreg:$0x1] =	wrdreg $0xFFFFFFFF  }
0xad: {  	[dreg:$0x0] =	wrdreg $0x60  }
0xae: {  	[dreg:$0x2] =	wrdreg s24  }
0xaf: {  	[dreg:$0x3] =	wrdreg $0x58000  }
0xb0: {  	[dreg:$0x4] =	wrdreg $0x9  }
0xb1: {  	_ =	task.clear_ibuf [dreg:s6], $0x5FFFF;
	_ =	strace $0x90000046  }
0xb2: {  	s29 =	simm.s32 $0x9;
	_ =	strace $0x80000048  }
0xb3: {  	_ =	swait.ge [sflag:s29], $0x1  }
0xb4: {  	[sflag:s29] =	ssyncadd.s32 $0xFFFFFFFF  }
0xb5: {  	_ =	strace $0x90000048  }
0xb6: {  	_ =	sfence  }
0xb7: {  	s30 =	sld [smem:$0x0];
	_ =	sdelay $0x2  }
0xb8: {  	s31 =	sshll.u32 s1, $0xD;
	s1 =	sshrl.u32 s1, $0x2  }
0xb9: {  	s3 =	sand.u32 $0x4000, s31;
	s1 =	sadd.s32 s1, s30  }
0xba: {  	s0 =	sor.u32 s3, s0;
	s1 =	sshll.u32 s1, $0x11  }
0xbb: {  	s0 =	sor.u32 s1, s0  }
0xbc: {  	s0 =	sadd.s32 $0x8F2B, s0  }
0xbd: {  	[sflag:s0] =	ssyncadd.remote.s32 $0x1  }
0xbe: {  	_ =	sfence.sel $0xFFFF  }
0xbf: {  	[dreg:$0x0] =	wrdreg $0xFFFFFFFF;
	(pc) =	sbr.abs _section_cstart, $3  }
0xc0: {  	[dreg:$0x1] =	wrdreg $0xFFFFFFFF  }
0xc1: {  	_ =	task.clear_ibuf [dreg:s6], $0x2FFFF;
	_ =	strace $0x9FFFFFFF  }
0xc2: {  	(tm) =	ssettm $0x7FFFFFFF  }
0xc3: {  	_ =	shalt  }
tec
execute0_lowered:
.L_overlay_start_1:
0x0: {  	(tag) =	ssettag $0x1  }
0x1: {  	s1 =	srdreg.scid  }
0x2: {  	s0 =	stileid.u32;
	s4 =	rddreg [dreg:$0x0]  }
0x3: {  	s2 =	rddreg [dreg:$0x1];
	s3 =	simm.s32 $0x0;
	s6 =	smul.u32 $0x2800, s0  }
0x4: {  	s5 =	sand.u32 $0x1, s1;
	s1 =	rddreg [dreg:$0x2];
	s8 =	smul.u32 $0x4E80, s0  }
0x5: {  	s12 =	simm.s32 $0x2800;
	[smem:$0x7FF] =	sst s3;
	s11 =	smul.u32 $0x9D0, s0  }
0x6: {  	s9 =	sadd.s32 $0x1A00, s4;
	s13 =	sshll.u32 s0, $0x6;
	s7 =	smul.u32 $0x28000, s5  }
0x7: {  	_ =	strace $0x80000047;
	s30 =	ssub.s32 $0x2, s5;
	p0 =	seq.s32 s5, $0x1  }
0x8: {  	s13 =	sor.u32 $0x1C01, s13;
	s10 =	sshrl.u32 s30, $0x1;
	s8 =	sshrl.u32 s8, $0x3  }
.Ltmp0:
0x9: {  	s5 =	sadd.s32 s9, s11;
	s11 =	simm.s32 $0x80;
	(pc) =	sbr.rel .LBB2_1-.Ltmp0, $4  }
0xa: {  	s7 =	sadd.s32 s6, s7;
	s10 =	ssub.s32 s30, s10;
	s31 =	sadd.s32 s9, s8  }
0xb: {  	s9 =	simm.s32 $0x3000;
	s7 =	sshrl.u32 s7, $0x3;
	s8 =	smax.u32 s10, $0x1  }
0xc: {  	s10 =	simm.s32 $0x1;
	s7 =	sadd.s32 s7, s4;
	s4 =	sadd.s32 s6, s2  }
0xd: {  	v0 =	vimm.f32 $1.000000000e+00;
	v1 =	vimm.f32 $0.0e+00;
	s6 =	sadd.s32 $0x500, s31;
	s7 =	sadd.s32 $0x15600, s7;
	s14 =	sshrl.u32 s4, $0x3  }
.LBB2_8:
0xe: {  	[sflag:s10] =	ssyncadd.s32 $0xFFFFF800  }
.LBB2_12:
0xf: {  	s3 =	sadd.s32 $0x1, s3  }
0x10: {  	p1 =	sne.s32 s3, s8  }
.Ltmp1:
0x11: {  	[bflag:$0x0] =	sbarrier.arrive $0xFFFF;
	(pc) =	sbr.rel @!p1 .LBB2_13-.Ltmp1, $4  }
0x12: {  	[hbm:s7], [sflag:s13] =	dma.local [spmem:s14], $0x500  }
0x13: {  	_ =	swait.ge [sflag:s10], $0x500  }
0x14: {  	[sflag:s10] =	ssyncset.done $0x0  }
0x15: {  	[sflag:s10] =	ssyncadd.s32 $0xFFFFFB00  }
.LBB2_1:
0x16: {  	s15 =	simm.s32 $0x0  }
.LBB2_2:
0x17: {  	p1 =	sne.s32 s15, $0x1FC0  }
.Ltmp2:
0x18: {  	_ = 	snop;
	(pc) =	sbr.rel @p1 .LBB2_2-.Ltmp2, $3  }
0x19: {  	_ =	sdelay $0x1  }
0x1a: {  	s16 =	sshra.s32 s15, $0x2  }
0x1b: {  	s15 =	sadd.s32 $0x40, s15;
	[tilespmem:s16+$0x2800] =	vst v0  }
0x1c: {  	s15 =	simm.s32 $0x40;
	s16 =	simm.s32 $0x0  }
.LBB2_4:
0x1d: {  	p1 =	sne.s32 s15, $0x9FC0;
	[tilespmem:s16+$0x3000] =	vst v1;
	s16 =	smov.u32 s15;
	s15 =	sadd.s32 $0x40, s15  }
.Ltmp3:
0x1e: {  	(pc) =	sbr.rel @p1 .LBB2_4-.Ltmp3, $2  }
0x1f: {  	_ =	sdelay $0x2  }
0x20: {  	s16 =	sshra.s32 s16, $0x2  }
.Ltmp4:
0x21: {  	[tilespmem:s16+$0x3000] =	vst v1;
	(pc) =	sbr.rel @!p0 .LBB2_6-.Ltmp4, $4  }
0x22: {  	[spmem:s4] =	stream.linear.scatter [tilespmem:s9], [sflag:$0x1], $0x2800, $0x38;
	[tilespmem:$0x8000] =	vst v63  }
0x23: {  	_ =	swait.ge [sflag:s10], $0x2800  }
0x24: {  	[sflag:s10] =	ssyncset.done $0x0  }
0x25: {  	s15 =	simm.s32 $0x0;
	[sflag:s10] =	ssyncadd.s32 $0xFFFFD800  }
0x26: {  	[tilespmem:s15], [sflag:$0x1] =	stream.linear.gather [hbm4b:s6+s15], $0x2680, $0x38;
	[tilespmem:$0x8000] =	vst v63  }
0x27: {  	_ =	swait.ge [sflag:s10], $0x2680  }
0x28: {  	[sflag:s10] =	ssyncset.done $0x0  }
0x29: {  	[sflag:s10] =	ssyncadd.s32 $0xFFFFD980  }
0x2a: {  	s31 =	simm.s32 $0x0;
	[bflag:$0x0] =	sbarrier.arrive $0xFFFF  }
0x2b: {  	[spmem:s2] =	stream.indirect.scatter.add.f32 [tilespmem:s12], [sflag:$0x1], $0x10, s31, s11, $0xb8;
	[tilespmem:$0x8000] =	vst v63  }
0x2c: {  	_ =	swait.ge [sflag:s10], $0x800  }
0x2d: {  	s15 =	simm.s32 $0x200;
	[sflag:s10] =	ssyncset.done $0x0  }
.LBB2_10:
0x2e: {  	s16 =	sshra.s32 s15, $0x2;
	[sflag:s10] =	ssyncadd.s32 $0xFFFFF800;
	p1 =	sne.s32 s15, $0x9800  }
0x2f: {  	[spmem:s2] =	stream.indirect.scatter.add.f32 [tilespmem:s12], [sflag:$0x1], $0x10, s16, s11, $0xb8;
	[tilespmem:$0x8000] =	vst v63  }
.Ltmp5:
0x30: {  	_ = 	snop;
	(pc) =	sbr.rel @p1 .LBB2_10-.Ltmp5, $4  }
0x31: {  	_ = 	snop  }
0x32: {  	s15 =	sadd.s32 $0x200, s15  }
0x33: {  	_ =	swait.ge [sflag:s10], $0x800  }
0x34: {  	[sflag:s10] =	ssyncset.done $0x0  }
.Ltmp6:
0x35: {  	(pc) =	sbr.rel .LBB2_12-.Ltmp6, $2  }
0x36: {  	_ =	sdelay $0x2  }
0x37: {  	[sflag:s10] =	ssyncadd.s32 $0xFFFFF800  }
.LBB2_6:
0x38: {  	[tilespmem:s15], [sflag:$0x1] =	stream.linear.gather [hbm4b:s5+s15], $0x2800, $0x38;
	[tilespmem:$0x8000] =	vst v63  }
0x39: {  	_ =	swait.ge [sflag:s10], $0x2800  }
0x3a: {  	[sflag:s10] =	ssyncset.done $0x0  }
0x3b: {  	[sflag:s10] =	ssyncadd.s32 $0xFFFFD800  }
0x3c: {  	s31 =	simm.s32 $0x0;
	[bflag:$0x0] =	sbarrier.arrive $0xFFFF  }
0x3d: {  	[spmem:s2] =	stream.indirect.scatter.add.f32 [tilespmem:s12], [sflag:$0x1], $0x10, s31, s11, $0xb8;
	[tilespmem:$0x8000] =	vst v63  }
0x3e: {  	_ =	swait.ge [sflag:s10], $0x800  }
0x3f: {  	s15 =	simm.s32 $0x200;
	[sflag:s10] =	ssyncset.done $0x0  }
.LBB2_7:
0x40: {  	s16 =	sshra.s32 s15, $0x2;
	[sflag:s10] =	ssyncadd.s32 $0xFFFFF800;
	p1 =	seq.s32 s15, $0x9E00  }
0x41: {  	[spmem:s2] =	stream.indirect.scatter.add.f32 [tilespmem:s12], [sflag:$0x1], $0x10, s16, s11, $0xb8;
	[tilespmem:$0x8000] =	vst v63  }
.Ltmp7:
0x42: {  	_ = 	snop;
	(pc) =	sbr.rel @!p1 .LBB2_7-.Ltmp7, $4  }
0x43: {  	_ = 	snop  }
0x44: {  	s15 =	sadd.s32 $0x200, s15  }
0x45: {  	_ =	swait.ge [sflag:s10], $0x800  }
0x46: {  	[sflag:s10] =	ssyncset.done $0x0  }
.Ltmp8:
0x47: {  	_ = 	snop;
	(pc) =	sbr.rel .LBB2_8-.Ltmp8, $1  }
0x48: {  	_ =	sdelay $0x3  }
.LBB2_13:
0x49: {  	_ =	sfence.sel $0x180000  }
0x4a: {  	[bflag:$0x0] =	sbarrier.arrive $0xFFFF  }
0x4b: {  	p0 =	sne.s32 s0, $0x0;
	_ =	strace $0x90000047  }
0x4c: {  	s0 =	sadd.s32 @!p0 $0x100000, s1;
	[bflag:$0x2] =	sbarrier.arrive $0xFFFF  }
0x4d: {  	[sflag:s0] =	ssyncadd.tile.s32 @!p0 $0x1;
	_ =	shalt  }
.Lfunc_end2:
_tile_overlayer_lowered:
.L_overlay_start_2:
0x4e: {  	(tag) =	ssettag $0x2  }
0x4f: {  	s0 =	rddreg [dreg:$0x0];
	s2 =	stileid.u32  }
0x50: {  	s1 =	rddreg [dreg:$0x1];
	p0 =	sne.s32 s2, $0x0  }
0x51: {  	s3 =	rddreg [dreg:$0x2];
	[bflag:$0x3] =	sbarrier.arrive $0xFFFF;
	s2 =	simm.s32 @!p0 $0x1C01  }
0x52: {  	[timem:s3], [sflag:s2] =	dma.local @!p0 [hbm:s0], s1  }
0x53: {  	s0 =	simm.s32 @!p0 $0x1  }
0x54: {  	_ =	swait.ge @!p0 [sflag:s0], s1  }
0x55: {  	s1 =	ssub.s32 @!p0 $0x0, s1;
	[sflag:s0] =	ssyncset.done @!p0 $0x0  }
0x56: {  	[sflag:s0] =	ssyncadd.s32 @!p0 s1  }
0x57: {  	[bflag:$0x3] =	sbarrier.arrive $0xFFFF  }
0x58: {  	_ =	shalt  }

</sc_bundles>
